<compile_context>
chip_gen: v7x
topology: tpu7x:2x2x1
jax: 0.10.2.dev20260603
libtpu: 0.0.44.dev20260713+nightly
codegen_flags: <defaults>
</compile_context>

<pallas_src>
import functools

import jax
import jax.numpy as jnp
from jax import lax
from jax.experimental import pallas as pl
from jax.experimental.pallas import tpu as pltpu
from jax.experimental.pallas import tpu_sc as plsc

_N = 320000
_D = 128

_K_SC = 64000
_NW = 32
_RPW = _K_SC // _NW
_C = 200
_NCH = _RPW // _C
_UNROLL = 8

_BLK = 8000
_TC_BASE = _K_SC // _BLK
_TC_GRID = (_N - _K_SC) // _BLK


def _acc_rows(buf, it, accs):
    new = list(accs)
    r = it * _UNROLL
    for u in range(_UNROLL):
        for j in range(8):
            new[j] = new[j] + buf[r + u, pl.ds(16 * j, 16)]
    return tuple(new)


def _phase(hbm, base, buf0, buf1, sem0, sem1, accvm):
    bufs = (buf0, buf1)
    sems = (sem0, sem1)
    pltpu.make_async_copy(hbm.at[pl.ds(base, _C)], buf0, sem0).start()
    pltpu.make_async_copy(hbm.at[pl.ds(base + _C, _C)], buf1, sem1).start()

    def outer(g, _):
        for b in range(2):
            k = g * 2 + b
            pltpu.make_async_copy(
                hbm.at[pl.ds(base + k * _C, _C)], bufs[b], sems[b]
            ).wait()
            zeros = tuple(jnp.zeros((16,), jnp.float32) for _ in range(8))
            accs = lax.fori_loop(
                0, _C // _UNROLL, functools.partial(_acc_rows, bufs[b]), zeros
            )

            @pl.when(k + 2 < _NCH)
            def _refill():
                pltpu.make_async_copy(
                    hbm.at[pl.ds(base + (k + 2) * _C, _C)], bufs[b], sems[b]
                ).start()

            for j in range(8):
                accvm[pl.ds(16 * j, 16)] = accvm[pl.ds(16 * j, 16)] + accs[j]
        return 0

    lax.fori_loop(0, _NCH // 2, outer, 0)


@functools.partial(
    pl.kernel,
    out_type=jax.ShapeDtypeStruct((_NW, _D), jnp.float32),
    mesh=plsc.VectorSubcoreMesh(core_axis_name="c", subcore_axis_name="s"),
    scratch_types=[
        pltpu.VMEM((_C, _D), jnp.float32),
        pltpu.VMEM((_C, _D), jnp.float32),
        pltpu.VMEM((_D,), jnp.float32),
        pltpu.SemaphoreType.DMA,
        pltpu.SemaphoreType.DMA,
    ],
)
def _sc_sum(a_hbm, b_hbm, out_hbm, buf0, buf1, accvm, sem0, sem1):
    wid = lax.axis_index("s") * 2 + lax.axis_index("c")
    base = wid * _RPW
    zero = jnp.zeros((16,), jnp.float32)
    for j in range(8):
        accvm[pl.ds(16 * j, 16)] = zero
    _phase(a_hbm, base, buf0, buf1, sem0, sem1, accvm)
    _phase(b_hbm, base, buf0, buf1, sem0, sem1, accvm)
    pltpu.sync_copy(accvm, out_hbm.at[wid])


def _tc_body(a_ref, b_ref, out_ref):
    step = pl.program_id(0)
    a = a_ref[...].reshape(_BLK // 8, 8, _D)
    b = b_ref[...].reshape(_BLK // 8, 8, _D)
    partial = jnp.sum(a, axis=0) + jnp.sum(b, axis=0)

    @pl.when(step == 0)
    def _init():
        out_ref[...] = partial

    @pl.when(step != 0)
    def _acc():
        out_ref[...] += partial


def _tc_sum(attrs_0, attrs_1):
    return pl.pallas_call(
        _tc_body,
        grid=(_TC_GRID,),
        in_specs=[
            pl.BlockSpec((_BLK, _D), lambda i: (i + _TC_BASE, 0)),
            pl.BlockSpec((_BLK, _D), lambda i: (i + _TC_BASE, 0)),
        ],
        out_specs=pl.BlockSpec((8, _D), lambda i: (0, 0)),
        out_shape=jax.ShapeDtypeStruct((8, _D), jnp.float32),
    )(attrs_0, attrs_1)


def kernel(attrs_0, attrs_1):
    sc_partials = _sc_sum(attrs_0, attrs_1)
    tc_partials = _tc_sum(attrs_0, attrs_1)
    return jnp.sum(sc_partials, axis=0) + jnp.sum(tc_partials, axis=0)

# --- scband reference (transcript-rebuilt; emitter-appended) ---
"""Pipeline reference for scband-sum-aggregation-61486751809757 (READ-ONLY COPY).

The authoritative reference and input builder live on the scoring server;
editing this copy changes nothing except your own understanding.
"""

import jax, jax.numpy as jnp
import numpy as np


def setup_inputs(seed: int = 0) -> dict:
    key = jax.random.key(seed)
    k0, k1 = jax.random.split(key, 2)
    attrs_0 = jax.random.normal(k0, (320000, 128), dtype=jnp.float32)
    attrs_1 = jax.random.normal(k1, (320000, 128), dtype=jnp.float32)
    return {"attrs_0": attrs_0, "attrs_1": attrs_1}


def reference(attrs_0, attrs_1):
    # SumAggregation.forward: concatenate attribute values along dim 0,
    # then element-wise sum over dim 0 (keepdim=False) -> shape [d_feat].
    attr_vals = jnp.concatenate([attrs_0, attrs_1], axis=0)
    attr_vals_sum = jnp.sum(attr_vals, axis=0, keepdims=False)
    return attr_vals_sum

if __name__ == "__main__":
    import jax
    _d = setup_inputs()
    print(jax.jit(kernel)(*tuple(_d.values())))

</pallas_src>

<mosaic_0001>
#map = affine_map<(d0, d1) -> (0, 0)>
module attributes {stable_mosaic.version = 14 : i64} {
  func.func @_sc_sum(%arg0: i32, %arg1: i32, %arg2: memref<320000x128xf32, #tpu.memory_space<hbm>>, %arg3: memref<320000x128xf32, #tpu.memory_space<hbm>>, %arg4: memref<32x128xf32, #tpu.memory_space<hbm>>, %arg5: memref<200x128xf32, #tpu.memory_space<vmem>>, %arg6: memref<200x128xf32, #tpu.memory_space<vmem>>, %arg7: memref<128xf32, #tpu.memory_space<vmem>>, %arg8: memref<!tpu.dma_semaphore, #tpu.memory_space<semaphore_mem>>, %arg9: memref<!tpu.dma_semaphore, #tpu.memory_space<semaphore_mem>>) attributes {dimension_semantics = [#tpu.dimension_semantics<core_parallel>, #tpu.dimension_semantics<subcore_parallel>], iteration_bounds = array<i64: 2, 16>, scalar_prefetch = 0 : i64, scratch_operands = 5 : i64, tpu.core_type = #tpu.core_type<sc_vector_subcore>, window_params = [{transform_indices = #map}, {transform_indices = #map}, {transform_indices = #map}]} {
    %mul3A = arith.constant 2 : i32
    %mul3A_0 = arith.muli %arg1, %mul3A : i32
    %add3A = arith.addi %mul3A_0, %arg0 : i32
    %mul3A_1 = arith.constant 2000 : i32
    %mul3A_2 = arith.muli %add3A, %mul3A_1 : i32
    %broadcast_in_dim3A = arith.constant 0.000000e+00 : f32
    %broadcast_in_dim3A_3 = vector.broadcast %broadcast_in_dim3A : f32 to vector<16xf32>
    %swap3A = arith.constant 0 : index
    %swap3A_4 = tpu.vector_load %arg7[%swap3A] {strides = array<i32>} : memref<128xf32, #tpu.memory_space<vmem>>, vector<16xf32>,
    %swap3A_5 = vector.shape_cast %swap3A_4 : vector<16xf32> to vector<16xf32>
    %swap3A_6 = vector.shape_cast %broadcast_in_dim3A_3 : vector<16xf32> to vector<16xf32>
    tpu.vector_store %arg7[%swap3A], %swap3A_6 {strides = array<i32>} : memref<128xf32, #tpu.memory_space<vmem>>, vector<16xf32>,
    %swap3A_7 = arith.constant 16 : index
    %swap3A_8 = tpu.vector_load %arg7[%swap3A_7] {strides = array<i32>} : memref<128xf32, #tpu.memory_space<vmem>>, vector<16xf32>,
    %swap3A_9 = vector.shape_cast %swap3A_8 : vector<16xf32> to vector<16xf32>
    %swap3A_10 = vector.shape_cast %broadcast_in_dim3A_3 : vector<16xf32> to vector<16xf32>
    tpu.vector_store %arg7[%swap3A_7], %swap3A_10 {strides = array<i32>} : memref<128xf32, #tpu.memory_space<vmem>>, vector<16xf32>,
    %swap3A_11 = arith.constant 32 : index
    %swap3A_12 = tpu.vector_load %arg7[%swap3A_11] {strides = array<i32>} : memref<128xf32, #tpu.memory_space<vmem>>, vector<16xf32>,
    %swap3A_13 = vector.shape_cast %swap3A_12 : vector<16xf32> to vector<16xf32>
    %swap3A_14 = vector.shape_cast %broadcast_in_dim3A_3 : vector<16xf32> to vector<16xf32>
    tpu.vector_store %arg7[%swap3A_11], %swap3A_14 {strides = array<i32>} : memref<128xf32, #tpu.memory_space<vmem>>, vector<16xf32>,
    %swap3A_15 = arith.constant 48 : index
    %swap3A_16 = tpu.vector_load %arg7[%swap3A_15] {strides = array<i32>} : memref<128xf32, #tpu.memory_space<vmem>>, vector<16xf32>,
    %swap3A_17 = vector.shape_cast %swap3A_16 : vector<16xf32> to vector<16xf32>
    %swap3A_18 = vector.shape_cast %broadcast_in_dim3A_3 : vector<16xf32> to vector<16xf32>
    tpu.vector_store %arg7[%swap3A_15], %swap3A_18 {strides = array<i32>} : memref<128xf32, #tpu.memory_space<vmem>>, vector<16xf32>,
    %swap3A_19 = arith.constant 64 : index
    %swap3A_20 = tpu.vector_load %arg7[%swap3A_19] {strides = array<i32>} : memref<128xf32, #tpu.memory_space<vmem>>, vector<16xf32>,
    %swap3A_21 = vector.shape_cast %swap3A_20 : vector<16xf32> to vector<16xf32>
    %swap3A_22 = vector.shape_cast %broadcast_in_dim3A_3 : vector<16xf32> to vector<16xf32>
    tpu.vector_store %arg7[%swap3A_19], %swap3A_22 {strides = array<i32>} : memref<128xf32, #tpu.memory_space<vmem>>, vector<16xf32>,
    %swap3A_23 = arith.constant 80 : index
    %swap3A_24 = tpu.vector_load %arg7[%swap3A_23] {strides = array<i32>} : memref<128xf32, #tpu.memory_space<vmem>>, vector<16xf32>,
    %swap3A_25 = vector.shape_cast %swap3A_24 : vector<16xf32> to vector<16xf32>
    %swap3A_26 = vector.shape_cast %broadcast_in_dim3A_3 : vector<16xf32> to vector<16xf32>
    tpu.vector_store %arg7[%swap3A_23], %swap3A_26 {strides = array<i32>} : memref<128xf32, #tpu.memory_space<vmem>>, vector<16xf32>,
    %swap3A_27 = arith.constant 96 : index
    %swap3A_28 = tpu.vector_load %arg7[%swap3A_27] {strides = array<i32>} : memref<128xf32, #tpu.memory_space<vmem>>, vector<16xf32>,
    %swap3A_29 = vector.shape_cast %swap3A_28 : vector<16xf32> to vector<16xf32>
    %swap3A_30 = vector.shape_cast %broadcast_in_dim3A_3 : vector<16xf32> to vector<16xf32>
    tpu.vector_store %arg7[%swap3A_27], %swap3A_30 {strides = array<i32>} : memref<128xf32, #tpu.memory_space<vmem>>, vector<16xf32>,
    %swap3A_31 = arith.constant 112 : index
    %swap3A_32 = tpu.vector_load %arg7[%swap3A_31] {strides = array<i32>} : memref<128xf32, #tpu.memory_space<vmem>>, vector<16xf32>,
    %swap3A_33 = vector.shape_cast %swap3A_32 : vector<16xf32> to vector<16xf32>
    %swap3A_34 = vector.shape_cast %broadcast_in_dim3A_3 : vector<16xf32> to vector<16xf32>
    tpu.vector_store %arg7[%swap3A_31], %swap3A_34 {strides = array<i32>} : memref<128xf32, #tpu.memory_space<vmem>>, vector<16xf32>,
    %dma_start3A = arith.constant 0 : i32
    %dma_start3A_35 = tpu.memref_slice %arg2[%mul3A_2, %dma_start3A] : memref<320000x128xf32, #tpu.memory_space<hbm>> -> memref<200x128xf32, #tpu.memory_space<hbm>>
    %dma_start3A_36 = arith.constant 0 : i32
    %dma_start3A_37 = tpu.memref_slice %arg2[%mul3A_2, %dma_start3A_36] : memref<320000x128xf32, #tpu.memory_space<hbm>> -> memref<200x128xf32, #tpu.memory_space<hbm>>
    tpu.enqueue_dma source(%dma_start3A_37 : memref<200x128xf32, #tpu.memory_space<hbm>>) target(%arg5 : memref<200x128xf32, #tpu.memory_space<vmem>>) target_semaphore(%arg8 : memref<!tpu.dma_semaphore, #tpu.memory_space<semaphore_mem>>)
    %add3A_38 = arith.constant 200 : i32
    %add3A_39 = arith.addi %mul3A_2, %add3A_38 : i32
    %dma_start3A_40 = arith.constant 0 : i32
    %dma_start3A_41 = tpu.memref_slice %arg2[%add3A_39, %dma_start3A_40] : memref<320000x128xf32, #tpu.memory_space<hbm>> -> memref<200x128xf32, #tpu.memory_space<hbm>>
    %dma_start3A_42 = arith.constant 0 : i32
    %dma_start3A_43 = tpu.memref_slice %arg2[%add3A_39, %dma_start3A_42] : memref<320000x128xf32, #tpu.memory_space<hbm>> -> memref<200x128xf32, #tpu.memory_space<hbm>>
    tpu.enqueue_dma source(%dma_start3A_43 : memref<200x128xf32, #tpu.memory_space<hbm>>) target(%arg6 : memref<200x128xf32, #tpu.memory_space<vmem>>) target_semaphore(%arg9 : memref<!tpu.dma_semaphore, #tpu.memory_space<semaphore_mem>>)
    %scan3A = arith.constant 0 : i32
    %scan3A_44 = arith.constant 0 : i32
    %scan3A_45 = arith.constant 5 : i32
    %scan3A_46 = arith.addi %scan3A_44, %scan3A_45 : i32
    %scan3A_47 = arith.constant 1 : i32
    %scan3A_48 = scf.for %scan3A_67 = %scan3A_44 to %scan3A_46 step %scan3A_47 iter_args(%scan3A_68 = %scan3A) -> (i32)  : i32 {
      %mul3A_69 = arith.constant 2 : i32
      %mul3A_70 = arith.muli %scan3A_67, %mul3A_69 : i32
      %add3A_71 = arith.constant 0 : i32
      %add3A_72 = arith.addi %mul3A_70, %add3A_71 : i32
      %mul3A_73 = arith.constant 200 : i32
      %mul3A_74 = arith.muli %add3A_72, %mul3A_73 : i32
      %add3A_75 = arith.addi %mul3A_2, %mul3A_74 : i32
      %dma_wait3A = arith.constant 0 : i32
      %dma_wait3A_76 = tpu.memref_slice %arg2[%add3A_75, %dma_wait3A] : memref<320000x128xf32, #tpu.memory_space<hbm>> -> memref<200x128xf32, #tpu.memory_space<hbm>>
      %dma_wait3A_77 = arith.constant 0 : i32
      %dma_wait3A_78 = tpu.memref_slice %arg2[%add3A_75, %dma_wait3A_77] : memref<320000x128xf32, #tpu.memory_space<hbm>> -> memref<200x128xf32, #tpu.memory_space<hbm>>
      tpu.wait_dma2 semaphore(%arg8 : memref<!tpu.dma_semaphore, #tpu.memory_space<semaphore_mem>>) src(%dma_wait3A_78 : memref<200x128xf32, #tpu.memory_space<hbm>>) dst(%arg5 : memref<200x128xf32, #tpu.memory_space<vmem>>)
      %broadcast_in_dim3A_79 = arith.constant 0.000000e+00 : f32
      %broadcast_in_dim3A_80 = vector.broadcast %broadcast_in_dim3A_79 : f32 to vector<16xf32>
      %broadcast_in_dim3A_81 = arith.constant 0.000000e+00 : f32
      %broadcast_in_dim3A_82 = vector.broadcast %broadcast_in_dim3A_81 : f32 to vector<16xf32>
      %broadcast_in_dim3A_83 = arith.constant 0.000000e+00 : f32
      %broadcast_in_dim3A_84 = vector.broadcast %broadcast_in_dim3A_83 : f32 to vector<16xf32>
      %broadcast_in_dim3A_85 = arith.constant 0.000000e+00 : f32
      %broadcast_in_dim3A_86 = vector.broadcast %broadcast_in_dim3A_85 : f32 to vector<16xf32>
      %broadcast_in_dim3A_87 = arith.constant 0.000000e+00 : f32
      %broadcast_in_dim3A_88 = vector.broadcast %broadcast_in_dim3A_87 : f32 to vector<16xf32>
      %broadcast_in_dim3A_89 = arith.constant 0.000000e+00 : f32
      %broadcast_in_dim3A_90 = vector.broadcast %broadcast_in_dim3A_89 : f32 to vector<16xf32>
      %broadcast_in_dim3A_91 = arith.constant 0.000000e+00 : f32
      %broadcast_in_dim3A_92 = vector.broadcast %broadcast_in_dim3A_91 : f32 to vector<16xf32>
      %broadcast_in_dim3A_93 = arith.constant 0.000000e+00 : f32
      %broadcast_in_dim3A_94 = vector.broadcast %broadcast_in_dim3A_93 : f32 to vector<16xf32>
      %scan3A_95 = arith.constant 0 : i32
      %scan3A_96 = arith.constant 25 : i32
      %scan3A_97 = arith.addi %scan3A_95, %scan3A_96 : i32
      %scan3A_98 = arith.constant 1 : i32
      %scan3A_99:8 = scf.for %scan3A_273 = %scan3A_95 to %scan3A_97 step %scan3A_98 iter_args(%scan3A_274 = %broadcast_in_dim3A_80, %scan3A_275 = %broadcast_in_dim3A_82, %scan3A_276 = %broadcast_in_dim3A_84, %scan3A_277 = %broadcast_in_dim3A_86, %scan3A_278 = %broadcast_in_dim3A_88, %scan3A_279 = %broadcast_in_dim3A_90, %scan3A_280 = %broadcast_in_dim3A_92, %scan3A_281 = %broadcast_in_dim3A_94) -> (vector<16xf32>, vector<16xf32>, vector<16xf32>, vector<16xf32>, vector<16xf32>, vector<16xf32>, vector<16xf32>, vector<16xf32>)  : i32 {
        %mul3A_282 = arith.constant 8 : i32
        %mul3A_283 = arith.muli %scan3A_273, %mul3A_282 : i32
        %add3A_284 = arith.constant 0 : i32
        %add3A_285 = arith.addi %mul3A_283, %add3A_284 : i32
        %get3A_286 = arith.index_cast %add3A_285 : i32 to index
        %get3A_287 = arith.constant 0 : index
        %get3A_288 = tpu.vector_load %arg5[%get3A_286, %get3A_287] {strides = array<i32>} : memref<200x128xf32, #tpu.memory_space<vmem>>, vector<1x16xf32>,
        %get3A_289 = vector.shape_cast %get3A_288 : vector<1x16xf32> to vector<16xf32>
        %add3A_290 = arith.addf %scan3A_274, %get3A_289 : vector<16xf32>
        %add3A_291 = arith.constant 0 : i32
        %add3A_292 = arith.addi %mul3A_283, %add3A_291 : i32
        %get3A_293 = arith.index_cast %add3A_292 : i32 to index
        %get3A_294 = arith.constant 16 : index
        %get3A_295 = tpu.vector_load %arg5[%get3A_293, %get3A_294] {strides = array<i32>} : memref<200x128xf32, #tpu.memory_space<vmem>>, vector<1x16xf32>,
        %get3A_296 = vector.shape_cast %get3A_295 : vector<1x16xf32> to vector<16xf32>
        %add3A_297 = arith.addf %scan3A_275, %get3A_296 : vector<16xf32>
        %add3A_298 = arith.constant 0 : i32
        %add3A_299 = arith.addi %mul3A_283, %add3A_298 : i32
        %get3A_300 = arith.index_cast %add3A_299 : i32 to index
        %get3A_301 = arith.constant 32 : index
        %get3A_302 = tpu.vector_load %arg5[%get3A_300, %get3A_301] {strides = array<i32>} : memref<200x128xf32, #tpu.memory_space<vmem>>, vector<1x16xf32>,
        %get3A_303 = vector.shape_cast %get3A_302 : vector<1x16xf32> to vector<16xf32>
        %add3A_304 = arith.addf %scan3A_276, %get3A_303 : vector<16xf32>
        %add3A_305 = arith.constant 0 : i32
        %add3A_306 = arith.addi %mul3A_283, %add3A_305 : i32
        %get3A_307 = arith.index_cast %add3A_306 : i32 to index
        %get3A_308 = arith.constant 48 : index
        %get3A_309 = tpu.vector_load %arg5[%get3A_307, %get3A_308] {strides = array<i32>} : memref<200x128xf32, #tpu.memory_space<vmem>>, vector<1x16xf32>,
        %get3A_310 = vector.shape_cast %get3A_309 : vector<1x16xf32> to vector<16xf32>
        %add3A_311 = arith.addf %scan3A_277, %get3A_310 : vector<16xf32>
        %add3A_312 = arith.constant 0 : i32
        %add3A_313 = arith.addi %mul3A_283, %add3A_312 : i32
        %get3A_314 = arith.index_cast %add3A_313 : i32 to index
        %get3A_315 = arith.constant 64 : index
        %get3A_316 = tpu.vector_load %arg5[%get3A_314, %get3A_315] {strides = array<i32>} : memref<200x128xf32, #tpu.memory_space<vmem>>, vector<1x16xf32>,
        %get3A_317 = vector.shape_cast %get3A_316 : vector<1x16xf32> to vector<16xf32>
        %add3A_318 = arith.addf %scan3A_278, %get3A_317 : vector<16xf32>
        %add3A_319 = arith.constant 0 : i32
        %add3A_320 = arith.addi %mul3A_283, %add3A_319 : i32
        %get3A_321 = arith.index_cast %add3A_320 : i32 to index
        %get3A_322 = arith.constant 80 : index
        %get3A_323 = tpu.vector_load %arg5[%get3A_321, %get3A_322] {strides = array<i32>} : memref<200x128xf32, #tpu.memory_space<vmem>>, vector<1x16xf32>,
        %get3A_324 = vector.shape_cast %get3A_323 : vector<1x16xf32> to vector<16xf32>
        %add3A_325 = arith.addf %scan3A_279, %get3A_324 : vector<16xf32>
        %add3A_326 = arith.constant 0 : i32
        %add3A_327 = arith.addi %mul3A_283, %add3A_326 : i32
        %get3A_328 = arith.index_cast %add3A_327 : i32 to index
        %get3A_329 = arith.constant 96 : index
        %get3A_330 = tpu.vector_load %arg5[%get3A_328, %get3A_329] {strides = array<i32>} : memref<200x128xf32, #tpu.memory_space<vmem>>, vector<1x16xf32>,
        %get3A_331 = vector.shape_cast %get3A_330 : vector<1x16xf32> to vector<16xf32>
        %add3A_332 = arith.addf %scan3A_280, %get3A_331 : vector<16xf32>
        %add3A_333 = arith.constant 0 : i32
        %add3A_334 = arith.addi %mul3A_283, %add3A_333 : i32
        %get3A_335 = arith.index_cast %add3A_334 : i32 to index
        %get3A_336 = arith.constant 112 : index
        %get3A_337 = tpu.vector_load %arg5[%get3A_335, %get3A_336] {strides = array<i32>} : memref<200x128xf32, #tpu.memory_space<vmem>>, vector<1x16xf32>,
        %get3A_338 = vector.shape_cast %get3A_337 : vector<1x16xf32> to vector<16xf32>
        %add3A_339 = arith.addf %scan3A_281, %get3A_338 : vector<16xf32>
        %add3A_340 = arith.constant 1 : i32
        %add3A_341 = arith.addi %mul3A_283, %add3A_340 : i32
        %get3A_342 = arith.index_cast %add3A_341 : i32 to index
        %get3A_343 = arith.constant 0 : index
        %get3A_344 = tpu.vector_load %arg5[%get3A_342, %get3A_343] {strides = array<i32>} : memref<200x128xf32, #tpu.memory_space<vmem>>, vector<1x16xf32>,
        %get3A_345 = vector.shape_cast %get3A_344 : vector<1x16xf32> to vector<16xf32>
        %add3A_346 = arith.addf %add3A_290, %get3A_345 : vector<16xf32>
        %add3A_347 = arith.constant 1 : i32
        %add3A_348 = arith.addi %mul3A_283, %add3A_347 : i32
        %get3A_349 = arith.index_cast %add3A_348 : i32 to index
        %get3A_350 = arith.constant 16 : index
        %get3A_351 = tpu.vector_load %arg5[%get3A_349, %get3A_350] {strides = array<i32>} : memref<200x128xf32, #tpu.memory_space<vmem>>, vector<1x16xf32>,
        %get3A_352 = vector.shape_cast %get3A_351 : vector<1x16xf32> to vector<16xf32>
        %add3A_353 = arith.addf %add3A_297, %get3A_352 : vector<16xf32>
        %add3A_354 = arith.constant 1 : i32
        %add3A_355 = arith.addi %mul3A_283, %add3A_354 : i32
        %get3A_356 = arith.index_cast %add3A_355 : i32 to index
        %get3A_357 = arith.constant 32 : index
        %get3A_358 = tpu.vector_load %arg5[%get3A_356, %get3A_357] {strides = array<i32>} : memref<200x128xf32, #tpu.memory_space<vmem>>, vector<1x16xf32>,
        %get3A_359 = vector.shape_cast %get3A_358 : vector<1x16xf32> to vector<16xf32>
        %add3A_360 = arith.addf %add3A_304, %get3A_359 : vector<16xf32>
        %add3A_361 = arith.constant 1 : i32
        %add3A_362 = arith.addi %mul3A_283, %add3A_361 : i32
        %get3A_363 = arith.index_cast %add3A_362 : i32 to index
        %get3A_364 = arith.constant 48 : index
        %get3A_365 = tpu.vector_load %arg5[%get3A_363, %get3A_364] {strides = array<i32>} : memref<200x128xf32, #tpu.memory_space<vmem>>, vector<1x16xf32>,
        %get3A_366 = vector.shape_cast %get3A_365 : vector<1x16xf32> to vector<16xf32>
        %add3A_367 = arith.addf %add3A_311, %get3A_366 : vector<16xf32>
        %add3A_368 = arith.constant 1 : i32
        %add3A_369 = arith.addi %mul3A_283, %add3A_368 : i32
        %get3A_370 = arith.index_cast %add3A_369 : i32 to index
        %get3A_371 = arith.constant 64 : index
        %get3A_372 = tpu.vector_load %arg5[%get3A_370, %get3A_371] {strides = array<i32>} : memref<200x128xf32, #tpu.memory_space<vmem>>, vector<1x16xf32>,
        %get3A_373 = vector.shape_cast %get3A_372 : vector<1x16xf32> to vector<16xf32>
        %add3A_374 = arith.addf %add3A_318, %get3A_373 : vector<16xf32>
        %add3A_375 = arith.constant 1 : i32
        %add3A_376 = arith.addi %mul3A_283, %add3A_375 : i32
        %get3A_377 = arith.index_cast %add3A_376 : i32 to index
        %get3A_378 = arith.constant 80 : index
        %get3A_379 = tpu.vector_load %arg5[%get3A_377, %get3A_378] {strides = array<i32>} : memref<200x128xf32, #tpu.memory_space<vmem>>, vector<1x16xf32>,
        %get3A_380 = vector.shape_cast %get3A_379 : vector<1x16xf32> to vector<16xf32>
        %add3A_381 = arith.addf %add3A_325, %get3A_380 : vector<16xf32>
        %add3A_382 = arith.constant 1 : i32
        %add3A_383 = arith.addi %mul3A_283, %add3A_382 : i32
        %get3A_384 = arith.index_cast %add3A_383 : i32 to index
        %get3A_385 = arith.constant 96 : index
        %get3A_386 = tpu.vector_load %arg5[%get3A_384, %get3A_385] {strides = array<i32>} : memref<200x128xf32, #tpu.memory_space<vmem>>, vector<1x16xf32>,
        %get3A_387 = vector.shape_cast %get3A_386 : vector<1x16xf32> to vector<16xf32>
        %add3A_388 = arith.addf %add3A_332, %get3A_387 : vector<16xf32>
        %add3A_389 = arith.constant 1 : i32
        %add3A_390 = arith.addi %mul3A_283, %add3A_389 : i32
        %get3A_391 = arith.index_cast %add3A_390 : i32 to index
        %get3A_392 = arith.constant 112 : index
        %get3A_393 = tpu.vector_load %arg5[%get3A_391, %get3A_392] {strides = array<i32>} : memref<200x128xf32, #tpu.memory_space<vmem>>, vector<1x16xf32>,
        %get3A_394 = vector.shape_cast %get3A_393 : vector<1x16xf32> to vector<16xf32>
        %add3A_395 = arith.addf %add3A_339, %get3A_394 : vector<16xf32>
        %add3A_396 = arith.constant 2 : i32
        %add3A_397 = arith.addi %mul3A_283, %add3A_396 : i32
        %get3A_398 = arith.index_cast %add3A_397 : i32 to index
        %get3A_399 = arith.constant 0 : index
        %get3A_400 = tpu.vector_load %arg5[%get3A_398, %get3A_399] {strides = array<i32>} : memref<200x128xf32, #tpu.memory_space<vmem>>, vector<1x16xf32>,
        %get3A_401 = vector.shape_cast %get3A_400 : vector<1x16xf32> to vector<16xf32>
        %add3A_402 = arith.addf %add3A_346, %get3A_401 : vector<16xf32>
        %add3A_403 = arith.constant 2 : i32
        %add3A_404 = arith.addi %mul3A_283, %add3A_403 : i32
        %get3A_405 = arith.index_cast %add3A_404 : i32 to index
        %get3A_406 = arith.constant 16 : index
        %get3A_407 = tpu.vector_load %arg5[%get3A_405, %get3A_406] {strides = array<i32>} : memref<200x128xf32, #tpu.memory_space<vmem>>, vector<1x16xf32>,
        %get3A_408 = vector.shape_cast %get3A_407 : vector<1x16xf32> to vector<16xf32>
        %add3A_409 = arith.addf %add3A_353, %get3A_408 : vector<16xf32>
        %add3A_410 = arith.constant 2 : i32
        %add3A_411 = arith.addi %mul3A_283, %add3A_410 : i32
        %get3A_412 = arith.index_cast %add3A_411 : i32 to index
        %get3A_413 = arith.constant 32 : index
        %get3A_414 = tpu.vector_load %arg5[%get3A_412, %get3A_413] {strides = array<i32>} : memref<200x128xf32, #tpu.memory_space<vmem>>, vector<1x16xf32>,
        %get3A_415 = vector.shape_cast %get3A_414 : vector<1x16xf32> to vector<16xf32>
        %add3A_416 = arith.addf %add3A_360, %get3A_415 : vector<16xf32>
        %add3A_417 = arith.constant 2 : i32
        %add3A_418 = arith.addi %mul3A_283, %add3A_417 : i32
        %get3A_419 = arith.index_cast %add3A_418 : i32 to index
        %get3A_420 = arith.constant 48 : index
        %get3A_421 = tpu.vector_load %arg5[%get3A_419, %get3A_420] {strides = array<i32>} : memref<200x128xf32, #tpu.memory_space<vmem>>, vector<1x16xf32>,
        %get3A_422 = vector.shape_cast %get3A_421 : vector<1x16xf32> to vector<16xf32>
        %add3A_423 = arith.addf %add3A_367, %get3A_422 : vector<16xf32>
        %add3A_424 = arith.constant 2 : i32
        %add3A_425 = arith.addi %mul3A_283, %add3A_424 : i32
        %get3A_426 = arith.index_cast %add3A_425 : i32 to index
        %get3A_427 = arith.constant 64 : index
        %get3A_428 = tpu.vector_load %arg5[%get3A_426, %get3A_427] {strides = array<i32>} : memref<200x128xf32, #tpu.memory_space<vmem>>, vector<1x16xf32>,
        %get3A_429 = vector.shape_cast %get3A_428 : vector<1x16xf32> to vector<16xf32>
        %add3A_430 = arith.addf %add3A_374, %get3A_429 : vector<16xf32>
        %add3A_431 = arith.constant 2 : i32
        %add3A_432 = arith.addi %mul3A_283, %add3A_431 : i32
        %get3A_433 = arith.index_cast %add3A_432 : i32 to index
        %get3A_434 = arith.constant 80 : index
        %get3A_435 = tpu.vector_load %arg5[%get3A_433, %get3A_434] {strides = array<i32>} : memref<200x128xf32, #tpu.memory_space<vmem>>, vector<1x16xf32>,
        %get3A_436 = vector.shape_cast %get3A_435 : vector<1x16xf32> to vector<16xf32>
        %add3A_437 = arith.addf %add3A_381, %get3A_436 : vector<16xf32>
        %add3A_438 = arith.constant 2 : i32
        %add3A_439 = arith.addi %mul3A_283, %add3A_438 : i32
        %get3A_440 = arith.index_cast %add3A_439 : i32 to index
        %get3A_441 = arith.constant 96 : index
        %get3A_442 = tpu.vector_load %arg5[%get3A_440, %get3A_441] {strides = array<i32>} : memref<200x128xf32, #tpu.memory_space<vmem>>, vector<1x16xf32>,
        %get3A_443 = vector.shape_cast %get3A_442 : vector<1x16xf32> to vector<16xf32>
        %add3A_444 = arith.addf %add3A_388, %get3A_443 : vector<16xf32>
        %add3A_445 = arith.constant 2 : i32
        %add3A_446 = arith.addi %mul3A_283, %add3A_445 : i32
        %get3A_447 = arith.index_cast %add3A_446 : i32 to index
        %get3A_448 = arith.constant 112 : index
        %get3A_449 = tpu.vector_load %arg5[%get3A_447, %get3A_448] {strides = array<i32>} : memref<200x128xf32, #tpu.memory_space<vmem>>, vector<1x16xf32>,
        %get3A_450 = vector.shape_cast %get3A_449 : vector<1x16xf32> to vector<16xf32>
        %add3A_451 = arith.addf %add3A_395, %get3A_450 : vector<16xf32>
        %add3A_452 = arith.constant 3 : i32
        %add3A_453 = arith.addi %mul3A_283, %add3A_452 : i32
        %get3A_454 = arith.index_cast %add3A_453 : i32 to index
        %get3A_455 = arith.constant 0 : index
        %get3A_456 = tpu.vector_load %arg5[%get3A_454, %get3A_455] {strides = array<i32>} : memref<200x128xf32, #tpu.memory_space<vmem>>, vector<1x16xf32>,
        %get3A_457 = vector.shape_cast %get3A_456 : vector<1x16xf32> to vector<16xf32>
        %add3A_458 = arith.addf %add3A_402, %get3A_457 : vector<16xf32>
        %add3A_459 = arith.constant 3 : i32
        %add3A_460 = arith.addi %mul3A_283, %add3A_459 : i32
        %get3A_461 = arith.index_cast %add3A_460 : i32 to index
        %get3A_462 = arith.constant 16 : index
        %get3A_463 = tpu.vector_load %arg5[%get3A_461, %get3A_462] {strides = array<i32>} : memref<200x128xf32, #tpu.memory_space<vmem>>, vector<1x16xf32>,
        %get3A_464 = vector.shape_cast %get3A_463 : vector<1x16xf32> to vector<16xf32>
        %add3A_465 = arith.addf %add3A_409, %get3A_464 : vector<16xf32>
        %add3A_466 = arith.constant 3 : i32
        %add3A_467 = arith.addi %mul3A_283, %add3A_466 : i32
        %get3A_468 = arith.index_cast %add3A_467 : i32 to index
        %get3A_469 = arith.constant 32 : index
        %get3A_470 = tpu.vector_load %arg5[%get3A_468, %get3A_469] {strides = array<i32>} : memref<200x128xf32, #tpu.memory_space<vmem>>, vector<1x16xf32>,
        %get3A_471 = vector.shape_cast %get3A_470 : vector<1x16xf32> to vector<16xf32>
        %add3A_472 = arith.addf %add3A_416, %get3A_471 : vector<16xf32>
        %add3A_473 = arith.constant 3 : i32
        %add3A_474 = arith.addi %mul3A_283, %add3A_473 : i32
        %get3A_475 = arith.index_cast %add3A_474 : i32 to index
        %get3A_476 = arith.constant 48 : index
        %get3A_477 = tpu.vector_load %arg5[%get3A_475, %get3A_476] {strides = array<i32>} : memref<200x128xf32, #tpu.memory_space<vmem>>, vector<1x16xf32>,
        %get3A_478 = vector.shape_cast %get3A_477 : vector<1x16xf32> to vector<16xf32>
        %add3A_479 = arith.addf %add3A_423, %get3A_478 : vector<16xf32>
        %add3A_480 = arith.constant 3 : i32
        %add3A_481 = arith.addi %mul3A_283, %add3A_480 : i32
        %get3A_482 = arith.index_cast %add3A_481 : i32 to index
        %get3A_483 = arith.constant 64 : index
        %get3A_484 = tpu.vector_load %arg5[%get3A_482, %get3A_483] {strides = array<i32>} : memref<200x128xf32, #tpu.memory_space<vmem>>, vector<1x16xf32>,
        %get3A_485 = vector.shape_cast %get3A_484 : vector<1x16xf32> to vector<16xf32>
        %add3A_486 = arith.addf %add3A_430, %get3A_485 : vector<16xf32>
        %add3A_487 = arith.constant 3 : i32
        %add3A_488 = arith.addi %mul3A_283, %add3A_487 : i32
        %get3A_489 = arith.index_cast %add3A_488 : i32 to index
        %get3A_490 = arith.constant 80 : index
        %get3A_491 = tpu.vector_load %arg5[%get3A_489, %get3A_490] {strides = array<i32>} : memref<200x128xf32, #tpu.memory_space<vmem>>, vector<1x16xf32>,
        %get3A_492 = vector.shape_cast %get3A_491 : vector<1x16xf32> to vector<16xf32>
        %add3A_493 = arith.addf %add3A_437, %get3A_492 : vector<16xf32>
        %add3A_494 = arith.constant 3 : i32
        %add3A_495 = arith.addi %mul3A_283, %add3A_494 : i32
        %get3A_496 = arith.index_cast %add3A_495 : i32 to index
        %get3A_497 = arith.constant 96 : index
        %get3A_498 = tpu.vector_load %arg5[%get3A_496, %get3A_497] {strides = array<i32>} : memref<200x128xf32, #tpu.memory_space<vmem>>, vector<1x16xf32>,
        %get3A_499 = vector.shape_cast %get3A_498 : vector<1x16xf32> to vector<16xf32>
        %add3A_500 = arith.addf %add3A_444, %get3A_499 : vector<16xf32>
        %add3A_501 = arith.constant 3 : i32
        %add3A_502 = arith.addi %mul3A_283, %add3A_501 : i32
        %get3A_503 = arith.index_cast %add3A_502 : i32 to index
        %get3A_504 = arith.constant 112 : index
        %get3A_505 = tpu.vector_load %arg5[%get3A_503, %get3A_504] {strides = array<i32>} : memref<200x128xf32, #tpu.memory_space<vmem>>, vector<1x16xf32>,
        %get3A_506 = vector.shape_cast %get3A_505 : vector<1x16xf32> to vector<16xf32>
        %add3A_507 = arith.addf %add3A_451, %get3A_506 : vector<16xf32>
        %add3A_508 = arith.constant 4 : i32
        %add3A_509 = arith.addi %mul3A_283, %add3A_508 : i32
        %get3A_510 = arith.index_cast %add3A_509 : i32 to index
        %get3A_511 = arith.constant 0 : index
        %get3A_512 = tpu.vector_load %arg5[%get3A_510, %get3A_511] {strides = array<i32>} : memref<200x128xf32, #tpu.memory_space<vmem>>, vector<1x16xf32>,
        %get3A_513 = vector.shape_cast %get3A_512 : vector<1x16xf32> to vector<16xf32>
        %add3A_514 = arith.addf %add3A_458, %get3A_513 : vector<16xf32>
        %add3A_515 = arith.constant 4 : i32
        %add3A_516 = arith.addi %mul3A_283, %add3A_515 : i32
        %get3A_517 = arith.index_cast %add3A_516 : i32 to index
        %get3A_518 = arith.constant 16 : index
        %get3A_519 = tpu.vector_load %arg5[%get3A_517, %get3A_518] {strides = array<i32>} : memref<200x128xf32, #tpu.memory_space<vmem>>, vector<1x16xf32>,
        %get3A_520 = vector.shape_cast %get3A_519 : vector<1x16xf32> to vector<16xf32>
        %add3A_521 = arith.addf %add3A_465, %get3A_520 : vector<16xf32>
        %add3A_522 = arith.constant 4 : i32
        %add3A_523 = arith.addi %mul3A_283, %add3A_522 : i32
        %get3A_524 = arith.index_cast %add3A_523 : i32 to index
        %get3A_525 = arith.constant 32 : index
        %get3A_526 = tpu.vector_load %arg5[%get3A_524, %get3A_525] {strides = array<i32>} : memref<200x128xf32, #tpu.memory_space<vmem>>, vector<1x16xf32>,
        %get3A_527 = vector.shape_cast %get3A_526 : vector<1x16xf32> to vector<16xf32>
        %add3A_528 = arith.addf %add3A_472, %get3A_527 : vector<16xf32>
        %add3A_529 = arith.constant 4 : i32
        %add3A_530 = arith.addi %mul3A_283, %add3A_529 : i32
        %get3A_531 = arith.index_cast %add3A_530 : i32 to index
        %get3A_532 = arith.constant 48 : index
        %get3A_533 = tpu.vector_load %arg5[%get3A_531, %get3A_532] {strides = array<i32>} : memref<200x128xf32, #tpu.memory_space<vmem>>, vector<1x16xf32>,
        %get3A_534 = vector.shape_cast %get3A_533 : vector<1x16xf32> to vector<16xf32>
        %add3A_535 = arith.addf %add3A_479, %get3A_534 : vector<16xf32>
        %add3A_536 = arith.constant 4 : i32
        %add3A_537 = arith.addi %mul3A_283, %add3A_536 : i32
        %get3A_538 = arith.index_cast %add3A_537 : i32 to index
        %get3A_539 = arith.constant 64 : index
        %get3A_540 = tpu.vector_load %arg5[%get3A_538, %get3A_539] {strides = array<i32>} : memref<200x128xf32, #tpu.memory_space<vmem>>, vector<1x16xf32>,
        %get3A_541 = vector.shape_cast %get3A_540 : vector<1x16xf32> to vector<16xf32>
        %add3A_542 = arith.addf %add3A_486, %get3A_541 : vector<16xf32>
        %add3A_543 = arith.constant 4 : i32
        %add3A_544 = arith.addi %mul3A_283, %add3A_543 : i32
        %get3A_545 = arith.index_cast %add3A_544 : i32 to index
        %get3A_546 = arith.constant 80 : index
        %get3A_547 = tpu.vector_load %arg5[%get3A_545, %get3A_546] {strides = array<i32>} : memref<200x128xf32, #tpu.memory_space<vmem>>, vector<1x16xf32>,
        %get3A_548 = vector.shape_cast %get3A_547 : vector<1x16xf32> to vector<16xf32>
        %add3A_549 = arith.addf %add3A_493, %get3A_548 : vector<16xf32>
        %add3A_550 = arith.constant 4 : i32
        %add3A_551 = arith.addi %mul3A_283, %add3A_550 : i32
        %get3A_552 = arith.index_cast %add3A_551 : i32 to index
        %get3A_553 = arith.constant 96 : index
        %get3A_554 = tpu.vector_load %arg5[%get3A_552, %get3A_553] {strides = array<i32>} : memref<200x128xf32, #tpu.memory_space<vmem>>, vector<1x16xf32>,
        %get3A_555 = vector.shape_cast %get3A_554 : vector<1x16xf32> to vector<16xf32>
        %add3A_556 = arith.addf %add3A_500, %get3A_555 : vector<16xf32>
        %add3A_557 = arith.constant 4 : i32
        %add3A_558 = arith.addi %mul3A_283, %add3A_557 : i32
        %get3A_559 = arith.index_cast %add3A_558 : i32 to index
        %get3A_560 = arith.constant 112 : index
        %get3A_561 = tpu.vector_load %arg5[%get3A_559, %get3A_560] {strides = array<i32>} : memref<200x128xf32, #tpu.memory_space<vmem>>, vector<1x16xf32>,
        %get3A_562 = vector.shape_cast %get3A_561 : vector<1x16xf32> to vector<16xf32>
        %add3A_563 = arith.addf %add3A_507, %get3A_562 : vector<16xf32>
        %add3A_564 = arith.constant 5 : i32
        %add3A_565 = arith.addi %mul3A_283, %add3A_564 : i32
        %get3A_566 = arith.index_cast %add3A_565 : i32 to index
        %get3A_567 = arith.constant 0 : index
        %get3A_568 = tpu.vector_load %arg5[%get3A_566, %get3A_567] {strides = array<i32>} : memref<200x128xf32, #tpu.memory_space<vmem>>, vector<1x16xf32>,
        %get3A_569 = vector.shape_cast %get3A_568 : vector<1x16xf32> to vector<16xf32>
        %add3A_570 = arith.addf %add3A_514, %get3A_569 : vector<16xf32>
        %add3A_571 = arith.constant 5 : i32
        %add3A_572 = arith.addi %mul3A_283, %add3A_571 : i32
        %get3A_573 = arith.index_cast %add3A_572 : i32 to index
        %get3A_574 = arith.constant 16 : index
        %get3A_575 = tpu.vector_load %arg5[%get3A_573, %get3A_574] {strides = array<i32>} : memref<200x128xf32, #tpu.memory_space<vmem>>, vector<1x16xf32>,
        %get3A_576 = vector.shape_cast %get3A_575 : vector<1x16xf32> to vector<16xf32>
        %add3A_577 = arith.addf %add3A_521, %get3A_576 : vector<16xf32>
        %add3A_578 = arith.constant 5 : i32
        %add3A_579 = arith.addi %mul3A_283, %add3A_578 : i32
        %get3A_580 = arith.index_cast %add3A_579 : i32 to index
        %get3A_581 = arith.constant 32 : index
        %get3A_582 = tpu.vector_load %arg5[%get3A_580, %get3A_581] {strides = array<i32>} : memref<200x128xf32, #tpu.memory_space<vmem>>, vector<1x16xf32>,
        %get3A_583 = vector.shape_cast %get3A_582 : vector<1x16xf32> to vector<16xf32>
        %add3A_584 = arith.addf %add3A_528, %get3A_583 : vector<16xf32>
        %add3A_585 = arith.constant 5 : i32
        %add3A_586 = arith.addi %mul3A_283, %add3A_585 : i32
        %get3A_587 = arith.index_cast %add3A_586 : i32 to index
        %get3A_588 = arith.constant 48 : index
        %get3A_589 = tpu.vector_load %arg5[%get3A_587, %get3A_588] {strides = array<i32>} : memref<200x128xf32, #tpu.memory_space<vmem>>, vector<1x16xf32>,
        %get3A_590 = vector.shape_cast %get3A_589 : vector<1x16xf32> to vector<16xf32>
        %add3A_591 = arith.addf %add3A_535, %get3A_590 : vector<16xf32>
        %add3A_592 = arith.constant 5 : i32
        %add3A_593 = arith.addi %mul3A_283, %add3A_592 : i32
        %get3A_594 = arith.index_cast %add3A_593 : i32 to index
        %get3A_595 = arith.constant 64 : index
        %get3A_596 = tpu.vector_load %arg5[%get3A_594, %get3A_595] {strides = array<i32>} : memref<200x128xf32, #tpu.memory_space<vmem>>, vector<1x16xf32>,
        %get3A_597 = vector.shape_cast %get3A_596 : vector<1x16xf32> to vector<16xf32>
        %add3A_598 = arith.addf %add3A_542, %get3A_597 : vector<16xf32>
        %add3A_599 = arith.constant 5 : i32
        %add3A_600 = arith.addi %mul3A_283, %add3A_599 : i32
        %get3A_601 = arith.index_cast %add3A_600 : i32 to index
        %get3A_602 = arith.constant 80 : index
        %get3A_603 = tpu.vector_load %arg5[%get3A_601, %get3A_602] {strides = array<i32>} : memref<200x128xf32, #tpu.memory_space<vmem>>, vector<1x16xf32>,
        %get3A_604 = vector.shape_cast %get3A_603 : vector<1x16xf32> to vector<16xf32>
        %add3A_605 = arith.addf %add3A_549, %get3A_604 : vector<16xf32>
        %add3A_606 = arith.constant 5 : i32
        %add3A_607 = arith.addi %mul3A_283, %add3A_606 : i32
        %get3A_608 = arith.index_cast %add3A_607 : i32 to index
        %get3A_609 = arith.constant 96 : index
        %get3A_610 = tpu.vector_load %arg5[%get3A_608, %get3A_609] {strides = array<i32>} : memref<200x128xf32, #tpu.memory_space<vmem>>, vector<1x16xf32>,
        %get3A_611 = vector.shape_cast %get3A_610 : vector<1x16xf32> to vector<16xf32>
        %add3A_612 = arith.addf %add3A_556, %get3A_611 : vector<16xf32>
        %add3A_613 = arith.constant 5 : i32
        %add3A_614 = arith.addi %mul3A_283, %add3A_613 : i32
        %get3A_615 = arith.index_cast %add3A_614 : i32 to index
        %get3A_616 = arith.constant 112 : index
        %get3A_617 = tpu.vector_load %arg5[%get3A_615, %get3A_616] {strides = array<i32>} : memref<200x128xf32, #tpu.memory_space<vmem>>, vector<1x16xf32>,
        %get3A_618 = vector.shape_cast %get3A_617 : vector<1x16xf32> to vector<16xf32>
        %add3A_619 = arith.addf %add3A_563, %get3A_618 : vector<16xf32>
        %add3A_620 = arith.constant 6 : i32
        %add3A_621 = arith.addi %mul3A_283, %add3A_620 : i32
        %get3A_622 = arith.index_cast %add3A_621 : i32 to index
        %get3A_623 = arith.constant 0 : index
        %get3A_624 = tpu.vector_load %arg5[%get3A_622, %get3A_623] {strides = array<i32>} : memref<200x128xf32, #tpu.memory_space<vmem>>, vector<1x16xf32>,
        %get3A_625 = vector.shape_cast %get3A_624 : vector<1x16xf32> to vector<16xf32>
        %add3A_626 = arith.addf %add3A_570, %get3A_625 : vector<16xf32>
        %add3A_627 = arith.constant 6 : i32
        %add3A_628 = arith.addi %mul3A_283, %add3A_627 : i32
        %get3A_629 = arith.index_cast %add3A_628 : i32 to index
        %get3A_630 = arith.constant 16 : index
        %get3A_631 = tpu.vector_load %arg5[%get3A_629, %get3A_630] {strides = array<i32>} : memref<200x128xf32, #tpu.memory_space<vmem>>, vector<1x16xf32>,
        %get3A_632 = vector.shape_cast %get3A_631 : vector<1x16xf32> to vector<16xf32>
        %add3A_633 = arith.addf %add3A_577, %get3A_632 : vector<16xf32>
        %add3A_634 = arith.constant 6 : i32
        %add3A_635 = arith.addi %mul3A_283, %add3A_634 : i32
        %get3A_636 = arith.index_cast %add3A_635 : i32 to index
        %get3A_637 = arith.constant 32 : index
        %get3A_638 = tpu.vector_load %arg5[%get3A_636, %get3A_637] {strides = array<i32>} : memref<200x128xf32, #tpu.memory_space<vmem>>, vector<1x16xf32>,
        %get3A_639 = vector.shape_cast %get3A_638 : vector<1x16xf32> to vector<16xf32>
        %add3A_640 = arith.addf %add3A_584, %get3A_639 : vector<16xf32>
        %add3A_641 = arith.constant 6 : i32
        %add3A_642 = arith.addi %mul3A_283, %add3A_641 : i32
        %get3A_643 = arith.index_cast %add3A_642 : i32 to index
        %get3A_644 = arith.constant 48 : index
        %get3A_645 = tpu.vector_load %arg5[%get3A_643, %get3A_644] {strides = array<i32>} : memref<200x128xf32, #tpu.memory_space<vmem>>, vector<1x16xf32>,
        %get3A_646 = vector.shape_cast %get3A_645 : vector<1x16xf32> to vector<16xf32>
        %add3A_647 = arith.addf %add3A_591, %get3A_646 : vector<16xf32>
        %add3A_648 = arith.constant 6 : i32
        %add3A_649 = arith.addi %mul3A_283, %add3A_648 : i32
        %get3A_650 = arith.index_cast %add3A_649 : i32 to index
        %get3A_651 = arith.constant 64 : index
        %get3A_652 = tpu.vector_load %arg5[%get3A_650, %get3A_651] {strides = array<i32>} : memref<200x128xf32, #tpu.memory_space<vmem>>, vector<1x16xf32>,
        %get3A_653 = vector.shape_cast %get3A_652 : vector<1x16xf32> to vector<16xf32>
        %add3A_654 = arith.addf %add3A_598, %get3A_653 : vector<16xf32>
        %add3A_655 = arith.constant 6 : i32
        %add3A_656 = arith.addi %mul3A_283, %add3A_655 : i32
        %get3A_657 = arith.index_cast %add3A_656 : i32 to index
        %get3A_658 = arith.constant 80 : index
        %get3A_659 = tpu.vector_load %arg5[%get3A_657, %get3A_658] {strides = array<i32>} : memref<200x128xf32, #tpu.memory_space<vmem>>, vector<1x16xf32>,
        %get3A_660 = vector.shape_cast %get3A_659 : vector<1x16xf32> to vector<16xf32>
        %add3A_661 = arith.addf %add3A_605, %get3A_660 : vector<16xf32>
        %add3A_662 = arith.constant 6 : i32
        %add3A_663 = arith.addi %mul3A_283, %add3A_662 : i32
        %get3A_664 = arith.index_cast %add3A_663 : i32 to index
        %get3A_665 = arith.constant 96 : index
        %get3A_666 = tpu.vector_load %arg5[%get3A_664, %get3A_665] {strides = array<i32>} : memref<200x128xf32, #tpu.memory_space<vmem>>, vector<1x16xf32>,
        %get3A_667 = vector.shape_cast %get3A_666 : vector<1x16xf32> to vector<16xf32>
        %add3A_668 = arith.addf %add3A_612, %get3A_667 : vector<16xf32>
        %add3A_669 = arith.constant 6 : i32
        %add3A_670 = arith.addi %mul3A_283, %add3A_669 : i32
        %get3A_671 = arith.index_cast %add3A_670 : i32 to index
        %get3A_672 = arith.constant 112 : index
        %get3A_673 = tpu.vector_load %arg5[%get3A_671, %get3A_672] {strides = array<i32>} : memref<200x128xf32, #tpu.memory_space<vmem>>, vector<1x16xf32>,
        %get3A_674 = vector.shape_cast %get3A_673 : vector<1x16xf32> to vector<16xf32>
        %add3A_675 = arith.addf %add3A_619, %get3A_674 : vector<16xf32>
        %add3A_676 = arith.constant 7 : i32
        %add3A_677 = arith.addi %mul3A_283, %add3A_676 : i32
        %get3A_678 = arith.index_cast %add3A_677 : i32 to index
        %get3A_679 = arith.constant 0 : index
        %get3A_680 = tpu.vector_load %arg5[%get3A_678, %get3A_679] {strides = array<i32>} : memref<200x128xf32, #tpu.memory_space<vmem>>, vector<1x16xf32>,
        %get3A_681 = vector.shape_cast %get3A_680 : vector<1x16xf32> to vector<16xf32>
        %add3A_682 = arith.addf %add3A_626, %get3A_681 : vector<16xf32>
        %add3A_683 = arith.constant 7 : i32
        %add3A_684 = arith.addi %mul3A_283, %add3A_683 : i32
        %get3A_685 = arith.index_cast %add3A_684 : i32 to index
        %get3A_686 = arith.constant 16 : index
        %get3A_687 = tpu.vector_load %arg5[%get3A_685, %get3A_686] {strides = array<i32>} : memref<200x128xf32, #tpu.memory_space<vmem>>, vector<1x16xf32>,
        %get3A_688 = vector.shape_cast %get3A_687 : vector<1x16xf32> to vector<16xf32>
        %add3A_689 = arith.addf %add3A_633, %get3A_688 : vector<16xf32>
        %add3A_690 = arith.constant 7 : i32
        %add3A_691 = arith.addi %mul3A_283, %add3A_690 : i32
        %get3A_692 = arith.index_cast %add3A_691 : i32 to index
        %get3A_693 = arith.constant 32 : index
        %get3A_694 = tpu.vector_load %arg5[%get3A_692, %get3A_693] {strides = array<i32>} : memref<200x128xf32, #tpu.memory_space<vmem>>, vector<1x16xf32>,
        %get3A_695 = vector.shape_cast %get3A_694 : vector<1x16xf32> to vector<16xf32>
        %add3A_696 = arith.addf %add3A_640, %get3A_695 : vector<16xf32>
        %add3A_697 = arith.constant 7 : i32
        %add3A_698 = arith.addi %mul3A_283, %add3A_697 : i32
        %get3A_699 = arith.index_cast %add3A_698 : i32 to index
        %get3A_700 = arith.constant 48 : index
        %get3A_701 = tpu.vector_load %arg5[%get3A_699, %get3A_700] {strides = array<i32>} : memref<200x128xf32, #tpu.memory_space<vmem>>, vector<1x16xf32>,
        %get3A_702 = vector.shape_cast %get3A_701 : vector<1x16xf32> to vector<16xf32>
        %add3A_703 = arith.addf %add3A_647, %get3A_702 : vector<16xf32>
        %add3A_704 = arith.constant 7 : i32
        %add3A_705 = arith.addi %mul3A_283, %add3A_704 : i32
        %get3A_706 = arith.index_cast %add3A_705 : i32 to index
        %get3A_707 = arith.constant 64 : index
        %get3A_708 = tpu.vector_load %arg5[%get3A_706, %get3A_707] {strides = array<i32>} : memref<200x128xf32, #tpu.memory_space<vmem>>, vector<1x16xf32>,
        %get3A_709 = vector.shape_cast %get3A_708 : vector<1x16xf32> to vector<16xf32>
        %add3A_710 = arith.addf %add3A_654, %get3A_709 : vector<16xf32>
        %add3A_711 = arith.constant 7 : i32
        %add3A_712 = arith.addi %mul3A_283, %add3A_711 : i32
        %get3A_713 = arith.index_cast %add3A_712 : i32 to index
        %get3A_714 = arith.constant 80 : index
        %get3A_715 = tpu.vector_load %arg5[%get3A_713, %get3A_714] {strides = array<i32>} : memref<200x128xf32, #tpu.memory_space<vmem>>, vector<1x16xf32>,
        %get3A_716 = vector.shape_cast %get3A_715 : vector<1x16xf32> to vector<16xf32>
        %add3A_717 = arith.addf %add3A_661, %get3A_716 : vector<16xf32>
        %add3A_718 = arith.constant 7 : i32
        %add3A_719 = arith.addi %mul3A_283, %add3A_718 : i32
        %get3A_720 = arith.index_cast %add3A_719 : i32 to index
        %get3A_721 = arith.constant 96 : index
        %get3A_722 = tpu.vector_load %arg5[%get3A_720, %get3A_721] {strides = array<i32>} : memref<200x128xf32, #tpu.memory_space<vmem>>, vector<1x16xf32>,
        %get3A_723 = vector.shape_cast %get3A_722 : vector<1x16xf32> to vector<16xf32>
        %add3A_724 = arith.addf %add3A_668, %get3A_723 : vector<16xf32>
        %add3A_725 = arith.constant 7 : i32
        %add3A_726 = arith.addi %mul3A_283, %add3A_725 : i32
        %get3A_727 = arith.index_cast %add3A_726 : i32 to index
        %get3A_728 = arith.constant 112 : index
        %get3A_729 = tpu.vector_load %arg5[%get3A_727, %get3A_728] {strides = array<i32>} : memref<200x128xf32, #tpu.memory_space<vmem>>, vector<1x16xf32>,
        %get3A_730 = vector.shape_cast %get3A_729 : vector<1x16xf32> to vector<16xf32>
        %add3A_731 = arith.addf %add3A_675, %get3A_730 : vector<16xf32>
        scf.yield %add3A_682, %add3A_689, %add3A_696, %add3A_703, %add3A_710, %add3A_717, %add3A_724, %add3A_731 : vector<16xf32>, vector<16xf32>, vector<16xf32>, vector<16xf32>, vector<16xf32>, vector<16xf32>, vector<16xf32>, vector<16xf32>
      }
      %scan3A_100 = arith.constant 25 : i32
      %add3A_101 = arith.constant 2 : i32
      %add3A_102 = arith.addi %add3A_72, %add3A_101 : i32
      %lt3A = arith.constant 10 : i32
      %lt3A_103 = arith.cmpi slt, %add3A_102, %lt3A : i32
      %convert_element_type3A = arith.extui %lt3A_103 : i1 to i32
      %cond3A = arith.constant 0 : i32
      %cond3A_104 = arith.cmpi ne, %convert_element_type3A, %cond3A : i32
      scf.if %cond3A_104 {
        %add3A_273 = arith.constant 2 : i32
        %add3A_274 = arith.addi %add3A_72, %add3A_273 : i32
        %mul3A_275 = arith.constant 200 : i32
        %mul3A_276 = arith.muli %add3A_274, %mul3A_275 : i32
        %add3A_277 = arith.addi %mul3A_2, %mul3A_276 : i32
        %dma_start3A_278 = arith.constant 0 : i32
        %dma_start3A_279 = tpu.memref_slice %arg2[%add3A_277, %dma_start3A_278] : memref<320000x128xf32, #tpu.memory_space<hbm>> -> memref<200x128xf32, #tpu.memory_space<hbm>>
        %dma_start3A_280 = arith.constant 0 : i32
        %dma_start3A_281 = tpu.memref_slice %arg2[%add3A_277, %dma_start3A_280] : memref<320000x128xf32, #tpu.memory_space<hbm>> -> memref<200x128xf32, #tpu.memory_space<hbm>>
        tpu.enqueue_dma source(%dma_start3A_281 : memref<200x128xf32, #tpu.memory_space<hbm>>) target(%arg5 : memref<200x128xf32, #tpu.memory_space<vmem>>) target_semaphore(%arg8 : memref<!tpu.dma_semaphore, #tpu.memory_space<semaphore_mem>>)
      } else {
      }
      %get3A = arith.constant 0 : index
      %get3A_105 = tpu.vector_load %arg7[%get3A] {strides = array<i32>} : memref<128xf32, #tpu.memory_space<vmem>>, vector<16xf32>,
      %get3A_106 = vector.shape_cast %get3A_105 : vector<16xf32> to vector<16xf32>
      %add3A_107 = arith.addf %get3A_106, %scan3A_99#0 : vector<16xf32>
      %swap3A_108 = arith.constant 0 : index
      %swap3A_109 = tpu.vector_load %arg7[%swap3A_108] {strides = array<i32>} : memref<128xf32, #tpu.memory_space<vmem>>, vector<16xf32>,
      %swap3A_110 = vector.shape_cast %swap3A_109 : vector<16xf32> to vector<16xf32>
      %swap3A_111 = vector.shape_cast %add3A_107 : vector<16xf32> to vector<16xf32>
      tpu.vector_store %arg7[%swap3A_108], %swap3A_111 {strides = array<i32>} : memref<128xf32, #tpu.memory_space<vmem>>, vector<16xf32>,
      %get3A_112 = arith.constant 16 : index
      %get3A_113 = tpu.vector_load %arg7[%get3A_112] {strides = array<i32>} : memref<128xf32, #tpu.memory_space<vmem>>, vector<16xf32>,
      %get3A_114 = vector.shape_cast %get3A_113 : vector<16xf32> to vector<16xf32>
      %add3A_115 = arith.addf %get3A_114, %scan3A_99#1 : vector<16xf32>
      %swap3A_116 = arith.constant 16 : index
      %swap3A_117 = tpu.vector_load %arg7[%swap3A_116] {strides = array<i32>} : memref<128xf32, #tpu.memory_space<vmem>>, vector<16xf32>,
      %swap3A_118 = vector.shape_cast %swap3A_117 : vector<16xf32> to vector<16xf32>
      %swap3A_119 = vector.shape_cast %add3A_115 : vector<16xf32> to vector<16xf32>
      tpu.vector_store %arg7[%swap3A_116], %swap3A_119 {strides = array<i32>} : memref<128xf32, #tpu.memory_space<vmem>>, vector<16xf32>,
      %get3A_120 = arith.constant 32 : index
      %get3A_121 = tpu.vector_load %arg7[%get3A_120] {strides = array<i32>} : memref<128xf32, #tpu.memory_space<vmem>>, vector<16xf32>,
      %get3A_122 = vector.shape_cast %get3A_121 : vector<16xf32> to vector<16xf32>
      %add3A_123 = arith.addf %get3A_122, %scan3A_99#2 : vector<16xf32>
      %swap3A_124 = arith.constant 32 : index
      %swap3A_125 = tpu.vector_load %arg7[%swap3A_124] {strides = array<i32>} : memref<128xf32, #tpu.memory_space<vmem>>, vector<16xf32>,
      %swap3A_126 = vector.shape_cast %swap3A_125 : vector<16xf32> to vector<16xf32>
      %swap3A_127 = vector.shape_cast %add3A_123 : vector<16xf32> to vector<16xf32>
      tpu.vector_store %arg7[%swap3A_124], %swap3A_127 {strides = array<i32>} : memref<128xf32, #tpu.memory_space<vmem>>, vector<16xf32>,
      %get3A_128 = arith.constant 48 : index
      %get3A_129 = tpu.vector_load %arg7[%get3A_128] {strides = array<i32>} : memref<128xf32, #tpu.memory_space<vmem>>, vector<16xf32>,
      %get3A_130 = vector.shape_cast %get3A_129 : vector<16xf32> to vector<16xf32>
      %add3A_131 = arith.addf %get3A_130, %scan3A_99#3 : vector<16xf32>
      %swap3A_132 = arith.constant 48 : index
      %swap3A_133 = tpu.vector_load %arg7[%swap3A_132] {strides = array<i32>} : memref<128xf32, #tpu.memory_space<vmem>>, vector<16xf32>,
      %swap3A_134 = vector.shape_cast %swap3A_133 : vector<16xf32> to vector<16xf32>
      %swap3A_135 = vector.shape_cast %add3A_131 : vector<16xf32> to vector<16xf32>
      tpu.vector_store %arg7[%swap3A_132], %swap3A_135 {strides = array<i32>} : memref<128xf32, #tpu.memory_space<vmem>>, vector<16xf32>,
      %get3A_136 = arith.constant 64 : index
      %get3A_137 = tpu.vector_load %arg7[%get3A_136] {strides = array<i32>} : memref<128xf32, #tpu.memory_space<vmem>>, vector<16xf32>,
      %get3A_138 = vector.shape_cast %get3A_137 : vector<16xf32> to vector<16xf32>
      %add3A_139 = arith.addf %get3A_138, %scan3A_99#4 : vector<16xf32>
      %swap3A_140 = arith.constant 64 : index
      %swap3A_141 = tpu.vector_load %arg7[%swap3A_140] {strides = array<i32>} : memref<128xf32, #tpu.memory_space<vmem>>, vector<16xf32>,
      %swap3A_142 = vector.shape_cast %swap3A_141 : vector<16xf32> to vector<16xf32>
      %swap3A_143 = vector.shape_cast %add3A_139 : vector<16xf32> to vector<16xf32>
      tpu.vector_store %arg7[%swap3A_140], %swap3A_143 {strides = array<i32>} : memref<128xf32, #tpu.memory_space<vmem>>, vector<16xf32>,
      %get3A_144 = arith.constant 80 : index
      %get3A_145 = tpu.vector_load %arg7[%get3A_144] {strides = array<i32>} : memref<128xf32, #tpu.memory_space<vmem>>, vector<16xf32>,
      %get3A_146 = vector.shape_cast %get3A_145 : vector<16xf32> to vector<16xf32>
      %add3A_147 = arith.addf %get3A_146, %scan3A_99#5 : vector<16xf32>
      %swap3A_148 = arith.constant 80 : index
      %swap3A_149 = tpu.vector_load %arg7[%swap3A_148] {strides = array<i32>} : memref<128xf32, #tpu.memory_space<vmem>>, vector<16xf32>,
      %swap3A_150 = vector.shape_cast %swap3A_149 : vector<16xf32> to vector<16xf32>
      %swap3A_151 = vector.shape_cast %add3A_147 : vector<16xf32> to vector<16xf32>
      tpu.vector_store %arg7[%swap3A_148], %swap3A_151 {strides = array<i32>} : memref<128xf32, #tpu.memory_space<vmem>>, vector<16xf32>,
      %get3A_152 = arith.constant 96 : index
      %get3A_153 = tpu.vector_load %arg7[%get3A_152] {strides = array<i32>} : memref<128xf32, #tpu.memory_space<vmem>>, vector<16xf32>,
      %get3A_154 = vector.shape_cast %get3A_153 : vector<16xf32> to vector<16xf32>
      %add3A_155 = arith.addf %get3A_154, %scan3A_99#6 : vector<16xf32>
      %swap3A_156 = arith.constant 96 : index
      %swap3A_157 = tpu.vector_load %arg7[%swap3A_156] {strides = array<i32>} : memref<128xf32, #tpu.memory_space<vmem>>, vector<16xf32>,
      %swap3A_158 = vector.shape_cast %swap3A_157 : vector<16xf32> to vector<16xf32>
      %swap3A_159 = vector.shape_cast %add3A_155 : vector<16xf32> to vector<16xf32>
      tpu.vector_store %arg7[%swap3A_156], %swap3A_159 {strides = array<i32>} : memref<128xf32, #tpu.memory_space<vmem>>, vector<16xf32>,
      %get3A_160 = arith.constant 112 : index
      %get3A_161 = tpu.vector_load %arg7[%get3A_160] {strides = array<i32>} : memref<128xf32, #tpu.memory_space<vmem>>, vector<16xf32>,
      %get3A_162 = vector.shape_cast %get3A_161 : vector<16xf32> to vector<16xf32>
      %add3A_163 = arith.addf %get3A_162, %scan3A_99#7 : vector<16xf32>
      %swap3A_164 = arith.constant 112 : index
      %swap3A_165 = tpu.vector_load %arg7[%swap3A_164] {strides = array<i32>} : memref<128xf32, #tpu.memory_space<vmem>>, vector<16xf32>,
      %swap3A_166 = vector.shape_cast %swap3A_165 : vector<16xf32> to vector<16xf32>
      %swap3A_167 = vector.shape_cast %add3A_163 : vector<16xf32> to vector<16xf32>
      tpu.vector_store %arg7[%swap3A_164], %swap3A_167 {strides = array<i32>} : memref<128xf32, #tpu.memory_space<vmem>>, vector<16xf32>,
      %mul3A_168 = arith.constant 2 : i32
      %mul3A_169 = arith.muli %scan3A_67, %mul3A_168 : i32
      %add3A_170 = arith.constant 1 : i32
      %add3A_171 = arith.addi %mul3A_169, %add3A_170 : i32
      %mul3A_172 = arith.constant 200 : i32
      %mul3A_173 = arith.muli %add3A_171, %mul3A_172 : i32
      %add3A_174 = arith.addi %mul3A_2, %mul3A_173 : i32
      %dma_wait3A_175 = arith.constant 0 : i32
      %dma_wait3A_176 = tpu.memref_slice %arg2[%add3A_174, %dma_wait3A_175] : memref<320000x128xf32, #tpu.memory_space<hbm>> -> memref<200x128xf32, #tpu.memory_space<hbm>>
      %dma_wait3A_177 = arith.constant 0 : i32
      %dma_wait3A_178 = tpu.memref_slice %arg2[%add3A_174, %dma_wait3A_177] : memref<320000x128xf32, #tpu.memory_space<hbm>> -> memref<200x128xf32, #tpu.memory_space<hbm>>
      tpu.wait_dma2 semaphore(%arg9 : memref<!tpu.dma_semaphore, #tpu.memory_space<semaphore_mem>>) src(%dma_wait3A_178 : memref<200x128xf32, #tpu.memory_space<hbm>>) dst(%arg6 : memref<200x128xf32, #tpu.memory_space<vmem>>)
      %broadcast_in_dim3A_179 = arith.constant 0.000000e+00 : f32
      %broadcast_in_dim3A_180 = vector.broadcast %broadcast_in_dim3A_179 : f32 to vector<16xf32>
      %broadcast_in_dim3A_181 = arith.constant 0.000000e+00 : f32
      %broadcast_in_dim3A_182 = vector.broadcast %broadcast_in_dim3A_181 : f32 to vector<16xf32>
      %broadcast_in_dim3A_183 = arith.constant 0.000000e+00 : f32
      %broadcast_in_dim3A_184 = vector.broadcast %broadcast_in_dim3A_183 : f32 to vector<16xf32>
      %broadcast_in_dim3A_185 = arith.constant 0.000000e+00 : f32
      %broadcast_in_dim3A_186 = vector.broadcast %broadcast_in_dim3A_185 : f32 to vector<16xf32>
      %broadcast_in_dim3A_187 = arith.constant 0.000000e+00 : f32
      %broadcast_in_dim3A_188 = vector.broadcast %broadcast_in_dim3A_187 : f32 to vector<16xf32>
      %broadcast_in_dim3A_189 = arith.constant 0.000000e+00 : f32
      %broadcast_in_dim3A_190 = vector.broadcast %broadcast_in_dim3A_189 : f32 to vector<16xf32>
      %broadcast_in_dim3A_191 = arith.constant 0.000000e+00 : f32
      %broadcast_in_dim3A_192 = vector.broadcast %broadcast_in_dim3A_191 : f32 to vector<16xf32>
      %broadcast_in_dim3A_193 = arith.constant 0.000000e+00 : f32
      %broadcast_in_dim3A_194 = vector.broadcast %broadcast_in_dim3A_193 : f32 to vector<16xf32>
      %scan3A_195 = arith.constant 0 : i32
      %scan3A_196 = arith.constant 25 : i32
      %scan3A_197 = arith.addi %scan3A_195, %scan3A_196 : i32
      %scan3A_198 = arith.constant 1 : i32
      %scan3A_199:8 = scf.for %scan3A_273 = %scan3A_195 to %scan3A_197 step %scan3A_198 iter_args(%scan3A_274 = %broadcast_in_dim3A_180, %scan3A_275 = %broadcast_in_dim3A_182, %scan3A_276 = %broadcast_in_dim3A_184, %scan3A_277 = %broadcast_in_dim3A_186, %scan3A_278 = %broadcast_in_dim3A_188, %scan3A_279 = %broadcast_in_dim3A_190, %scan3A_280 = %broadcast_in_dim3A_192, %scan3A_281 = %broadcast_in_dim3A_194) -> (vector<16xf32>, vector<16xf32>, vector<16xf32>, vector<16xf32>, vector<16xf32>, vector<16xf32>, vector<16xf32>, vector<16xf32>)  : i32 {
        %mul3A_282 = arith.constant 8 : i32
        %mul3A_283 = arith.muli %scan3A_273, %mul3A_282 : i32
        %add3A_284 = arith.constant 0 : i32
        %add3A_285 = arith.addi %mul3A_283, %add3A_284 : i32
        %get3A_286 = arith.index_cast %add3A_285 : i32 to index
        %get3A_287 = arith.constant 0 : index
        %get3A_288 = tpu.vector_load %arg6[%get3A_286, %get3A_287] {strides = array<i32>} : memref<200x128xf32, #tpu.memory_space<vmem>>, vector<1x16xf32>,
        %get3A_289 = vector.shape_cast %get3A_288 : vector<1x16xf32> to vector<16xf32>
        %add3A_290 = arith.addf %scan3A_274, %get3A_289 : vector<16xf32>
        %add3A_291 = arith.constant 0 : i32
        %add3A_292 = arith.addi %mul3A_283, %add3A_291 : i32
        %get3A_293 = arith.index_cast %add3A_292 : i32 to index
        %get3A_294 = arith.constant 16 : index
        %get3A_295 = tpu.vector_load %arg6[%get3A_293, %get3A_294] {strides = array<i32>} : memref<200x128xf32, #tpu.memory_space<vmem>>, vector<1x16xf32>,
        %get3A_296 = vector.shape_cast %get3A_295 : vector<1x16xf32> to vector<16xf32>
        %add3A_297 = arith.addf %scan3A_275, %get3A_296 : vector<16xf32>
        %add3A_298 = arith.constant 0 : i32
        %add3A_299 = arith.addi %mul3A_283, %add3A_298 : i32
        %get3A_300 = arith.index_cast %add3A_299 : i32 to index
        %get3A_301 = arith.constant 32 : index
        %get3A_302 = tpu.vector_load %arg6[%get3A_300, %get3A_301] {strides = array<i32>} : memref<200x128xf32, #tpu.memory_space<vmem>>, vector<1x16xf32>,
        %get3A_303 = vector.shape_cast %get3A_302 : vector<1x16xf32> to vector<16xf32>
        %add3A_304 = arith.addf %scan3A_276, %get3A_303 : vector<16xf32>
        %add3A_305 = arith.constant 0 : i32
        %add3A_306 = arith.addi %mul3A_283, %add3A_305 : i32
        %get3A_307 = arith.index_cast %add3A_306 : i32 to index
        %get3A_308 = arith.constant 48 : index
        %get3A_309 = tpu.vector_load %arg6[%get3A_307, %get3A_308] {strides = array<i32>} : memref<200x128xf32, #tpu.memory_space<vmem>>, vector<1x16xf32>,
        %get3A_310 = vector.shape_cast %get3A_309 : vector<1x16xf32> to vector<16xf32>
        %add3A_311 = arith.addf %scan3A_277, %get3A_310 : vector<16xf32>
        %add3A_312 = arith.constant 0 : i32
        %add3A_313 = arith.addi %mul3A_283, %add3A_312 : i32
        %get3A_314 = arith.index_cast %add3A_313 : i32 to index
        %get3A_315 = arith.constant 64 : index
        %get3A_316 = tpu.vector_load %arg6[%get3A_314, %get3A_315] {strides = array<i32>} : memref<200x128xf32, #tpu.memory_space<vmem>>, vector<1x16xf32>,
        %get3A_317 = vector.shape_cast %get3A_316 : vector<1x16xf32> to vector<16xf32>
        %add3A_318 = arith.addf %scan3A_278, %get3A_317 : vector<16xf32>
        %add3A_319 = arith.constant 0 : i32
        %add3A_320 = arith.addi %mul3A_283, %add3A_319 : i32
        %get3A_321 = arith.index_cast %add3A_320 : i32 to index
        %get3A_322 = arith.constant 80 : index
        %get3A_323 = tpu.vector_load %arg6[%get3A_321, %get3A_322] {strides = array<i32>} : memref<200x128xf32, #tpu.memory_space<vmem>>, vector<1x16xf32>,
        %get3A_324 = vector.shape_cast %get3A_323 : vector<1x16xf32> to vector<16xf32>
        %add3A_325 = arith.addf %scan3A_279, %get3A_324 : vector<16xf32>
        %add3A_326 = arith.constant 0 : i32
        %add3A_327 = arith.addi %mul3A_283, %add3A_326 : i32
        %get3A_328 = arith.index_cast %add3A_327 : i32 to index
        %get3A_329 = arith.constant 96 : index
        %get3A_330 = tpu.vector_load %arg6[%get3A_328, %get3A_329] {strides = array<i32>} : memref<200x128xf32, #tpu.memory_space<vmem>>, vector<1x16xf32>,
        %get3A_331 = vector.shape_cast %get3A_330 : vector<1x16xf32> to vector<16xf32>
        %add3A_332 = arith.addf %scan3A_280, %get3A_331 : vector<16xf32>
        %add3A_333 = arith.constant 0 : i32
        %add3A_334 = arith.addi %mul3A_283, %add3A_333 : i32
        %get3A_335 = arith.index_cast %add3A_334 : i32 to index
        %get3A_336 = arith.constant 112 : index
        %get3A_337 = tpu.vector_load %arg6[%get3A_335, %get3A_336] {strides = array<i32>} : memref<200x128xf32, #tpu.memory_space<vmem>>, vector<1x16xf32>,
        %get3A_338 = vector.shape_cast %get3A_337 : vector<1x16xf32> to vector<16xf32>
        %add3A_339 = arith.addf %scan3A_281, %get3A_338 : vector<16xf32>
        %add3A_340 = arith.constant 1 : i32
        %add3A_341 = arith.addi %mul3A_283, %add3A_340 : i32
        %get3A_342 = arith.index_cast %add3A_341 : i32 to index
        %get3A_343 = arith.constant 0 : index
        %get3A_344 = tpu.vector_load %arg6[%get3A_342, %get3A_343] {strides = array<i32>} : memref<200x128xf32, #tpu.memory_space<vmem>>, vector<1x16xf32>,
        %get3A_345 = vector.shape_cast %get3A_344 : vector<1x16xf32> to vector<16xf32>
        %add3A_346 = arith.addf %add3A_290, %get3A_345 : vector<16xf32>
        %add3A_347 = arith.constant 1 : i32
        %add3A_348 = arith.addi %mul3A_283, %add3A_347 : i32
        %get3A_349 = arith.index_cast %add3A_348 : i32 to index
        %get3A_350 = arith.constant 16 : index
        %get3A_351 = tpu.vector_load %arg6[%get3A_349, %get3A_350] {strides = array<i32>} : memref<200x128xf32, #tpu.memory_space<vmem>>, vector<1x16xf32>,
        %get3A_352 = vector.shape_cast %get3A_351 : vector<1x16xf32> to vector<16xf32>
        %add3A_353 = arith.addf %add3A_297, %get3A_352 : vector<16xf32>
        %add3A_354 = arith.constant 1 : i32
        %add3A_355 = arith.addi %mul3A_283, %add3A_354 : i32
        %get3A_356 = arith.index_cast %add3A_355 : i32 to index
        %get3A_357 = arith.constant 32 : index
        %get3A_358 = tpu.vector_load %arg6[%get3A_356, %get3A_357] {strides = array<i32>} : memref<200x128xf32, #tpu.memory_space<vmem>>, vector<1x16xf32>,
        %get3A_359 = vector.shape_cast %get3A_358 : vector<1x16xf32> to vector<16xf32>
        %add3A_360 = arith.addf %add3A_304, %get3A_359 : vector<16xf32>
        %add3A_361 = arith.constant 1 : i32
        %add3A_362 = arith.addi %mul3A_283, %add3A_361 : i32
        %get3A_363 = arith.index_cast %add3A_362 : i32 to index
        %get3A_364 = arith.constant 48 : index
        %get3A_365 = tpu.vector_load %arg6[%get3A_363, %get3A_364] {strides = array<i32>} : memref<200x128xf32, #tpu.memory_space<vmem>>, vector<1x16xf32>,
        %get3A_366 = vector.shape_cast %get3A_365 : vector<1x16xf32> to vector<16xf32>
        %add3A_367 = arith.addf %add3A_311, %get3A_366 : vector<16xf32>
        %add3A_368 = arith.constant 1 : i32
        %add3A_369 = arith.addi %mul3A_283, %add3A_368 : i32
        %get3A_370 = arith.index_cast %add3A_369 : i32 to index
        %get3A_371 = arith.constant 64 : index
        %get3A_372 = tpu.vector_load %arg6[%get3A_370, %get3A_371] {strides = array<i32>} : memref<200x128xf32, #tpu.memory_space<vmem>>, vector<1x16xf32>,
        %get3A_373 = vector.shape_cast %get3A_372 : vector<1x16xf32> to vector<16xf32>
        %add3A_374 = arith.addf %add3A_318, %get3A_373 : vector<16xf32>
        %add3A_375 = arith.constant 1 : i32
        %add3A_376 = arith.addi %mul3A_283, %add3A_375 : i32
        %get3A_377 = arith.index_cast %add3A_376 : i32 to index
        %get3A_378 = arith.constant 80 : index
        %get3A_379 = tpu.vector_load %arg6[%get3A_377, %get3A_378] {strides = array<i32>} : memref<200x128xf32, #tpu.memory_space<vmem>>, vector<1x16xf32>,
        %get3A_380 = vector.shape_cast %get3A_379 : vector<1x16xf32> to vector<16xf32>
        %add3A_381 = arith.addf %add3A_325, %get3A_380 : vector<16xf32>
        %add3A_382 = arith.constant 1 : i32
        %add3A_383 = arith.addi %mul3A_283, %add3A_382 : i32
        %get3A_384 = arith.index_cast %add3A_383 : i32 to index
        %get3A_385 = arith.constant 96 : index
        %get3A_386 = tpu.vector_load %arg6[%get3A_384, %get3A_385] {strides = array<i32>} : memref<200x128xf32, #tpu.memory_space<vmem>>, vector<1x16xf32>,
        %get3A_387 = vector.shape_cast %get3A_386 : vector<1x16xf32> to vector<16xf32>
        %add3A_388 = arith.addf %add3A_332, %get3A_387 : vector<16xf32>
        %add3A_389 = arith.constant 1 : i32
        %add3A_390 = arith.addi %mul3A_283, %add3A_389 : i32
        %get3A_391 = arith.index_cast %add3A_390 : i32 to index
        %get3A_392 = arith.constant 112 : index
        %get3A_393 = tpu.vector_load %arg6[%get3A_391, %get3A_392] {strides = array<i32>} : memref<200x128xf32, #tpu.memory_space<vmem>>, vector<1x16xf32>,
        %get3A_394 = vector.shape_cast %get3A_393 : vector<1x16xf32> to vector<16xf32>
        %add3A_395 = arith.addf %add3A_339, %get3A_394 : vector<16xf32>
        %add3A_396 = arith.constant 2 : i32
        %add3A_397 = arith.addi %mul3A_283, %add3A_396 : i32
        %get3A_398 = arith.index_cast %add3A_397 : i32 to index
        %get3A_399 = arith.constant 0 : index
        %get3A_400 = tpu.vector_load %arg6[%get3A_398, %get3A_399] {strides = array<i32>} : memref<200x128xf32, #tpu.memory_space<vmem>>, vector<1x16xf32>,
        %get3A_401 = vector.shape_cast %get3A_400 : vector<1x16xf32> to vector<16xf32>
        %add3A_402 = arith.addf %add3A_346, %get3A_401 : vector<16xf32>
        %add3A_403 = arith.constant 2 : i32
        %add3A_404 = arith.addi %mul3A_283, %add3A_403 : i32
        %get3A_405 = arith.index_cast %add3A_404 : i32 to index
        %get3A_406 = arith.constant 16 : index
        %get3A_407 = tpu.vector_load %arg6[%get3A_405, %get3A_406] {strides = array<i32>} : memref<200x128xf32, #tpu.memory_space<vmem>>, vector<1x16xf32>,
        %get3A_408 = vector.shape_cast %get3A_407 : vector<1x16xf32> to vector<16xf32>
        %add3A_409 = arith.addf %add3A_353, %get3A_408 : vector<16xf32>
        %add3A_410 = arith.constant 2 : i32
        %add3A_411 = arith.addi %mul3A_283, %add3A_410 : i32
        %get3A_412 = arith.index_cast %add3A_411 : i32 to index
        %get3A_413 = arith.constant 32 : index
        %get3A_414 = tpu.vector_load %arg6[%get3A_412, %get3A_413] {strides = array<i32>} : memref<200x128xf32, #tpu.memory_space<vmem>>, vector<1x16xf32>,
        %get3A_415 = vector.shape_cast %get3A_414 : vector<1x16xf32> to vector<16xf32>
        %add3A_416 = arith.addf %add3A_360, %get3A_415 : vector<16xf32>
        %add3A_417 = arith.constant 2 : i32
        %add3A_418 = arith.addi %mul3A_283, %add3A_417 : i32
        %get3A_419 = arith.index_cast %add3A_418 : i32 to index
        %get3A_420 = arith.constant 48 : index
        %get3A_421 = tpu.vector_load %arg6[%get3A_419, %get3A_420] {strides = array<i32>} : memref<200x128xf32, #tpu.memory_space<vmem>>, vector<1x16xf32>,
        %get3A_422 = vector.shape_cast %get3A_421 : vector<1x16xf32> to vector<16xf32>
        %add3A_423 = arith.addf %add3A_367, %get3A_422 : vector<16xf32>
        %add3A_424 = arith.constant 2 : i32
        %add3A_425 = arith.addi %mul3A_283, %add3A_424 : i32
        %get3A_426 = arith.index_cast %add3A_425 : i32 to index
        %get3A_427 = arith.constant 64 : index
        %get3A_428 = tpu.vector_load %arg6[%get3A_426, %get3A_427] {strides = array<i32>} : memref<200x128xf32, #tpu.memory_space<vmem>>, vector<1x16xf32>,
        %get3A_429 = vector.shape_cast %get3A_428 : vector<1x16xf32> to vector<16xf32>
        %add3A_430 = arith.addf %add3A_374, %get3A_429 : vector<16xf32>
        %add3A_431 = arith.constant 2 : i32
        %add3A_432 = arith.addi %mul3A_283, %add3A_431 : i32
        %get3A_433 = arith.index_cast %add3A_432 : i32 to index
        %get3A_434 = arith.constant 80 : index
        %get3A_435 = tpu.vector_load %arg6[%get3A_433, %get3A_434] {strides = array<i32>} : memref<200x128xf32, #tpu.memory_space<vmem>>, vector<1x16xf32>,
        %get3A_436 = vector.shape_cast %get3A_435 : vector<1x16xf32> to vector<16xf32>
        %add3A_437 = arith.addf %add3A_381, %get3A_436 : vector<16xf32>
        %add3A_438 = arith.constant 2 : i32
        %add3A_439 = arith.addi %mul3A_283, %add3A_438 : i32
        %get3A_440 = arith.index_cast %add3A_439 : i32 to index
        %get3A_441 = arith.constant 96 : index
        %get3A_442 = tpu.vector_load %arg6[%get3A_440, %get3A_441] {strides = array<i32>} : memref<200x128xf32, #tpu.memory_space<vmem>>, vector<1x16xf32>,
        %get3A_443 = vector.shape_cast %get3A_442 : vector<1x16xf32> to vector<16xf32>
        %add3A_444 = arith.addf %add3A_388, %get3A_443 : vector<16xf32>
        %add3A_445 = arith.constant 2 : i32
        %add3A_446 = arith.addi %mul3A_283, %add3A_445 : i32
        %get3A_447 = arith.index_cast %add3A_446 : i32 to index
        %get3A_448 = arith.constant 112 : index
        %get3A_449 = tpu.vector_load %arg6[%get3A_447, %get3A_448] {strides = array<i32>} : memref<200x128xf32, #tpu.memory_space<vmem>>, vector<1x16xf32>,
        %get3A_450 = vector.shape_cast %get3A_449 : vector<1x16xf32> to vector<16xf32>
        %add3A_451 = arith.addf %add3A_395, %get3A_450 : vector<16xf32>
        %add3A_452 = arith.constant 3 : i32
        %add3A_453 = arith.addi %mul3A_283, %add3A_452 : i32
        %get3A_454 = arith.index_cast %add3A_453 : i32 to index
        %get3A_455 = arith.constant 0 : index
        %get3A_456 = tpu.vector_load %arg6[%get3A_454, %get3A_455] {strides = array<i32>} : memref<200x128xf32, #tpu.memory_space<vmem>>, vector<1x16xf32>,
        %get3A_457 = vector.shape_cast %get3A_456 : vector<1x16xf32> to vector<16xf32>
        %add3A_458 = arith.addf %add3A_402, %get3A_457 : vector<16xf32>
        %add3A_459 = arith.constant 3 : i32
        %add3A_460 = arith.addi %mul3A_283, %add3A_459 : i32
        %get3A_461 = arith.index_cast %add3A_460 : i32 to index
        %get3A_462 = arith.constant 16 : index
        %get3A_463 = tpu.vector_load %arg6[%get3A_461, %get3A_462] {strides = array<i32>} : memref<200x128xf32, #tpu.memory_space<vmem>>, vector<1x16xf32>,
        %get3A_464 = vector.shape_cast %get3A_463 : vector<1x16xf32> to vector<16xf32>
        %add3A_465 = arith.addf %add3A_409, %get3A_464 : vector<16xf32>
        %add3A_466 = arith.constant 3 : i32
        %add3A_467 = arith.addi %mul3A_283, %add3A_466 : i32
        %get3A_468 = arith.index_cast %add3A_467 : i32 to index
        %get3A_469 = arith.constant 32 : index
        %get3A_470 = tpu.vector_load %arg6[%get3A_468, %get3A_469] {strides = array<i32>} : memref<200x128xf32, #tpu.memory_space<vmem>>, vector<1x16xf32>,
        %get3A_471 = vector.shape_cast %get3A_470 : vector<1x16xf32> to vector<16xf32>
        %add3A_472 = arith.addf %add3A_416, %get3A_471 : vector<16xf32>
        %add3A_473 = arith.constant 3 : i32
        %add3A_474 = arith.addi %mul3A_283, %add3A_473 : i32
        %get3A_475 = arith.index_cast %add3A_474 : i32 to index
        %get3A_476 = arith.constant 48 : index
        %get3A_477 = tpu.vector_load %arg6[%get3A_475, %get3A_476] {strides = array<i32>} : memref<200x128xf32, #tpu.memory_space<vmem>>, vector<1x16xf32>,
        %get3A_478 = vector.shape_cast %get3A_477 : vector<1x16xf32> to vector<16xf32>
        %add3A_479 = arith.addf %add3A_423, %get3A_478 : vector<16xf32>
        %add3A_480 = arith.constant 3 : i32
        %add3A_481 = arith.addi %mul3A_283, %add3A_480 : i32
        %get3A_482 = arith.index_cast %add3A_481 : i32 to index
        %get3A_483 = arith.constant 64 : index
        %get3A_484 = tpu.vector_load %arg6[%get3A_482, %get3A_483] {strides = array<i32>} : memref<200x128xf32, #tpu.memory_space<vmem>>, vector<1x16xf32>,
        %get3A_485 = vector.shape_cast %get3A_484 : vector<1x16xf32> to vector<16xf32>
        %add3A_486 = arith.addf %add3A_430, %get3A_485 : vector<16xf32>
        %add3A_487 = arith.constant 3 : i32
        %add3A_488 = arith.addi %mul3A_283, %add3A_487 : i32
        %get3A_489 = arith.index_cast %add3A_488 : i32 to index
        %get3A_490 = arith.constant 80 : index
        %get3A_491 = tpu.vector_load %arg6[%get3A_489, %get3A_490] {strides = array<i32>} : memref<200x128xf32, #tpu.memory_space<vmem>>, vector<1x16xf32>,
        %get3A_492 = vector.shape_cast %get3A_491 : vector<1x16xf32> to vector<16xf32>
        %add3A_493 = arith.addf %add3A_437, %get3A_492 : vector<16xf32>
        %add3A_494 = arith.constant 3 : i32
        %add3A_495 = arith.addi %mul3A_283, %add3A_494 : i32
        %get3A_496 = arith.index_cast %add3A_495 : i32 to index
        %get3A_497 = arith.constant 96 : index
        %get3A_498 = tpu.vector_load %arg6[%get3A_496, %get3A_497] {strides = array<i32>} : memref<200x128xf32, #tpu.memory_space<vmem>>, vector<1x16xf32>,
        %get3A_499 = vector.shape_cast %get3A_498 : vector<1x16xf32> to vector<16xf32>
        %add3A_500 = arith.addf %add3A_444, %get3A_499 : vector<16xf32>
        %add3A_501 = arith.constant 3 : i32
        %add3A_502 = arith.addi %mul3A_283, %add3A_501 : i32
        %get3A_503 = arith.index_cast %add3A_502 : i32 to index
        %get3A_504 = arith.constant 112 : index
        %get3A_505 = tpu.vector_load %arg6[%get3A_503, %get3A_504] {strides = array<i32>} : memref<200x128xf32, #tpu.memory_space<vmem>>, vector<1x16xf32>,
        %get3A_506 = vector.shape_cast %get3A_505 : vector<1x16xf32> to vector<16xf32>
        %add3A_507 = arith.addf %add3A_451, %get3A_506 : vector<16xf32>
        %add3A_508 = arith.constant 4 : i32
        %add3A_509 = arith.addi %mul3A_283, %add3A_508 : i32
        %get3A_510 = arith.index_cast %add3A_509 : i32 to index
        %get3A_511 = arith.constant 0 : index
        %get3A_512 = tpu.vector_load %arg6[%get3A_510, %get3A_511] {strides = array<i32>} : memref<200x128xf32, #tpu.memory_space<vmem>>, vector<1x16xf32>,
        %get3A_513 = vector.shape_cast %get3A_512 : vector<1x16xf32> to vector<16xf32>
        %add3A_514 = arith.addf %add3A_458, %get3A_513 : vector<16xf32>
        %add3A_515 = arith.constant 4 : i32
        %add3A_516 = arith.addi %mul3A_283, %add3A_515 : i32
        %get3A_517 = arith.index_cast %add3A_516 : i32 to index
        %get3A_518 = arith.constant 16 : index
        %get3A_519 = tpu.vector_load %arg6[%get3A_517, %get3A_518] {strides = array<i32>} : memref<200x128xf32, #tpu.memory_space<vmem>>, vector<1x16xf32>,
        %get3A_520 = vector.shape_cast %get3A_519 : vector<1x16xf32> to vector<16xf32>
        %add3A_521 = arith.addf %add3A_465, %get3A_520 : vector<16xf32>
        %add3A_522 = arith.constant 4 : i32
        %add3A_523 = arith.addi %mul3A_283, %add3A_522 : i32
        %get3A_524 = arith.index_cast %add3A_523 : i32 to index
        %get3A_525 = arith.constant 32 : index
        %get3A_526 = tpu.vector_load %arg6[%get3A_524, %get3A_525] {strides = array<i32>} : memref<200x128xf32, #tpu.memory_space<vmem>>, vector<1x16xf32>,
        %get3A_527 = vector.shape_cast %get3A_526 : vector<1x16xf32> to vector<16xf32>
        %add3A_528 = arith.addf %add3A_472, %get3A_527 : vector<16xf32>
        %add3A_529 = arith.constant 4 : i32
        %add3A_530 = arith.addi %mul3A_283, %add3A_529 : i32
        %get3A_531 = arith.index_cast %add3A_530 : i32 to index
        %get3A_532 = arith.constant 48 : index
        %get3A_533 = tpu.vector_load %arg6[%get3A_531, %get3A_532] {strides = array<i32>} : memref<200x128xf32, #tpu.memory_space<vmem>>, vector<1x16xf32>,
        %get3A_534 = vector.shape_cast %get3A_533 : vector<1x16xf32> to vector<16xf32>
        %add3A_535 = arith.addf %add3A_479, %get3A_534 : vector<16xf32>
        %add3A_536 = arith.constant 4 : i32
        %add3A_537 = arith.addi %mul3A_283, %add3A_536 : i32
        %get3A_538 = arith.index_cast %add3A_537 : i32 to index
        %get3A_539 = arith.constant 64 : index
        %get3A_540 = tpu.vector_load %arg6[%get3A_538, %get3A_539] {strides = array<i32>} : memref<200x128xf32, #tpu.memory_space<vmem>>, vector<1x16xf32>,
        %get3A_541 = vector.shape_cast %get3A_540 : vector<1x16xf32> to vector<16xf32>
        %add3A_542 = arith.addf %add3A_486, %get3A_541 : vector<16xf32>
        %add3A_543 = arith.constant 4 : i32
        %add3A_544 = arith.addi %mul3A_283, %add3A_543 : i32
        %get3A_545 = arith.index_cast %add3A_544 : i32 to index
        %get3A_546 = arith.constant 80 : index
        %get3A_547 = tpu.vector_load %arg6[%get3A_545, %get3A_546] {strides = array<i32>} : memref<200x128xf32, #tpu.memory_space<vmem>>, vector<1x16xf32>,
        %get3A_548 = vector.shape_cast %get3A_547 : vector<1x16xf32> to vector<16xf32>
        %add3A_549 = arith.addf %add3A_493, %get3A_548 : vector<16xf32>
        %add3A_550 = arith.constant 4 : i32
        %add3A_551 = arith.addi %mul3A_283, %add3A_550 : i32
        %get3A_552 = arith.index_cast %add3A_551 : i32 to index
        %get3A_553 = arith.constant 96 : index
        %get3A_554 = tpu.vector_load %arg6[%get3A_552, %get3A_553] {strides = array<i32>} : memref<200x128xf32, #tpu.memory_space<vmem>>, vector<1x16xf32>,
        %get3A_555 = vector.shape_cast %get3A_554 : vector<1x16xf32> to vector<16xf32>
        %add3A_556 = arith.addf %add3A_500, %get3A_555 : vector<16xf32>
        %add3A_557 = arith.constant 4 : i32
        %add3A_558 = arith.addi %mul3A_283, %add3A_557 : i32
        %get3A_559 = arith.index_cast %add3A_558 : i32 to index
        %get3A_560 = arith.constant 112 : index
        %get3A_561 = tpu.vector_load %arg6[%get3A_559, %get3A_560] {strides = array<i32>} : memref<200x128xf32, #tpu.memory_space<vmem>>, vector<1x16xf32>,
        %get3A_562 = vector.shape_cast %get3A_561 : vector<1x16xf32> to vector<16xf32>
        %add3A_563 = arith.addf %add3A_507, %get3A_562 : vector<16xf32>
        %add3A_564 = arith.constant 5 : i32
        %add3A_565 = arith.addi %mul3A_283, %add3A_564 : i32
        %get3A_566 = arith.index_cast %add3A_565 : i32 to index
        %get3A_567 = arith.constant 0 : index
        %get3A_568 = tpu.vector_load %arg6[%get3A_566, %get3A_567] {strides = array<i32>} : memref<200x128xf32, #tpu.memory_space<vmem>>, vector<1x16xf32>,
        %get3A_569 = vector.shape_cast %get3A_568 : vector<1x16xf32> to vector<16xf32>
        %add3A_570 = arith.addf %add3A_514, %get3A_569 : vector<16xf32>
        %add3A_571 = arith.constant 5 : i32
        %add3A_572 = arith.addi %mul3A_283, %add3A_571 : i32
        %get3A_573 = arith.index_cast %add3A_572 : i32 to index
        %get3A_574 = arith.constant 16 : index
        %get3A_575 = tpu.vector_load %arg6[%get3A_573, %get3A_574] {strides = array<i32>} : memref<200x128xf32, #tpu.memory_space<vmem>>, vector<1x16xf32>,
        %get3A_576 = vector.shape_cast %get3A_575 : vector<1x16xf32> to vector<16xf32>
        %add3A_577 = arith.addf %add3A_521, %get3A_576 : vector<16xf32>
        %add3A_578 = arith.constant 5 : i32
        %add3A_579 = arith.addi %mul3A_283, %add3A_578 : i32
        %get3A_580 = arith.index_cast %add3A_579 : i32 to index
        %get3A_581 = arith.constant 32 : index
        %get3A_582 = tpu.vector_load %arg6[%get3A_580, %get3A_581] {strides = array<i32>} : memref<200x128xf32, #tpu.memory_space<vmem>>, vector<1x16xf32>,
        %get3A_583 = vector.shape_cast %get3A_582 : vector<1x16xf32> to vector<16xf32>
        %add3A_584 = arith.addf %add3A_528, %get3A_583 : vector<16xf32>
        %add3A_585 = arith.constant 5 : i32
        %add3A_586 = arith.addi %mul3A_283, %add3A_585 : i32
        %get3A_587 = arith.index_cast %add3A_586 : i32 to index
        %get3A_588 = arith.constant 48 : index
        %get3A_589 = tpu.vector_load %arg6[%get3A_587, %get3A_588] {strides = array<i32>} : memref<200x128xf32, #tpu.memory_space<vmem>>, vector<1x16xf32>,
        %get3A_590 = vector.shape_cast %get3A_589 : vector<1x16xf32> to vector<16xf32>
        %add3A_591 = arith.addf %add3A_535, %get3A_590 : vector<16xf32>
        %add3A_592 = arith.constant 5 : i32
        %add3A_593 = arith.addi %mul3A_283, %add3A_592 : i32
        %get3A_594 = arith.index_cast %add3A_593 : i32 to index
        %get3A_595 = arith.constant 64 : index
        %get3A_596 = tpu.vector_load %arg6[%get3A_594, %get3A_595] {strides = array<i32>} : memref<200x128xf32, #tpu.memory_space<vmem>>, vector<1x16xf32>,
        %get3A_597 = vector.shape_cast %get3A_596 : vector<1x16xf32> to vector<16xf32>
        %add3A_598 = arith.addf %add3A_542, %get3A_597 : vector<16xf32>
        %add3A_599 = arith.constant 5 : i32
        %add3A_600 = arith.addi %mul3A_283, %add3A_599 : i32
        %get3A_601 = arith.index_cast %add3A_600 : i32 to index
        %get3A_602 = arith.constant 80 : index
        %get3A_603 = tpu.vector_load %arg6[%get3A_601, %get3A_602] {strides = array<i32>} : memref<200x128xf32, #tpu.memory_space<vmem>>, vector<1x16xf32>,
        %get3A_604 = vector.shape_cast %get3A_603 : vector<1x16xf32> to vector<16xf32>
        %add3A_605 = arith.addf %add3A_549, %get3A_604 : vector<16xf32>
        %add3A_606 = arith.constant 5 : i32
        %add3A_607 = arith.addi %mul3A_283, %add3A_606 : i32
        %get3A_608 = arith.index_cast %add3A_607 : i32 to index
        %get3A_609 = arith.constant 96 : index
        %get3A_610 = tpu.vector_load %arg6[%get3A_608, %get3A_609] {strides = array<i32>} : memref<200x128xf32, #tpu.memory_space<vmem>>, vector<1x16xf32>,
        %get3A_611 = vector.shape_cast %get3A_610 : vector<1x16xf32> to vector<16xf32>
        %add3A_612 = arith.addf %add3A_556, %get3A_611 : vector<16xf32>
        %add3A_613 = arith.constant 5 : i32
        %add3A_614 = arith.addi %mul3A_283, %add3A_613 : i32
        %get3A_615 = arith.index_cast %add3A_614 : i32 to index
        %get3A_616 = arith.constant 112 : index
        %get3A_617 = tpu.vector_load %arg6[%get3A_615, %get3A_616] {strides = array<i32>} : memref<200x128xf32, #tpu.memory_space<vmem>>, vector<1x16xf32>,
        %get3A_618 = vector.shape_cast %get3A_617 : vector<1x16xf32> to vector<16xf32>
        %add3A_619 = arith.addf %add3A_563, %get3A_618 : vector<16xf32>
        %add3A_620 = arith.constant 6 : i32
        %add3A_621 = arith.addi %mul3A_283, %add3A_620 : i32
        %get3A_622 = arith.index_cast %add3A_621 : i32 to index
        %get3A_623 = arith.constant 0 : index
        %get3A_624 = tpu.vector_load %arg6[%get3A_622, %get3A_623] {strides = array<i32>} : memref<200x128xf32, #tpu.memory_space<vmem>>, vector<1x16xf32>,
        %get3A_625 = vector.shape_cast %get3A_624 : vector<1x16xf32> to vector<16xf32>
        %add3A_626 = arith.addf %add3A_570, %get3A_625 : vector<16xf32>
        %add3A_627 = arith.constant 6 : i32
        %add3A_628 = arith.addi %mul3A_283, %add3A_627 : i32
        %get3A_629 = arith.index_cast %add3A_628 : i32 to index
        %get3A_630 = arith.constant 16 : index
        %get3A_631 = tpu.vector_load %arg6[%get3A_629, %get3A_630] {strides = array<i32>} : memref<200x128xf32, #tpu.memory_space<vmem>>, vector<1x16xf32>,
        %get3A_632 = vector.shape_cast %get3A_631 : vector<1x16xf32> to vector<16xf32>
        %add3A_633 = arith.addf %add3A_577, %get3A_632 : vector<16xf32>
        %add3A_634 = arith.constant 6 : i32
        %add3A_635 = arith.addi %mul3A_283, %add3A_634 : i32
        %get3A_636 = arith.index_cast %add3A_635 : i32 to index
        %get3A_637 = arith.constant 32 : index
        %get3A_638 = tpu.vector_load %arg6[%get3A_636, %get3A_637] {strides = array<i32>} : memref<200x128xf32, #tpu.memory_space<vmem>>, vector<1x16xf32>,
        %get3A_639 = vector.shape_cast %get3A_638 : vector<1x16xf32> to vector<16xf32>
        %add3A_640 = arith.addf %add3A_584, %get3A_639 : vector<16xf32>
        %add3A_641 = arith.constant 6 : i32
        %add3A_642 = arith.addi %mul3A_283, %add3A_641 : i32
        %get3A_643 = arith.index_cast %add3A_642 : i32 to index
        %get3A_644 = arith.constant 48 : index
        %get3A_645 = tpu.vector_load %arg6[%get3A_643, %get3A_644] {strides = array<i32>} : memref<200x128xf32, #tpu.memory_space<vmem>>, vector<1x16xf32>,
        %get3A_646 = vector.shape_cast %get3A_645 : vector<1x16xf32> to vector<16xf32>
        %add3A_647 = arith.addf %add3A_591, %get3A_646 : vector<16xf32>
        %add3A_648 = arith.constant 6 : i32
        %add3A_649 = arith.addi %mul3A_283, %add3A_648 : i32
        %get3A_650 = arith.index_cast %add3A_649 : i32 to index
        %get3A_651 = arith.constant 64 : index
        %get3A_652 = tpu.vector_load %arg6[%get3A_650, %get3A_651] {strides = array<i32>} : memref<200x128xf32, #tpu.memory_space<vmem>>, vector<1x16xf32>,
        %get3A_653 = vector.shape_cast %get3A_652 : vector<1x16xf32> to vector<16xf32>
        %add3A_654 = arith.addf %add3A_598, %get3A_653 : vector<16xf32>
        %add3A_655 = arith.constant 6 : i32
        %add3A_656 = arith.addi %mul3A_283, %add3A_655 : i32
        %get3A_657 = arith.index_cast %add3A_656 : i32 to index
        %get3A_658 = arith.constant 80 : index
        %get3A_659 = tpu.vector_load %arg6[%get3A_657, %get3A_658] {strides = array<i32>} : memref<200x128xf32, #tpu.memory_space<vmem>>, vector<1x16xf32>,
        %get3A_660 = vector.shape_cast %get3A_659 : vector<1x16xf32> to vector<16xf32>
        %add3A_661 = arith.addf %add3A_605, %get3A_660 : vector<16xf32>
        %add3A_662 = arith.constant 6 : i32
        %add3A_663 = arith.addi %mul3A_283, %add3A_662 : i32
        %get3A_664 = arith.index_cast %add3A_663 : i32 to index
        %get3A_665 = arith.constant 96 : index
        %get3A_666 = tpu.vector_load %arg6[%get3A_664, %get3A_665] {strides = array<i32>} : memref<200x128xf32, #tpu.memory_space<vmem>>, vector<1x16xf32>,
        %get3A_667 = vector.shape_cast %get3A_666 : vector<1x16xf32> to vector<16xf32>
        %add3A_668 = arith.addf %add3A_612, %get3A_667 : vector<16xf32>
        %add3A_669 = arith.constant 6 : i32
        %add3A_670 = arith.addi %mul3A_283, %add3A_669 : i32
        %get3A_671 = arith.index_cast %add3A_670 : i32 to index
        %get3A_672 = arith.constant 112 : index
        %get3A_673 = tpu.vector_load %arg6[%get3A_671, %get3A_672] {strides = array<i32>} : memref<200x128xf32, #tpu.memory_space<vmem>>, vector<1x16xf32>,
        %get3A_674 = vector.shape_cast %get3A_673 : vector<1x16xf32> to vector<16xf32>
        %add3A_675 = arith.addf %add3A_619, %get3A_674 : vector<16xf32>
        %add3A_676 = arith.constant 7 : i32
        %add3A_677 = arith.addi %mul3A_283, %add3A_676 : i32
        %get3A_678 = arith.index_cast %add3A_677 : i32 to index
        %get3A_679 = arith.constant 0 : index
        %get3A_680 = tpu.vector_load %arg6[%get3A_678, %get3A_679] {strides = array<i32>} : memref<200x128xf32, #tpu.memory_space<vmem>>, vector<1x16xf32>,
        %get3A_681 = vector.shape_cast %get3A_680 : vector<1x16xf32> to vector<16xf32>
        %add3A_682 = arith.addf %add3A_626, %get3A_681 : vector<16xf32>
        %add3A_683 = arith.constant 7 : i32
        %add3A_684 = arith.addi %mul3A_283, %add3A_683 : i32
        %get3A_685 = arith.index_cast %add3A_684 : i32 to index
        %get3A_686 = arith.constant 16 : index
        %get3A_687 = tpu.vector_load %arg6[%get3A_685, %get3A_686] {strides = array<i32>} : memref<200x128xf32, #tpu.memory_space<vmem>>, vector<1x16xf32>,
        %get3A_688 = vector.shape_cast %get3A_687 : vector<1x16xf32> to vector<16xf32>
        %add3A_689 = arith.addf %add3A_633, %get3A_688 : vector<16xf32>
        %add3A_690 = arith.constant 7 : i32
        %add3A_691 = arith.addi %mul3A_283, %add3A_690 : i32
        %get3A_692 = arith.index_cast %add3A_691 : i32 to index
        %get3A_693 = arith.constant 32 : index
        %get3A_694 = tpu.vector_load %arg6[%get3A_692, %get3A_693] {strides = array<i32>} : memref<200x128xf32, #tpu.memory_space<vmem>>, vector<1x16xf32>,
        %get3A_695 = vector.shape_cast %get3A_694 : vector<1x16xf32> to vector<16xf32>
        %add3A_696 = arith.addf %add3A_640, %get3A_695 : vector<16xf32>
        %add3A_697 = arith.constant 7 : i32
        %add3A_698 = arith.addi %mul3A_283, %add3A_697 : i32
        %get3A_699 = arith.index_cast %add3A_698 : i32 to index
        %get3A_700 = arith.constant 48 : index
        %get3A_701 = tpu.vector_load %arg6[%get3A_699, %get3A_700] {strides = array<i32>} : memref<200x128xf32, #tpu.memory_space<vmem>>, vector<1x16xf32>,
        %get3A_702 = vector.shape_cast %get3A_701 : vector<1x16xf32> to vector<16xf32>
        %add3A_703 = arith.addf %add3A_647, %get3A_702 : vector<16xf32>
        %add3A_704 = arith.constant 7 : i32
        %add3A_705 = arith.addi %mul3A_283, %add3A_704 : i32
        %get3A_706 = arith.index_cast %add3A_705 : i32 to index
        %get3A_707 = arith.constant 64 : index
        %get3A_708 = tpu.vector_load %arg6[%get3A_706, %get3A_707] {strides = array<i32>} : memref<200x128xf32, #tpu.memory_space<vmem>>, vector<1x16xf32>,
        %get3A_709 = vector.shape_cast %get3A_708 : vector<1x16xf32> to vector<16xf32>
        %add3A_710 = arith.addf %add3A_654, %get3A_709 : vector<16xf32>
        %add3A_711 = arith.constant 7 : i32
        %add3A_712 = arith.addi %mul3A_283, %add3A_711 : i32
        %get3A_713 = arith.index_cast %add3A_712 : i32 to index
        %get3A_714 = arith.constant 80 : index
        %get3A_715 = tpu.vector_load %arg6[%get3A_713, %get3A_714] {strides = array<i32>} : memref<200x128xf32, #tpu.memory_space<vmem>>, vector<1x16xf32>,
        %get3A_716 = vector.shape_cast %get3A_715 : vector<1x16xf32> to vector<16xf32>
        %add3A_717 = arith.addf %add3A_661, %get3A_716 : vector<16xf32>
        %add3A_718 = arith.constant 7 : i32
        %add3A_719 = arith.addi %mul3A_283, %add3A_718 : i32
        %get3A_720 = arith.index_cast %add3A_719 : i32 to index
        %get3A_721 = arith.constant 96 : index
        %get3A_722 = tpu.vector_load %arg6[%get3A_720, %get3A_721] {strides = array<i32>} : memref<200x128xf32, #tpu.memory_space<vmem>>, vector<1x16xf32>,
        %get3A_723 = vector.shape_cast %get3A_722 : vector<1x16xf32> to vector<16xf32>
        %add3A_724 = arith.addf %add3A_668, %get3A_723 : vector<16xf32>
        %add3A_725 = arith.constant 7 : i32
        %add3A_726 = arith.addi %mul3A_283, %add3A_725 : i32
        %get3A_727 = arith.index_cast %add3A_726 : i32 to index
        %get3A_728 = arith.constant 112 : index
        %get3A_729 = tpu.vector_load %arg6[%get3A_727, %get3A_728] {strides = array<i32>} : memref<200x128xf32, #tpu.memory_space<vmem>>, vector<1x16xf32>,
        %get3A_730 = vector.shape_cast %get3A_729 : vector<1x16xf32> to vector<16xf32>
        %add3A_731 = arith.addf %add3A_675, %get3A_730 : vector<16xf32>
        scf.yield %add3A_682, %add3A_689, %add3A_696, %add3A_703, %add3A_710, %add3A_717, %add3A_724, %add3A_731 : vector<16xf32>, vector<16xf32>, vector<16xf32>, vector<16xf32>, vector<16xf32>, vector<16xf32>, vector<16xf32>, vector<16xf32>
      }
      %scan3A_200 = arith.constant 25 : i32
      %add3A_201 = arith.constant 2 : i32
      %add3A_202 = arith.addi %add3A_171, %add3A_201 : i32
      %lt3A_203 = arith.constant 10 : i32
      %lt3A_204 = arith.cmpi slt, %add3A_202, %lt3A_203 : i32
      %convert_element_type3A_205 = arith.extui %lt3A_204 : i1 to i32
      %cond3A_206 = arith.constant 0 : i32
      %cond3A_207 = arith.cmpi ne, %convert_element_type3A_205, %cond3A_206 : i32
      scf.if %cond3A_207 {
        %add3A_273 = arith.constant 2 : i32
        %add3A_274 = arith.addi %add3A_171, %add3A_273 : i32
        %mul3A_275 = arith.constant 200 : i32
        %mul3A_276 = arith.muli %add3A_274, %mul3A_275 : i32
        %add3A_277 = arith.addi %mul3A_2, %mul3A_276 : i32
        %dma_start3A_278 = arith.constant 0 : i32
        %dma_start3A_279 = tpu.memref_slice %arg2[%add3A_277, %dma_start3A_278] : memref<320000x128xf32, #tpu.memory_space<hbm>> -> memref<200x128xf32, #tpu.memory_space<hbm>>
        %dma_start3A_280 = arith.constant 0 : i32
        %dma_start3A_281 = tpu.memref_slice %arg2[%add3A_277, %dma_start3A_280] : memref<320000x128xf32, #tpu.memory_space<hbm>> -> memref<200x128xf32, #tpu.memory_space<hbm>>
        tpu.enqueue_dma source(%dma_start3A_281 : memref<200x128xf32, #tpu.memory_space<hbm>>) target(%arg6 : memref<200x128xf32, #tpu.memory_space<vmem>>) target_semaphore(%arg9 : memref<!tpu.dma_semaphore, #tpu.memory_space<semaphore_mem>>)
      } else {
      }
      %get3A_208 = arith.constant 0 : index
      %get3A_209 = tpu.vector_load %arg7[%get3A_208] {strides = array<i32>} : memref<128xf32, #tpu.memory_space<vmem>>, vector<16xf32>,
      %get3A_210 = vector.shape_cast %get3A_209 : vector<16xf32> to vector<16xf32>
      %add3A_211 = arith.addf %get3A_210, %scan3A_199#0 : vector<16xf32>
      %swap3A_212 = arith.constant 0 : index
      %swap3A_213 = tpu.vector_load %arg7[%swap3A_212] {strides = array<i32>} : memref<128xf32, #tpu.memory_space<vmem>>, vector<16xf32>,
      %swap3A_214 = vector.shape_cast %swap3A_213 : vector<16xf32> to vector<16xf32>
      %swap3A_215 = vector.shape_cast %add3A_211 : vector<16xf32> to vector<16xf32>
      tpu.vector_store %arg7[%swap3A_212], %swap3A_215 {strides = array<i32>} : memref<128xf32, #tpu.memory_space<vmem>>, vector<16xf32>,
      %get3A_216 = arith.constant 16 : index
      %get3A_217 = tpu.vector_load %arg7[%get3A_216] {strides = array<i32>} : memref<128xf32, #tpu.memory_space<vmem>>, vector<16xf32>,
      %get3A_218 = vector.shape_cast %get3A_217 : vector<16xf32> to vector<16xf32>
      %add3A_219 = arith.addf %get3A_218, %scan3A_199#1 : vector<16xf32>
      %swap3A_220 = arith.constant 16 : index
      %swap3A_221 = tpu.vector_load %arg7[%swap3A_220] {strides = array<i32>} : memref<128xf32, #tpu.memory_space<vmem>>, vector<16xf32>,
      %swap3A_222 = vector.shape_cast %swap3A_221 : vector<16xf32> to vector<16xf32>
      %swap3A_223 = vector.shape_cast %add3A_219 : vector<16xf32> to vector<16xf32>
      tpu.vector_store %arg7[%swap3A_220], %swap3A_223 {strides = array<i32>} : memref<128xf32, #tpu.memory_space<vmem>>, vector<16xf32>,
      %get3A_224 = arith.constant 32 : index
      %get3A_225 = tpu.vector_load %arg7[%get3A_224] {strides = array<i32>} : memref<128xf32, #tpu.memory_space<vmem>>, vector<16xf32>,
      %get3A_226 = vector.shape_cast %get3A_225 : vector<16xf32> to vector<16xf32>
      %add3A_227 = arith.addf %get3A_226, %scan3A_199#2 : vector<16xf32>
      %swap3A_228 = arith.constant 32 : index
      %swap3A_229 = tpu.vector_load %arg7[%swap3A_228] {strides = array<i32>} : memref<128xf32, #tpu.memory_space<vmem>>, vector<16xf32>,
      %swap3A_230 = vector.shape_cast %swap3A_229 : vector<16xf32> to vector<16xf32>
      %swap3A_231 = vector.shape_cast %add3A_227 : vector<16xf32> to vector<16xf32>
      tpu.vector_store %arg7[%swap3A_228], %swap3A_231 {strides = array<i32>} : memref<128xf32, #tpu.memory_space<vmem>>, vector<16xf32>,
      %get3A_232 = arith.constant 48 : index
      %get3A_233 = tpu.vector_load %arg7[%get3A_232] {strides = array<i32>} : memref<128xf32, #tpu.memory_space<vmem>>, vector<16xf32>,
      %get3A_234 = vector.shape_cast %get3A_233 : vector<16xf32> to vector<16xf32>
      %add3A_235 = arith.addf %get3A_234, %scan3A_199#3 : vector<16xf32>
      %swap3A_236 = arith.constant 48 : index
      %swap3A_237 = tpu.vector_load %arg7[%swap3A_236] {strides = array<i32>} : memref<128xf32, #tpu.memory_space<vmem>>, vector<16xf32>,
      %swap3A_238 = vector.shape_cast %swap3A_237 : vector<16xf32> to vector<16xf32>
      %swap3A_239 = vector.shape_cast %add3A_235 : vector<16xf32> to vector<16xf32>
      tpu.vector_store %arg7[%swap3A_236], %swap3A_239 {strides = array<i32>} : memref<128xf32, #tpu.memory_space<vmem>>, vector<16xf32>,
      %get3A_240 = arith.constant 64 : index
      %get3A_241 = tpu.vector_load %arg7[%get3A_240] {strides = array<i32>} : memref<128xf32, #tpu.memory_space<vmem>>, vector<16xf32>,
      %get3A_242 = vector.shape_cast %get3A_241 : vector<16xf32> to vector<16xf32>
      %add3A_243 = arith.addf %get3A_242, %scan3A_199#4 : vector<16xf32>
      %swap3A_244 = arith.constant 64 : index
      %swap3A_245 = tpu.vector_load %arg7[%swap3A_244] {strides = array<i32>} : memref<128xf32, #tpu.memory_space<vmem>>, vector<16xf32>,
      %swap3A_246 = vector.shape_cast %swap3A_245 : vector<16xf32> to vector<16xf32>
      %swap3A_247 = vector.shape_cast %add3A_243 : vector<16xf32> to vector<16xf32>
      tpu.vector_store %arg7[%swap3A_244], %swap3A_247 {strides = array<i32>} : memref<128xf32, #tpu.memory_space<vmem>>, vector<16xf32>,
      %get3A_248 = arith.constant 80 : index
      %get3A_249 = tpu.vector_load %arg7[%get3A_248] {strides = array<i32>} : memref<128xf32, #tpu.memory_space<vmem>>, vector<16xf32>,
      %get3A_250 = vector.shape_cast %get3A_249 : vector<16xf32> to vector<16xf32>
      %add3A_251 = arith.addf %get3A_250, %scan3A_199#5 : vector<16xf32>
      %swap3A_252 = arith.constant 80 : index
      %swap3A_253 = tpu.vector_load %arg7[%swap3A_252] {strides = array<i32>} : memref<128xf32, #tpu.memory_space<vmem>>, vector<16xf32>,
      %swap3A_254 = vector.shape_cast %swap3A_253 : vector<16xf32> to vector<16xf32>
      %swap3A_255 = vector.shape_cast %add3A_251 : vector<16xf32> to vector<16xf32>
      tpu.vector_store %arg7[%swap3A_252], %swap3A_255 {strides = array<i32>} : memref<128xf32, #tpu.memory_space<vmem>>, vector<16xf32>,
      %get3A_256 = arith.constant 96 : index
      %get3A_257 = tpu.vector_load %arg7[%get3A_256] {strides = array<i32>} : memref<128xf32, #tpu.memory_space<vmem>>, vector<16xf32>,
      %get3A_258 = vector.shape_cast %get3A_257 : vector<16xf32> to vector<16xf32>
      %add3A_259 = arith.addf %get3A_258, %scan3A_199#6 : vector<16xf32>
      %swap3A_260 = arith.constant 96 : index
      %swap3A_261 = tpu.vector_load %arg7[%swap3A_260] {strides = array<i32>} : memref<128xf32, #tpu.memory_space<vmem>>, vector<16xf32>,
      %swap3A_262 = vector.shape_cast %swap3A_261 : vector<16xf32> to vector<16xf32>
      %swap3A_263 = vector.shape_cast %add3A_259 : vector<16xf32> to vector<16xf32>
      tpu.vector_store %arg7[%swap3A_260], %swap3A_263 {strides = array<i32>} : memref<128xf32, #tpu.memory_space<vmem>>, vector<16xf32>,
      %get3A_264 = arith.constant 112 : index
      %get3A_265 = tpu.vector_load %arg7[%get3A_264] {strides = array<i32>} : memref<128xf32, #tpu.memory_space<vmem>>, vector<16xf32>,
      %get3A_266 = vector.shape_cast %get3A_265 : vector<16xf32> to vector<16xf32>
      %add3A_267 = arith.addf %get3A_266, %scan3A_199#7 : vector<16xf32>
      %swap3A_268 = arith.constant 112 : index
      %swap3A_269 = tpu.vector_load %arg7[%swap3A_268] {strides = array<i32>} : memref<128xf32, #tpu.memory_space<vmem>>, vector<16xf32>,
      %swap3A_270 = vector.shape_cast %swap3A_269 : vector<16xf32> to vector<16xf32>
      %swap3A_271 = vector.shape_cast %add3A_267 : vector<16xf32> to vector<16xf32>
      tpu.vector_store %arg7[%swap3A_268], %swap3A_271 {strides = array<i32>} : memref<128xf32, #tpu.memory_space<vmem>>, vector<16xf32>,
      %scan3A_272 = arith.constant 0 : i32
      scf.yield %scan3A_272 : i32
    }
    %scan3A_49 = arith.constant 5 : i32
    %dma_start3A_50 = arith.constant 0 : i32
    %dma_start3A_51 = tpu.memref_slice %arg3[%mul3A_2, %dma_start3A_50] : memref<320000x128xf32, #tpu.memory_space<hbm>> -> memref<200x128xf32, #tpu.memory_space<hbm>>
    %dma_start3A_52 = arith.constant 0 : i32
    %dma_start3A_53 = tpu.memref_slice %arg3[%mul3A_2, %dma_start3A_52] : memref<320000x128xf32, #tpu.memory_space<hbm>> -> memref<200x128xf32, #tpu.memory_space<hbm>>
    tpu.enqueue_dma source(%dma_start3A_53 : memref<200x128xf32, #tpu.memory_space<hbm>>) target(%arg5 : memref<200x128xf32, #tpu.memory_space<vmem>>) target_semaphore(%arg8 : memref<!tpu.dma_semaphore, #tpu.memory_space<semaphore_mem>>)
    %add3A_54 = arith.constant 200 : i32
    %add3A_55 = arith.addi %mul3A_2, %add3A_54 : i32
    %dma_start3A_56 = arith.constant 0 : i32
    %dma_start3A_57 = tpu.memref_slice %arg3[%add3A_55, %dma_start3A_56] : memref<320000x128xf32, #tpu.memory_space<hbm>> -> memref<200x128xf32, #tpu.memory_space<hbm>>
    %dma_start3A_58 = arith.constant 0 : i32
    %dma_start3A_59 = tpu.memref_slice %arg3[%add3A_55, %dma_start3A_58] : memref<320000x128xf32, #tpu.memory_space<hbm>> -> memref<200x128xf32, #tpu.memory_space<hbm>>
    tpu.enqueue_dma source(%dma_start3A_59 : memref<200x128xf32, #tpu.memory_space<hbm>>) target(%arg6 : memref<200x128xf32, #tpu.memory_space<vmem>>) target_semaphore(%arg9 : memref<!tpu.dma_semaphore, #tpu.memory_space<semaphore_mem>>)
    %scan3A_60 = arith.constant 0 : i32
    %scan3A_61 = arith.constant 0 : i32
    %scan3A_62 = arith.constant 5 : i32
    %scan3A_63 = arith.addi %scan3A_61, %scan3A_62 : i32
    %scan3A_64 = arith.constant 1 : i32
    %scan3A_65 = scf.for %scan3A_67 = %scan3A_61 to %scan3A_63 step %scan3A_64 iter_args(%scan3A_68 = %scan3A_60) -> (i32)  : i32 {
      %mul3A_69 = arith.constant 2 : i32
      %mul3A_70 = arith.muli %scan3A_67, %mul3A_69 : i32
      %add3A_71 = arith.constant 0 : i32
      %add3A_72 = arith.addi %mul3A_70, %add3A_71 : i32
      %mul3A_73 = arith.constant 200 : i32
      %mul3A_74 = arith.muli %add3A_72, %mul3A_73 : i32
      %add3A_75 = arith.addi %mul3A_2, %mul3A_74 : i32
      %dma_wait3A = arith.constant 0 : i32
      %dma_wait3A_76 = tpu.memref_slice %arg3[%add3A_75, %dma_wait3A] : memref<320000x128xf32, #tpu.memory_space<hbm>> -> memref<200x128xf32, #tpu.memory_space<hbm>>
      %dma_wait3A_77 = arith.constant 0 : i32
      %dma_wait3A_78 = tpu.memref_slice %arg3[%add3A_75, %dma_wait3A_77] : memref<320000x128xf32, #tpu.memory_space<hbm>> -> memref<200x128xf32, #tpu.memory_space<hbm>>
      tpu.wait_dma2 semaphore(%arg8 : memref<!tpu.dma_semaphore, #tpu.memory_space<semaphore_mem>>) src(%dma_wait3A_78 : memref<200x128xf32, #tpu.memory_space<hbm>>) dst(%arg5 : memref<200x128xf32, #tpu.memory_space<vmem>>)
      %broadcast_in_dim3A_79 = arith.constant 0.000000e+00 : f32
      %broadcast_in_dim3A_80 = vector.broadcast %broadcast_in_dim3A_79 : f32 to vector<16xf32>
      %broadcast_in_dim3A_81 = arith.constant 0.000000e+00 : f32
      %broadcast_in_dim3A_82 = vector.broadcast %broadcast_in_dim3A_81 : f32 to vector<16xf32>
      %broadcast_in_dim3A_83 = arith.constant 0.000000e+00 : f32
      %broadcast_in_dim3A_84 = vector.broadcast %broadcast_in_dim3A_83 : f32 to vector<16xf32>
      %broadcast_in_dim3A_85 = arith.constant 0.000000e+00 : f32
      %broadcast_in_dim3A_86 = vector.broadcast %broadcast_in_dim3A_85 : f32 to vector<16xf32>
      %broadcast_in_dim3A_87 = arith.constant 0.000000e+00 : f32
      %broadcast_in_dim3A_88 = vector.broadcast %broadcast_in_dim3A_87 : f32 to vector<16xf32>
      %broadcast_in_dim3A_89 = arith.constant 0.000000e+00 : f32
      %broadcast_in_dim3A_90 = vector.broadcast %broadcast_in_dim3A_89 : f32 to vector<16xf32>
      %broadcast_in_dim3A_91 = arith.constant 0.000000e+00 : f32
      %broadcast_in_dim3A_92 = vector.broadcast %broadcast_in_dim3A_91 : f32 to vector<16xf32>
      %broadcast_in_dim3A_93 = arith.constant 0.000000e+00 : f32
      %broadcast_in_dim3A_94 = vector.broadcast %broadcast_in_dim3A_93 : f32 to vector<16xf32>
      %scan3A_95 = arith.constant 0 : i32
      %scan3A_96 = arith.constant 25 : i32
      %scan3A_97 = arith.addi %scan3A_95, %scan3A_96 : i32
      %scan3A_98 = arith.constant 1 : i32
      %scan3A_99:8 = scf.for %scan3A_273 = %scan3A_95 to %scan3A_97 step %scan3A_98 iter_args(%scan3A_274 = %broadcast_in_dim3A_80, %scan3A_275 = %broadcast_in_dim3A_82, %scan3A_276 = %broadcast_in_dim3A_84, %scan3A_277 = %broadcast_in_dim3A_86, %scan3A_278 = %broadcast_in_dim3A_88, %scan3A_279 = %broadcast_in_dim3A_90, %scan3A_280 = %broadcast_in_dim3A_92, %scan3A_281 = %broadcast_in_dim3A_94) -> (vector<16xf32>, vector<16xf32>, vector<16xf32>, vector<16xf32>, vector<16xf32>, vector<16xf32>, vector<16xf32>, vector<16xf32>)  : i32 {
        %mul3A_282 = arith.constant 8 : i32
        %mul3A_283 = arith.muli %scan3A_273, %mul3A_282 : i32
        %add3A_284 = arith.constant 0 : i32
        %add3A_285 = arith.addi %mul3A_283, %add3A_284 : i32
        %get3A_286 = arith.index_cast %add3A_285 : i32 to index
        %get3A_287 = arith.constant 0 : index
        %get3A_288 = tpu.vector_load %arg5[%get3A_286, %get3A_287] {strides = array<i32>} : memref<200x128xf32, #tpu.memory_space<vmem>>, vector<1x16xf32>,
        %get3A_289 = vector.shape_cast %get3A_288 : vector<1x16xf32> to vector<16xf32>
        %add3A_290 = arith.addf %scan3A_274, %get3A_289 : vector<16xf32>
        %add3A_291 = arith.constant 0 : i32
        %add3A_292 = arith.addi %mul3A_283, %add3A_291 : i32
        %get3A_293 = arith.index_cast %add3A_292 : i32 to index
        %get3A_294 = arith.constant 16 : index
        %get3A_295 = tpu.vector_load %arg5[%get3A_293, %get3A_294] {strides = array<i32>} : memref<200x128xf32, #tpu.memory_space<vmem>>, vector<1x16xf32>,
        %get3A_296 = vector.shape_cast %get3A_295 : vector<1x16xf32> to vector<16xf32>
        %add3A_297 = arith.addf %scan3A_275, %get3A_296 : vector<16xf32>
        %add3A_298 = arith.constant 0 : i32
        %add3A_299 = arith.addi %mul3A_283, %add3A_298 : i32
        %get3A_300 = arith.index_cast %add3A_299 : i32 to index
        %get3A_301 = arith.constant 32 : index
        %get3A_302 = tpu.vector_load %arg5[%get3A_300, %get3A_301] {strides = array<i32>} : memref<200x128xf32, #tpu.memory_space<vmem>>, vector<1x16xf32>,
        %get3A_303 = vector.shape_cast %get3A_302 : vector<1x16xf32> to vector<16xf32>
        %add3A_304 = arith.addf %scan3A_276, %get3A_303 : vector<16xf32>
        %add3A_305 = arith.constant 0 : i32
        %add3A_306 = arith.addi %mul3A_283, %add3A_305 : i32
        %get3A_307 = arith.index_cast %add3A_306 : i32 to index
        %get3A_308 = arith.constant 48 : index
        %get3A_309 = tpu.vector_load %arg5[%get3A_307, %get3A_308] {strides = array<i32>} : memref<200x128xf32, #tpu.memory_space<vmem>>, vector<1x16xf32>,
        %get3A_310 = vector.shape_cast %get3A_309 : vector<1x16xf32> to vector<16xf32>
        %add3A_311 = arith.addf %scan3A_277, %get3A_310 : vector<16xf32>
        %add3A_312 = arith.constant 0 : i32
        %add3A_313 = arith.addi %mul3A_283, %add3A_312 : i32
        %get3A_314 = arith.index_cast %add3A_313 : i32 to index
        %get3A_315 = arith.constant 64 : index
        %get3A_316 = tpu.vector_load %arg5[%get3A_314, %get3A_315] {strides = array<i32>} : memref<200x128xf32, #tpu.memory_space<vmem>>, vector<1x16xf32>,
        %get3A_317 = vector.shape_cast %get3A_316 : vector<1x16xf32> to vector<16xf32>
        %add3A_318 = arith.addf %scan3A_278, %get3A_317 : vector<16xf32>
        %add3A_319 = arith.constant 0 : i32
        %add3A_320 = arith.addi %mul3A_283, %add3A_319 : i32
        %get3A_321 = arith.index_cast %add3A_320 : i32 to index
        %get3A_322 = arith.constant 80 : index
        %get3A_323 = tpu.vector_load %arg5[%get3A_321, %get3A_322] {strides = array<i32>} : memref<200x128xf32, #tpu.memory_space<vmem>>, vector<1x16xf32>,
        %get3A_324 = vector.shape_cast %get3A_323 : vector<1x16xf32> to vector<16xf32>
        %add3A_325 = arith.addf %scan3A_279, %get3A_324 : vector<16xf32>
        %add3A_326 = arith.constant 0 : i32
        %add3A_327 = arith.addi %mul3A_283, %add3A_326 : i32
        %get3A_328 = arith.index_cast %add3A_327 : i32 to index
        %get3A_329 = arith.constant 96 : index
        %get3A_330 = tpu.vector_load %arg5[%get3A_328, %get3A_329] {strides = array<i32>} : memref<200x128xf32, #tpu.memory_space<vmem>>, vector<1x16xf32>,
        %get3A_331 = vector.shape_cast %get3A_330 : vector<1x16xf32> to vector<16xf32>
        %add3A_332 = arith.addf %scan3A_280, %get3A_331 : vector<16xf32>
        %add3A_333 = arith.constant 0 : i32
        %add3A_334 = arith.addi %mul3A_283, %add3A_333 : i32
        %get3A_335 = arith.index_cast %add3A_334 : i32 to index
        %get3A_336 = arith.constant 112 : index
        %get3A_337 = tpu.vector_load %arg5[%get3A_335, %get3A_336] {strides = array<i32>} : memref<200x128xf32, #tpu.memory_space<vmem>>, vector<1x16xf32>,
        %get3A_338 = vector.shape_cast %get3A_337 : vector<1x16xf32> to vector<16xf32>
        %add3A_339 = arith.addf %scan3A_281, %get3A_338 : vector<16xf32>
        %add3A_340 = arith.constant 1 : i32
        %add3A_341 = arith.addi %mul3A_283, %add3A_340 : i32
        %get3A_342 = arith.index_cast %add3A_341 : i32 to index
        %get3A_343 = arith.constant 0 : index
        %get3A_344 = tpu.vector_load %arg5[%get3A_342, %get3A_343] {strides = array<i32>} : memref<200x128xf32, #tpu.memory_space<vmem>>, vector<1x16xf32>,
        %get3A_345 = vector.shape_cast %get3A_344 : vector<1x16xf32> to vector<16xf32>
        %add3A_346 = arith.addf %add3A_290, %get3A_345 : vector<16xf32>
        %add3A_347 = arith.constant 1 : i32
        %add3A_348 = arith.addi %mul3A_283, %add3A_347 : i32
        %get3A_349 = arith.index_cast %add3A_348 : i32 to index
        %get3A_350 = arith.constant 16 : index
        %get3A_351 = tpu.vector_load %arg5[%get3A_349, %get3A_350] {strides = array<i32>} : memref<200x128xf32, #tpu.memory_space<vmem>>, vector<1x16xf32>,
        %get3A_352 = vector.shape_cast %get3A_351 : vector<1x16xf32> to vector<16xf32>
        %add3A_353 = arith.addf %add3A_297, %get3A_352 : vector<16xf32>
        %add3A_354 = arith.constant 1 : i32
        %add3A_355 = arith.addi %mul3A_283, %add3A_354 : i32
        %get3A_356 = arith.index_cast %add3A_355 : i32 to index
        %get3A_357 = arith.constant 32 : index
        %get3A_358 = tpu.vector_load %arg5[%get3A_356, %get3A_357] {strides = array<i32>} : memref<200x128xf32, #tpu.memory_space<vmem>>, vector<1x16xf32>,
        %get3A_359 = vector.shape_cast %get3A_358 : vector<1x16xf32> to vector<16xf32>
        %add3A_360 = arith.addf %add3A_304, %get3A_359 : vector<16xf32>
        %add3A_361 = arith.constant 1 : i32
        %add3A_362 = arith.addi %mul3A_283, %add3A_361 : i32
        %get3A_363 = arith.index_cast %add3A_362 : i32 to index
        %get3A_364 = arith.constant 48 : index
        %get3A_365 = tpu.vector_load %arg5[%get3A_363, %get3A_364] {strides = array<i32>} : memref<200x128xf32, #tpu.memory_space<vmem>>, vector<1x16xf32>,
        %get3A_366 = vector.shape_cast %get3A_365 : vector<1x16xf32> to vector<16xf32>
        %add3A_367 = arith.addf %add3A_311, %get3A_366 : vector<16xf32>
        %add3A_368 = arith.constant 1 : i32
        %add3A_369 = arith.addi %mul3A_283, %add3A_368 : i32
        %get3A_370 = arith.index_cast %add3A_369 : i32 to index
        %get3A_371 = arith.constant 64 : index
        %get3A_372 = tpu.vector_load %arg5[%get3A_370, %get3A_371] {strides = array<i32>} : memref<200x128xf32, #tpu.memory_space<vmem>>, vector<1x16xf32>,
        %get3A_373 = vector.shape_cast %get3A_372 : vector<1x16xf32> to vector<16xf32>
        %add3A_374 = arith.addf %add3A_318, %get3A_373 : vector<16xf32>
        %add3A_375 = arith.constant 1 : i32
        %add3A_376 = arith.addi %mul3A_283, %add3A_375 : i32
        %get3A_377 = arith.index_cast %add3A_376 : i32 to index
        %get3A_378 = arith.constant 80 : index
        %get3A_379 = tpu.vector_load %arg5[%get3A_377, %get3A_378] {strides = array<i32>} : memref<200x128xf32, #tpu.memory_space<vmem>>, vector<1x16xf32>,
        %get3A_380 = vector.shape_cast %get3A_379 : vector<1x16xf32> to vector<16xf32>
        %add3A_381 = arith.addf %add3A_325, %get3A_380 : vector<16xf32>
        %add3A_382 = arith.constant 1 : i32
        %add3A_383 = arith.addi %mul3A_283, %add3A_382 : i32
        %get3A_384 = arith.index_cast %add3A_383 : i32 to index
        %get3A_385 = arith.constant 96 : index
        %get3A_386 = tpu.vector_load %arg5[%get3A_384, %get3A_385] {strides = array<i32>} : memref<200x128xf32, #tpu.memory_space<vmem>>, vector<1x16xf32>,
        %get3A_387 = vector.shape_cast %get3A_386 : vector<1x16xf32> to vector<16xf32>
        %add3A_388 = arith.addf %add3A_332, %get3A_387 : vector<16xf32>
        %add3A_389 = arith.constant 1 : i32
        %add3A_390 = arith.addi %mul3A_283, %add3A_389 : i32
        %get3A_391 = arith.index_cast %add3A_390 : i32 to index
        %get3A_392 = arith.constant 112 : index
        %get3A_393 = tpu.vector_load %arg5[%get3A_391, %get3A_392] {strides = array<i32>} : memref<200x128xf32, #tpu.memory_space<vmem>>, vector<1x16xf32>,
        %get3A_394 = vector.shape_cast %get3A_393 : vector<1x16xf32> to vector<16xf32>
        %add3A_395 = arith.addf %add3A_339, %get3A_394 : vector<16xf32>
        %add3A_396 = arith.constant 2 : i32
        %add3A_397 = arith.addi %mul3A_283, %add3A_396 : i32
        %get3A_398 = arith.index_cast %add3A_397 : i32 to index
        %get3A_399 = arith.constant 0 : index
        %get3A_400 = tpu.vector_load %arg5[%get3A_398, %get3A_399] {strides = array<i32>} : memref<200x128xf32, #tpu.memory_space<vmem>>, vector<1x16xf32>,
        %get3A_401 = vector.shape_cast %get3A_400 : vector<1x16xf32> to vector<16xf32>
        %add3A_402 = arith.addf %add3A_346, %get3A_401 : vector<16xf32>
        %add3A_403 = arith.constant 2 : i32
        %add3A_404 = arith.addi %mul3A_283, %add3A_403 : i32
        %get3A_405 = arith.index_cast %add3A_404 : i32 to index
        %get3A_406 = arith.constant 16 : index
        %get3A_407 = tpu.vector_load %arg5[%get3A_405, %get3A_406] {strides = array<i32>} : memref<200x128xf32, #tpu.memory_space<vmem>>, vector<1x16xf32>,
        %get3A_408 = vector.shape_cast %get3A_407 : vector<1x16xf32> to vector<16xf32>
        %add3A_409 = arith.addf %add3A_353, %get3A_408 : vector<16xf32>
        %add3A_410 = arith.constant 2 : i32
        %add3A_411 = arith.addi %mul3A_283, %add3A_410 : i32
        %get3A_412 = arith.index_cast %add3A_411 : i32 to index
        %get3A_413 = arith.constant 32 : index
        %get3A_414 = tpu.vector_load %arg5[%get3A_412, %get3A_413] {strides = array<i32>} : memref<200x128xf32, #tpu.memory_space<vmem>>, vector<1x16xf32>,
        %get3A_415 = vector.shape_cast %get3A_414 : vector<1x16xf32> to vector<16xf32>
        %add3A_416 = arith.addf %add3A_360, %get3A_415 : vector<16xf32>
        %add3A_417 = arith.constant 2 : i32
        %add3A_418 = arith.addi %mul3A_283, %add3A_417 : i32
        %get3A_419 = arith.index_cast %add3A_418 : i32 to index
        %get3A_420 = arith.constant 48 : index
        %get3A_421 = tpu.vector_load %arg5[%get3A_419, %get3A_420] {strides = array<i32>} : memref<200x128xf32, #tpu.memory_space<vmem>>, vector<1x16xf32>,
        %get3A_422 = vector.shape_cast %get3A_421 : vector<1x16xf32> to vector<16xf32>
        %add3A_423 = arith.addf %add3A_367, %get3A_422 : vector<16xf32>
        %add3A_424 = arith.constant 2 : i32
        %add3A_425 = arith.addi %mul3A_283, %add3A_424 : i32
        %get3A_426 = arith.index_cast %add3A_425 : i32 to index
        %get3A_427 = arith.constant 64 : index
        %get3A_428 = tpu.vector_load %arg5[%get3A_426, %get3A_427] {strides = array<i32>} : memref<200x128xf32, #tpu.memory_space<vmem>>, vector<1x16xf32>,
        %get3A_429 = vector.shape_cast %get3A_428 : vector<1x16xf32> to vector<16xf32>
        %add3A_430 = arith.addf %add3A_374, %get3A_429 : vector<16xf32>
        %add3A_431 = arith.constant 2 : i32
        %add3A_432 = arith.addi %mul3A_283, %add3A_431 : i32
        %get3A_433 = arith.index_cast %add3A_432 : i32 to index
        %get3A_434 = arith.constant 80 : index
        %get3A_435 = tpu.vector_load %arg5[%get3A_433, %get3A_434] {strides = array<i32>} : memref<200x128xf32, #tpu.memory_space<vmem>>, vector<1x16xf32>,
        %get3A_436 = vector.shape_cast %get3A_435 : vector<1x16xf32> to vector<16xf32>
        %add3A_437 = arith.addf %add3A_381, %get3A_436 : vector<16xf32>
        %add3A_438 = arith.constant 2 : i32
        %add3A_439 = arith.addi %mul3A_283, %add3A_438 : i32
        %get3A_440 = arith.index_cast %add3A_439 : i32 to index
        %get3A_441 = arith.constant 96 : index
        %get3A_442 = tpu.vector_load %arg5[%get3A_440, %get3A_441] {strides = array<i32>} : memref<200x128xf32, #tpu.memory_space<vmem>>, vector<1x16xf32>,
        %get3A_443 = vector.shape_cast %get3A_442 : vector<1x16xf32> to vector<16xf32>
        %add3A_444 = arith.addf %add3A_388, %get3A_443 : vector<16xf32>
        %add3A_445 = arith.constant 2 : i32
        %add3A_446 = arith.addi %mul3A_283, %add3A_445 : i32
        %get3A_447 = arith.index_cast %add3A_446 : i32 to index
        %get3A_448 = arith.constant 112 : index
        %get3A_449 = tpu.vector_load %arg5[%get3A_447, %get3A_448] {strides = array<i32>} : memref<200x128xf32, #tpu.memory_space<vmem>>, vector<1x16xf32>,
        %get3A_450 = vector.shape_cast %get3A_449 : vector<1x16xf32> to vector<16xf32>
        %add3A_451 = arith.addf %add3A_395, %get3A_450 : vector<16xf32>
        %add3A_452 = arith.constant 3 : i32
        %add3A_453 = arith.addi %mul3A_283, %add3A_452 : i32
        %get3A_454 = arith.index_cast %add3A_453 : i32 to index
        %get3A_455 = arith.constant 0 : index
        %get3A_456 = tpu.vector_load %arg5[%get3A_454, %get3A_455] {strides = array<i32>} : memref<200x128xf32, #tpu.memory_space<vmem>>, vector<1x16xf32>,
        %get3A_457 = vector.shape_cast %get3A_456 : vector<1x16xf32> to vector<16xf32>
        %add3A_458 = arith.addf %add3A_402, %get3A_457 : vector<16xf32>
        %add3A_459 = arith.constant 3 : i32
        %add3A_460 = arith.addi %mul3A_283, %add3A_459 : i32
        %get3A_461 = arith.index_cast %add3A_460 : i32 to index
        %get3A_462 = arith.constant 16 : index
        %get3A_463 = tpu.vector_load %arg5[%get3A_461, %get3A_462] {strides = array<i32>} : memref<200x128xf32, #tpu.memory_space<vmem>>, vector<1x16xf32>,
        %get3A_464 = vector.shape_cast %get3A_463 : vector<1x16xf32> to vector<16xf32>
        %add3A_465 = arith.addf %add3A_409, %get3A_464 : vector<16xf32>
        %add3A_466 = arith.constant 3 : i32
        %add3A_467 = arith.addi %mul3A_283, %add3A_466 : i32
        %get3A_468 = arith.index_cast %add3A_467 : i32 to index
        %get3A_469 = arith.constant 32 : index
        %get3A_470 = tpu.vector_load %arg5[%get3A_468, %get3A_469] {strides = array<i32>} : memref<200x128xf32, #tpu.memory_space<vmem>>, vector<1x16xf32>,
        %get3A_471 = vector.shape_cast %get3A_470 : vector<1x16xf32> to vector<16xf32>
        %add3A_472 = arith.addf %add3A_416, %get3A_471 : vector<16xf32>
        %add3A_473 = arith.constant 3 : i32
        %add3A_474 = arith.addi %mul3A_283, %add3A_473 : i32
        %get3A_475 = arith.index_cast %add3A_474 : i32 to index
        %get3A_476 = arith.constant 48 : index
        %get3A_477 = tpu.vector_load %arg5[%get3A_475, %get3A_476] {strides = array<i32>} : memref<200x128xf32, #tpu.memory_space<vmem>>, vector<1x16xf32>,
        %get3A_478 = vector.shape_cast %get3A_477 : vector<1x16xf32> to vector<16xf32>
        %add3A_479 = arith.addf %add3A_423, %get3A_478 : vector<16xf32>
        %add3A_480 = arith.constant 3 : i32
        %add3A_481 = arith.addi %mul3A_283, %add3A_480 : i32
        %get3A_482 = arith.index_cast %add3A_481 : i32 to index
        %get3A_483 = arith.constant 64 : index
        %get3A_484 = tpu.vector_load %arg5[%get3A_482, %get3A_483] {strides = array<i32>} : memref<200x128xf32, #tpu.memory_space<vmem>>, vector<1x16xf32>,
        %get3A_485 = vector.shape_cast %get3A_484 : vector<1x16xf32> to vector<16xf32>
        %add3A_486 = arith.addf %add3A_430, %get3A_485 : vector<16xf32>
        %add3A_487 = arith.constant 3 : i32
        %add3A_488 = arith.addi %mul3A_283, %add3A_487 : i32
        %get3A_489 = arith.index_cast %add3A_488 : i32 to index
        %get3A_490 = arith.constant 80 : index
        %get3A_491 = tpu.vector_load %arg5[%get3A_489, %get3A_490] {strides = array<i32>} : memref<200x128xf32, #tpu.memory_space<vmem>>, vector<1x16xf32>,
        %get3A_492 = vector.shape_cast %get3A_491 : vector<1x16xf32> to vector<16xf32>
        %add3A_493 = arith.addf %add3A_437, %get3A_492 : vector<16xf32>
        %add3A_494 = arith.constant 3 : i32
        %add3A_495 = arith.addi %mul3A_283, %add3A_494 : i32
        %get3A_496 = arith.index_cast %add3A_495 : i32 to index
        %get3A_497 = arith.constant 96 : index
        %get3A_498 = tpu.vector_load %arg5[%get3A_496, %get3A_497] {strides = array<i32>} : memref<200x128xf32, #tpu.memory_space<vmem>>, vector<1x16xf32>,
        %get3A_499 = vector.shape_cast %get3A_498 : vector<1x16xf32> to vector<16xf32>
        %add3A_500 = arith.addf %add3A_444, %get3A_499 : vector<16xf32>
        %add3A_501 = arith.constant 3 : i32
        %add3A_502 = arith.addi %mul3A_283, %add3A_501 : i32
        %get3A_503 = arith.index_cast %add3A_502 : i32 to index
        %get3A_504 = arith.constant 112 : index
        %get3A_505 = tpu.vector_load %arg5[%get3A_503, %get3A_504] {strides = array<i32>} : memref<200x128xf32, #tpu.memory_space<vmem>>, vector<1x16xf32>,
        %get3A_506 = vector.shape_cast %get3A_505 : vector<1x16xf32> to vector<16xf32>
        %add3A_507 = arith.addf %add3A_451, %get3A_506 : vector<16xf32>
        %add3A_508 = arith.constant 4 : i32
        %add3A_509 = arith.addi %mul3A_283, %add3A_508 : i32
        %get3A_510 = arith.index_cast %add3A_509 : i32 to index
        %get3A_511 = arith.constant 0 : index
        %get3A_512 = tpu.vector_load %arg5[%get3A_510, %get3A_511] {strides = array<i32>} : memref<200x128xf32, #tpu.memory_space<vmem>>, vector<1x16xf32>,
        %get3A_513 = vector.shape_cast %get3A_512 : vector<1x16xf32> to vector<16xf32>
        %add3A_514 = arith.addf %add3A_458, %get3A_513 : vector<16xf32>
        %add3A_515 = arith.constant 4 : i32
        %add3A_516 = arith.addi %mul3A_283, %add3A_515 : i32
        %get3A_517 = arith.index_cast %add3A_516 : i32 to index
        %get3A_518 = arith.constant 16 : index
        %get3A_519 = tpu.vector_load %arg5[%get3A_517, %get3A_518] {strides = array<i32>} : memref<200x128xf32, #tpu.memory_space<vmem>>, vector<1x16xf32>,
        %get3A_520 = vector.shape_cast %get3A_519 : vector<1x16xf32> to vector<16xf32>
        %add3A_521 = arith.addf %add3A_465, %get3A_520 : vector<16xf32>
        %add3A_522 = arith.constant 4 : i32
        %add3A_523 = arith.addi %mul3A_283, %add3A_522 : i32
        %get3A_524 = arith.index_cast %add3A_523 : i32 to index
        %get3A_525 = arith.constant 32 : index
        %get3A_526 = tpu.vector_load %arg5[%get3A_524, %get3A_525] {strides = array<i32>} : memref<200x128xf32, #tpu.memory_space<vmem>>, vector<1x16xf32>,
        %get3A_527 = vector.shape_cast %get3A_526 : vector<1x16xf32> to vector<16xf32>
        %add3A_528 = arith.addf %add3A_472, %get3A_527 : vector<16xf32>
        %add3A_529 = arith.constant 4 : i32
        %add3A_530 = arith.addi %mul3A_283, %add3A_529 : i32
        %get3A_531 = arith.index_cast %add3A_530 : i32 to index
        %get3A_532 = arith.constant 48 : index
        %get3A_533 = tpu.vector_load %arg5[%get3A_531, %get3A_532] {strides = array<i32>} : memref<200x128xf32, #tpu.memory_space<vmem>>, vector<1x16xf32>,
        %get3A_534 = vector.shape_cast %get3A_533 : vector<1x16xf32> to vector<16xf32>
        %add3A_535 = arith.addf %add3A_479, %get3A_534 : vector<16xf32>
        %add3A_536 = arith.constant 4 : i32
        %add3A_537 = arith.addi %mul3A_283, %add3A_536 : i32
        %get3A_538 = arith.index_cast %add3A_537 : i32 to index
        %get3A_539 = arith.constant 64 : index
        %get3A_540 = tpu.vector_load %arg5[%get3A_538, %get3A_539] {strides = array<i32>} : memref<200x128xf32, #tpu.memory_space<vmem>>, vector<1x16xf32>,
        %get3A_541 = vector.shape_cast %get3A_540 : vector<1x16xf32> to vector<16xf32>
        %add3A_542 = arith.addf %add3A_486, %get3A_541 : vector<16xf32>
        %add3A_543 = arith.constant 4 : i32
        %add3A_544 = arith.addi %mul3A_283, %add3A_543 : i32
        %get3A_545 = arith.index_cast %add3A_544 : i32 to index
        %get3A_546 = arith.constant 80 : index
        %get3A_547 = tpu.vector_load %arg5[%get3A_545, %get3A_546] {strides = array<i32>} : memref<200x128xf32, #tpu.memory_space<vmem>>, vector<1x16xf32>,
        %get3A_548 = vector.shape_cast %get3A_547 : vector<1x16xf32> to vector<16xf32>
        %add3A_549 = arith.addf %add3A_493, %get3A_548 : vector<16xf32>
        %add3A_550 = arith.constant 4 : i32
        %add3A_551 = arith.addi %mul3A_283, %add3A_550 : i32
        %get3A_552 = arith.index_cast %add3A_551 : i32 to index
        %get3A_553 = arith.constant 96 : index
        %get3A_554 = tpu.vector_load %arg5[%get3A_552, %get3A_553] {strides = array<i32>} : memref<200x128xf32, #tpu.memory_space<vmem>>, vector<1x16xf32>,
        %get3A_555 = vector.shape_cast %get3A_554 : vector<1x16xf32> to vector<16xf32>
        %add3A_556 = arith.addf %add3A_500, %get3A_555 : vector<16xf32>
        %add3A_557 = arith.constant 4 : i32
        %add3A_558 = arith.addi %mul3A_283, %add3A_557 : i32
        %get3A_559 = arith.index_cast %add3A_558 : i32 to index
        %get3A_560 = arith.constant 112 : index
        %get3A_561 = tpu.vector_load %arg5[%get3A_559, %get3A_560] {strides = array<i32>} : memref<200x128xf32, #tpu.memory_space<vmem>>, vector<1x16xf32>,
        %get3A_562 = vector.shape_cast %get3A_561 : vector<1x16xf32> to vector<16xf32>
        %add3A_563 = arith.addf %add3A_507, %get3A_562 : vector<16xf32>
        %add3A_564 = arith.constant 5 : i32
        %add3A_565 = arith.addi %mul3A_283, %add3A_564 : i32
        %get3A_566 = arith.index_cast %add3A_565 : i32 to index
        %get3A_567 = arith.constant 0 : index
        %get3A_568 = tpu.vector_load %arg5[%get3A_566, %get3A_567] {strides = array<i32>} : memref<200x128xf32, #tpu.memory_space<vmem>>, vector<1x16xf32>,
        %get3A_569 = vector.shape_cast %get3A_568 : vector<1x16xf32> to vector<16xf32>
        %add3A_570 = arith.addf %add3A_514, %get3A_569 : vector<16xf32>
        %add3A_571 = arith.constant 5 : i32
        %add3A_572 = arith.addi %mul3A_283, %add3A_571 : i32
        %get3A_573 = arith.index_cast %add3A_572 : i32 to index
        %get3A_574 = arith.constant 16 : index
        %get3A_575 = tpu.vector_load %arg5[%get3A_573, %get3A_574] {strides = array<i32>} : memref<200x128xf32, #tpu.memory_space<vmem>>, vector<1x16xf32>,
        %get3A_576 = vector.shape_cast %get3A_575 : vector<1x16xf32> to vector<16xf32>
        %add3A_577 = arith.addf %add3A_521, %get3A_576 : vector<16xf32>
        %add3A_578 = arith.constant 5 : i32
        %add3A_579 = arith.addi %mul3A_283, %add3A_578 : i32
        %get3A_580 = arith.index_cast %add3A_579 : i32 to index
        %get3A_581 = arith.constant 32 : index
        %get3A_582 = tpu.vector_load %arg5[%get3A_580, %get3A_581] {strides = array<i32>} : memref<200x128xf32, #tpu.memory_space<vmem>>, vector<1x16xf32>,
        %get3A_583 = vector.shape_cast %get3A_582 : vector<1x16xf32> to vector<16xf32>
        %add3A_584 = arith.addf %add3A_528, %get3A_583 : vector<16xf32>
        %add3A_585 = arith.constant 5 : i32
        %add3A_586 = arith.addi %mul3A_283, %add3A_585 : i32
        %get3A_587 = arith.index_cast %add3A_586 : i32 to index
        %get3A_588 = arith.constant 48 : index
        %get3A_589 = tpu.vector_load %arg5[%get3A_587, %get3A_588] {strides = array<i32>} : memref<200x128xf32, #tpu.memory_space<vmem>>, vector<1x16xf32>,
        %get3A_590 = vector.shape_cast %get3A_589 : vector<1x16xf32> to vector<16xf32>
        %add3A_591 = arith.addf %add3A_535, %get3A_590 : vector<16xf32>
        %add3A_592 = arith.constant 5 : i32
        %add3A_593 = arith.addi %mul3A_283, %add3A_592 : i32
        %get3A_594 = arith.index_cast %add3A_593 : i32 to index
        %get3A_595 = arith.constant 64 : index
        %get3A_596 = tpu.vector_load %arg5[%get3A_594, %get3A_595] {strides = array<i32>} : memref<200x128xf32, #tpu.memory_space<vmem>>, vector<1x16xf32>,
        %get3A_597 = vector.shape_cast %get3A_596 : vector<1x16xf32> to vector<16xf32>
        %add3A_598 = arith.addf %add3A_542, %get3A_597 : vector<16xf32>
        %add3A_599 = arith.constant 5 : i32
        %add3A_600 = arith.addi %mul3A_283, %add3A_599 : i32
        %get3A_601 = arith.index_cast %add3A_600 : i32 to index
        %get3A_602 = arith.constant 80 : index
        %get3A_603 = tpu.vector_load %arg5[%get3A_601, %get3A_602] {strides = array<i32>} : memref<200x128xf32, #tpu.memory_space<vmem>>, vector<1x16xf32>,
        %get3A_604 = vector.shape_cast %get3A_603 : vector<1x16xf32> to vector<16xf32>
        %add3A_605 = arith.addf %add3A_549, %get3A_604 : vector<16xf32>
        %add3A_606 = arith.constant 5 : i32
        %add3A_607 = arith.addi %mul3A_283, %add3A_606 : i32
        %get3A_608 = arith.index_cast %add3A_607 : i32 to index
        %get3A_609 = arith.constant 96 : index
        %get3A_610 = tpu.vector_load %arg5[%get3A_608, %get3A_609] {strides = array<i32>} : memref<200x128xf32, #tpu.memory_space<vmem>>, vector<1x16xf32>,
        %get3A_611 = vector.shape_cast %get3A_610 : vector<1x16xf32> to vector<16xf32>
        %add3A_612 = arith.addf %add3A_556, %get3A_611 : vector<16xf32>
        %add3A_613 = arith.constant 5 : i32
        %add3A_614 = arith.addi %mul3A_283, %add3A_613 : i32
        %get3A_615 = arith.index_cast %add3A_614 : i32 to index
        %get3A_616 = arith.constant 112 : index
        %get3A_617 = tpu.vector_load %arg5[%get3A_615, %get3A_616] {strides = array<i32>} : memref<200x128xf32, #tpu.memory_space<vmem>>, vector<1x16xf32>,
        %get3A_618 = vector.shape_cast %get3A_617 : vector<1x16xf32> to vector<16xf32>
        %add3A_619 = arith.addf %add3A_563, %get3A_618 : vector<16xf32>
        %add3A_620 = arith.constant 6 : i32
        %add3A_621 = arith.addi %mul3A_283, %add3A_620 : i32
        %get3A_622 = arith.index_cast %add3A_621 : i32 to index
        %get3A_623 = arith.constant 0 : index
        %get3A_624 = tpu.vector_load %arg5[%get3A_622, %get3A_623] {strides = array<i32>} : memref<200x128xf32, #tpu.memory_space<vmem>>, vector<1x16xf32>,
        %get3A_625 = vector.shape_cast %get3A_624 : vector<1x16xf32> to vector<16xf32>
        %add3A_626 = arith.addf %add3A_570, %get3A_625 : vector<16xf32>
        %add3A_627 = arith.constant 6 : i32
        %add3A_628 = arith.addi %mul3A_283, %add3A_627 : i32
        %get3A_629 = arith.index_cast %add3A_628 : i32 to index
        %get3A_630 = arith.constant 16 : index
        %get3A_631 = tpu.vector_load %arg5[%get3A_629, %get3A_630] {strides = array<i32>} : memref<200x128xf32, #tpu.memory_space<vmem>>, vector<1x16xf32>,
        %get3A_632 = vector.shape_cast %get3A_631 : vector<1x16xf32> to vector<16xf32>
        %add3A_633 = arith.addf %add3A_577, %get3A_632 : vector<16xf32>
        %add3A_634 = arith.constant 6 : i32
        %add3A_635 = arith.addi %mul3A_283, %add3A_634 : i32
        %get3A_636 = arith.index_cast %add3A_635 : i32 to index
        %get3A_637 = arith.constant 32 : index
        %get3A_638 = tpu.vector_load %arg5[%get3A_636, %get3A_637] {strides = array<i32>} : memref<200x128xf32, #tpu.memory_space<vmem>>, vector<1x16xf32>,
        %get3A_639 = vector.shape_cast %get3A_638 : vector<1x16xf32> to vector<16xf32>
        %add3A_640 = arith.addf %add3A_584, %get3A_639 : vector<16xf32>
        %add3A_641 = arith.constant 6 : i32
        %add3A_642 = arith.addi %mul3A_283, %add3A_641 : i32
        %get3A_643 = arith.index_cast %add3A_642 : i32 to index
        %get3A_644 = arith.constant 48 : index
        %get3A_645 = tpu.vector_load %arg5[%get3A_643, %get3A_644] {strides = array<i32>} : memref<200x128xf32, #tpu.memory_space<vmem>>, vector<1x16xf32>,
        %get3A_646 = vector.shape_cast %get3A_645 : vector<1x16xf32> to vector<16xf32>
        %add3A_647 = arith.addf %add3A_591, %get3A_646 : vector<16xf32>
        %add3A_648 = arith.constant 6 : i32
        %add3A_649 = arith.addi %mul3A_283, %add3A_648 : i32
        %get3A_650 = arith.index_cast %add3A_649 : i32 to index
        %get3A_651 = arith.constant 64 : index
        %get3A_652 = tpu.vector_load %arg5[%get3A_650, %get3A_651] {strides = array<i32>} : memref<200x128xf32, #tpu.memory_space<vmem>>, vector<1x16xf32>,
        %get3A_653 = vector.shape_cast %get3A_652 : vector<1x16xf32> to vector<16xf32>
        %add3A_654 = arith.addf %add3A_598, %get3A_653 : vector<16xf32>
        %add3A_655 = arith.constant 6 : i32
        %add3A_656 = arith.addi %mul3A_283, %add3A_655 : i32
        %get3A_657 = arith.index_cast %add3A_656 : i32 to index
        %get3A_658 = arith.constant 80 : index
        %get3A_659 = tpu.vector_load %arg5[%get3A_657, %get3A_658] {strides = array<i32>} : memref<200x128xf32, #tpu.memory_space<vmem>>, vector<1x16xf32>,
        %get3A_660 = vector.shape_cast %get3A_659 : vector<1x16xf32> to vector<16xf32>
        %add3A_661 = arith.addf %add3A_605, %get3A_660 : vector<16xf32>
        %add3A_662 = arith.constant 6 : i32
        %add3A_663 = arith.addi %mul3A_283, %add3A_662 : i32
        %get3A_664 = arith.index_cast %add3A_663 : i32 to index
        %get3A_665 = arith.constant 96 : index
        %get3A_666 = tpu.vector_load %arg5[%get3A_664, %get3A_665] {strides = array<i32>} : memref<200x128xf32, #tpu.memory_space<vmem>>, vector<1x16xf32>,
        %get3A_667 = vector.shape_cast %get3A_666 : vector<1x16xf32> to vector<16xf32>
        %add3A_668 = arith.addf %add3A_612, %get3A_667 : vector<16xf32>
        %add3A_669 = arith.constant 6 : i32
        %add3A_670 = arith.addi %mul3A_283, %add3A_669 : i32
        %get3A_671 = arith.index_cast %add3A_670 : i32 to index
        %get3A_672 = arith.constant 112 : index
        %get3A_673 = tpu.vector_load %arg5[%get3A_671, %get3A_672] {strides = array<i32>} : memref<200x128xf32, #tpu.memory_space<vmem>>, vector<1x16xf32>,
        %get3A_674 = vector.shape_cast %get3A_673 : vector<1x16xf32> to vector<16xf32>
        %add3A_675 = arith.addf %add3A_619, %get3A_674 : vector<16xf32>
        %add3A_676 = arith.constant 7 : i32
        %add3A_677 = arith.addi %mul3A_283, %add3A_676 : i32
        %get3A_678 = arith.index_cast %add3A_677 : i32 to index
        %get3A_679 = arith.constant 0 : index
        %get3A_680 = tpu.vector_load %arg5[%get3A_678, %get3A_679] {strides = array<i32>} : memref<200x128xf32, #tpu.memory_space<vmem>>, vector<1x16xf32>,
        %get3A_681 = vector.shape_cast %get3A_680 : vector<1x16xf32> to vector<16xf32>
        %add3A_682 = arith.addf %add3A_626, %get3A_681 : vector<16xf32>
        %add3A_683 = arith.constant 7 : i32
        %add3A_684 = arith.addi %mul3A_283, %add3A_683 : i32
        %get3A_685 = arith.index_cast %add3A_684 : i32 to index
        %get3A_686 = arith.constant 16 : index
        %get3A_687 = tpu.vector_load %arg5[%get3A_685, %get3A_686] {strides = array<i32>} : memref<200x128xf32, #tpu.memory_space<vmem>>, vector<1x16xf32>,
        %get3A_688 = vector.shape_cast %get3A_687 : vector<1x16xf32> to vector<16xf32>
        %add3A_689 = arith.addf %add3A_633, %get3A_688 : vector<16xf32>
        %add3A_690 = arith.constant 7 : i32
        %add3A_691 = arith.addi %mul3A_283, %add3A_690 : i32
        %get3A_692 = arith.index_cast %add3A_691 : i32 to index
        %get3A_693 = arith.constant 32 : index
        %get3A_694 = tpu.vector_load %arg5[%get3A_692, %get3A_693] {strides = array<i32>} : memref<200x128xf32, #tpu.memory_space<vmem>>, vector<1x16xf32>,
        %get3A_695 = vector.shape_cast %get3A_694 : vector<1x16xf32> to vector<16xf32>
        %add3A_696 = arith.addf %add3A_640, %get3A_695 : vector<16xf32>
        %add3A_697 = arith.constant 7 : i32
        %add3A_698 = arith.addi %mul3A_283, %add3A_697 : i32
        %get3A_699 = arith.index_cast %add3A_698 : i32 to index
        %get3A_700 = arith.constant 48 : index
        %get3A_701 = tpu.vector_load %arg5[%get3A_699, %get3A_700] {strides = array<i32>} : memref<200x128xf32, #tpu.memory_space<vmem>>, vector<1x16xf32>,
        %get3A_702 = vector.shape_cast %get3A_701 : vector<1x16xf32> to vector<16xf32>
        %add3A_703 = arith.addf %add3A_647, %get3A_702 : vector<16xf32>
        %add3A_704 = arith.constant 7 : i32
        %add3A_705 = arith.addi %mul3A_283, %add3A_704 : i32
        %get3A_706 = arith.index_cast %add3A_705 : i32 to index
        %get3A_707 = arith.constant 64 : index
        %get3A_708 = tpu.vector_load %arg5[%get3A_706, %get3A_707] {strides = array<i32>} : memref<200x128xf32, #tpu.memory_space<vmem>>, vector<1x16xf32>,
        %get3A_709 = vector.shape_cast %get3A_708 : vector<1x16xf32> to vector<16xf32>
        %add3A_710 = arith.addf %add3A_654, %get3A_709 : vector<16xf32>
        %add3A_711 = arith.constant 7 : i32
        %add3A_712 = arith.addi %mul3A_283, %add3A_711 : i32
        %get3A_713 = arith.index_cast %add3A_712 : i32 to index
        %get3A_714 = arith.constant 80 : index
        %get3A_715 = tpu.vector_load %arg5[%get3A_713, %get3A_714] {strides = array<i32>} : memref<200x128xf32, #tpu.memory_space<vmem>>, vector<1x16xf32>,
        %get3A_716 = vector.shape_cast %get3A_715 : vector<1x16xf32> to vector<16xf32>
        %add3A_717 = arith.addf %add3A_661, %get3A_716 : vector<16xf32>
        %add3A_718 = arith.constant 7 : i32
        %add3A_719 = arith.addi %mul3A_283, %add3A_718 : i32
        %get3A_720 = arith.index_cast %add3A_719 : i32 to index
        %get3A_721 = arith.constant 96 : index
        %get3A_722 = tpu.vector_load %arg5[%get3A_720, %get3A_721] {strides = array<i32>} : memref<200x128xf32, #tpu.memory_space<vmem>>, vector<1x16xf32>,
        %get3A_723 = vector.shape_cast %get3A_722 : vector<1x16xf32> to vector<16xf32>
        %add3A_724 = arith.addf %add3A_668, %get3A_723 : vector<16xf32>
        %add3A_725 = arith.constant 7 : i32
        %add3A_726 = arith.addi %mul3A_283, %add3A_725 : i32
        %get3A_727 = arith.index_cast %add3A_726 : i32 to index
        %get3A_728 = arith.constant 112 : index
        %get3A_729 = tpu.vector_load %arg5[%get3A_727, %get3A_728] {strides = array<i32>} : memref<200x128xf32, #tpu.memory_space<vmem>>, vector<1x16xf32>,
        %get3A_730 = vector.shape_cast %get3A_729 : vector<1x16xf32> to vector<16xf32>
        %add3A_731 = arith.addf %add3A_675, %get3A_730 : vector<16xf32>
        scf.yield %add3A_682, %add3A_689, %add3A_696, %add3A_703, %add3A_710, %add3A_717, %add3A_724, %add3A_731 : vector<16xf32>, vector<16xf32>, vector<16xf32>, vector<16xf32>, vector<16xf32>, vector<16xf32>, vector<16xf32>, vector<16xf32>
      }
      %scan3A_100 = arith.constant 25 : i32
      %add3A_101 = arith.constant 2 : i32
      %add3A_102 = arith.addi %add3A_72, %add3A_101 : i32
      %lt3A = arith.constant 10 : i32
      %lt3A_103 = arith.cmpi slt, %add3A_102, %lt3A : i32
      %convert_element_type3A = arith.extui %lt3A_103 : i1 to i32
      %cond3A = arith.constant 0 : i32
      %cond3A_104 = arith.cmpi ne, %convert_element_type3A, %cond3A : i32
      scf.if %cond3A_104 {
        %add3A_273 = arith.constant 2 : i32
        %add3A_274 = arith.addi %add3A_72, %add3A_273 : i32
        %mul3A_275 = arith.constant 200 : i32
        %mul3A_276 = arith.muli %add3A_274, %mul3A_275 : i32
        %add3A_277 = arith.addi %mul3A_2, %mul3A_276 : i32
        %dma_start3A_278 = arith.constant 0 : i32
        %dma_start3A_279 = tpu.memref_slice %arg3[%add3A_277, %dma_start3A_278] : memref<320000x128xf32, #tpu.memory_space<hbm>> -> memref<200x128xf32, #tpu.memory_space<hbm>>
        %dma_start3A_280 = arith.constant 0 : i32
        %dma_start3A_281 = tpu.memref_slice %arg3[%add3A_277, %dma_start3A_280] : memref<320000x128xf32, #tpu.memory_space<hbm>> -> memref<200x128xf32, #tpu.memory_space<hbm>>
        tpu.enqueue_dma source(%dma_start3A_281 : memref<200x128xf32, #tpu.memory_space<hbm>>) target(%arg5 : memref<200x128xf32, #tpu.memory_space<vmem>>) target_semaphore(%arg8 : memref<!tpu.dma_semaphore, #tpu.memory_space<semaphore_mem>>)
      } else {
      }
      %get3A = arith.constant 0 : index
      %get3A_105 = tpu.vector_load %arg7[%get3A] {strides = array<i32>} : memref<128xf32, #tpu.memory_space<vmem>>, vector<16xf32>,
      %get3A_106 = vector.shape_cast %get3A_105 : vector<16xf32> to vector<16xf32>
      %add3A_107 = arith.addf %get3A_106, %scan3A_99#0 : vector<16xf32>
      %swap3A_108 = arith.constant 0 : index
      %swap3A_109 = tpu.vector_load %arg7[%swap3A_108] {strides = array<i32>} : memref<128xf32, #tpu.memory_space<vmem>>, vector<16xf32>,
      %swap3A_110 = vector.shape_cast %swap3A_109 : vector<16xf32> to vector<16xf32>
      %swap3A_111 = vector.shape_cast %add3A_107 : vector<16xf32> to vector<16xf32>
      tpu.vector_store %arg7[%swap3A_108], %swap3A_111 {strides = array<i32>} : memref<128xf32, #tpu.memory_space<vmem>>, vector<16xf32>,
      %get3A_112 = arith.constant 16 : index
      %get3A_113 = tpu.vector_load %arg7[%get3A_112] {strides = array<i32>} : memref<128xf32, #tpu.memory_space<vmem>>, vector<16xf32>,
      %get3A_114 = vector.shape_cast %get3A_113 : vector<16xf32> to vector<16xf32>
      %add3A_115 = arith.addf %get3A_114, %scan3A_99#1 : vector<16xf32>
      %swap3A_116 = arith.constant 16 : index
      %swap3A_117 = tpu.vector_load %arg7[%swap3A_116] {strides = array<i32>} : memref<128xf32, #tpu.memory_space<vmem>>, vector<16xf32>,
      %swap3A_118 = vector.shape_cast %swap3A_117 : vector<16xf32> to vector<16xf32>
      %swap3A_119 = vector.shape_cast %add3A_115 : vector<16xf32> to vector<16xf32>
      tpu.vector_store %arg7[%swap3A_116], %swap3A_119 {strides = array<i32>} : memref<128xf32, #tpu.memory_space<vmem>>, vector<16xf32>,
      %get3A_120 = arith.constant 32 : index
      %get3A_121 = tpu.vector_load %arg7[%get3A_120] {strides = array<i32>} : memref<128xf32, #tpu.memory_space<vmem>>, vector<16xf32>,
      %get3A_122 = vector.shape_cast %get3A_121 : vector<16xf32> to vector<16xf32>
      %add3A_123 = arith.addf %get3A_122, %scan3A_99#2 : vector<16xf32>
      %swap3A_124 = arith.constant 32 : index
      %swap3A_125 = tpu.vector_load %arg7[%swap3A_124] {strides = array<i32>} : memref<128xf32, #tpu.memory_space<vmem>>, vector<16xf32>,
      %swap3A_126 = vector.shape_cast %swap3A_125 : vector<16xf32> to vector<16xf32>
      %swap3A_127 = vector.shape_cast %add3A_123 : vector<16xf32> to vector<16xf32>
      tpu.vector_store %arg7[%swap3A_124], %swap3A_127 {strides = array<i32>} : memref<128xf32, #tpu.memory_space<vmem>>, vector<16xf32>,
      %get3A_128 = arith.constant 48 : index
      %get3A_129 = tpu.vector_load %arg7[%get3A_128] {strides = array<i32>} : memref<128xf32, #tpu.memory_space<vmem>>, vector<16xf32>,
      %get3A_130 = vector.shape_cast %get3A_129 : vector<16xf32> to vector<16xf32>
      %add3A_131 = arith.addf %get3A_130, %scan3A_99#3 : vector<16xf32>
      %swap3A_132 = arith.constant 48 : index
      %swap3A_133 = tpu.vector_load %arg7[%swap3A_132] {strides = array<i32>} : memref<128xf32, #tpu.memory_space<vmem>>, vector<16xf32>,
      %swap3A_134 = vector.shape_cast %swap3A_133 : vector<16xf32> to vector<16xf32>
      %swap3A_135 = vector.shape_cast %add3A_131 : vector<16xf32> to vector<16xf32>
      tpu.vector_store %arg7[%swap3A_132], %swap3A_135 {strides = array<i32>} : memref<128xf32, #tpu.memory_space<vmem>>, vector<16xf32>,
      %get3A_136 = arith.constant 64 : index
      %get3A_137 = tpu.vector_load %arg7[%get3A_136] {strides = array<i32>} : memref<128xf32, #tpu.memory_space<vmem>>, vector<16xf32>,
      %get3A_138 = vector.shape_cast %get3A_137 : vector<16xf32> to vector<16xf32>
      %add3A_139 = arith.addf %get3A_138, %scan3A_99#4 : vector<16xf32>
      %swap3A_140 = arith.constant 64 : index
      %swap3A_141 = tpu.vector_load %arg7[%swap3A_140] {strides = array<i32>} : memref<128xf32, #tpu.memory_space<vmem>>, vector<16xf32>,
      %swap3A_142 = vector.shape_cast %swap3A_141 : vector<16xf32> to vector<16xf32>
      %swap3A_143 = vector.shape_cast %add3A_139 : vector<16xf32> to vector<16xf32>
      tpu.vector_store %arg7[%swap3A_140], %swap3A_143 {strides = array<i32>} : memref<128xf32, #tpu.memory_space<vmem>>, vector<16xf32>,
      %get3A_144 = arith.constant 80 : index
      %get3A_145 = tpu.vector_load %arg7[%get3A_144] {strides = array<i32>} : memref<128xf32, #tpu.memory_space<vmem>>, vector<16xf32>,
      %get3A_146 = vector.shape_cast %get3A_145 : vector<16xf32> to vector<16xf32>
      %add3A_147 = arith.addf %get3A_146, %scan3A_99#5 : vector<16xf32>
      %swap3A_148 = arith.constant 80 : index
      %swap3A_149 = tpu.vector_load %arg7[%swap3A_148] {strides = array<i32>} : memref<128xf32, #tpu.memory_space<vmem>>, vector<16xf32>,
      %swap3A_150 = vector.shape_cast %swap3A_149 : vector<16xf32> to vector<16xf32>
      %swap3A_151 = vector.shape_cast %add3A_147 : vector<16xf32> to vector<16xf32>
      tpu.vector_store %arg7[%swap3A_148], %swap3A_151 {strides = array<i32>} : memref<128xf32, #tpu.memory_space<vmem>>, vector<16xf32>,
      %get3A_152 = arith.constant 96 : index
      %get3A_153 = tpu.vector_load %arg7[%get3A_152] {strides = array<i32>} : memref<128xf32, #tpu.memory_space<vmem>>, vector<16xf32>,
      %get3A_154 = vector.shape_cast %get3A_153 : vector<16xf32> to vector<16xf32>
      %add3A_155 = arith.addf %get3A_154, %scan3A_99#6 : vector<16xf32>
      %swap3A_156 = arith.constant 96 : index
      %swap3A_157 = tpu.vector_load %arg7[%swap3A_156] {strides = array<i32>} : memref<128xf32, #tpu.memory_space<vmem>>, vector<16xf32>,
      %swap3A_158 = vector.shape_cast %swap3A_157 : vector<16xf32> to vector<16xf32>
      %swap3A_159 = vector.shape_cast %add3A_155 : vector<16xf32> to vector<16xf32>
      tpu.vector_store %arg7[%swap3A_156], %swap3A_159 {strides = array<i32>} : memref<128xf32, #tpu.memory_space<vmem>>, vector<16xf32>,
      %get3A_160 = arith.constant 112 : index
      %get3A_161 = tpu.vector_load %arg7[%get3A_160] {strides = array<i32>} : memref<128xf32, #tpu.memory_space<vmem>>, vector<16xf32>,
      %get3A_162 = vector.shape_cast %get3A_161 : vector<16xf32> to vector<16xf32>
      %add3A_163 = arith.addf %get3A_162, %scan3A_99#7 : vector<16xf32>
      %swap3A_164 = arith.constant 112 : index
      %swap3A_165 = tpu.vector_load %arg7[%swap3A_164] {strides = array<i32>} : memref<128xf32, #tpu.memory_space<vmem>>, vector<16xf32>,
      %swap3A_166 = vector.shape_cast %swap3A_165 : vector<16xf32> to vector<16xf32>
      %swap3A_167 = vector.shape_cast %add3A_163 : vector<16xf32> to vector<16xf32>
      tpu.vector_store %arg7[%swap3A_164], %swap3A_167 {strides = array<i32>} : memref<128xf32, #tpu.memory_space<vmem>>, vector<16xf32>,
      %mul3A_168 = arith.constant 2 : i32
      %mul3A_169 = arith.muli %scan3A_67, %mul3A_168 : i32
      %add3A_170 = arith.constant 1 : i32
      %add3A_171 = arith.addi %mul3A_169, %add3A_170 : i32
      %mul3A_172 = arith.constant 200 : i32
      %mul3A_173 = arith.muli %add3A_171, %mul3A_172 : i32
      %add3A_174 = arith.addi %mul3A_2, %mul3A_173 : i32
      %dma_wait3A_175 = arith.constant 0 : i32
      %dma_wait3A_176 = tpu.memref_slice %arg3[%add3A_174, %dma_wait3A_175] : memref<320000x128xf32, #tpu.memory_space<hbm>> -> memref<200x128xf32, #tpu.memory_space<hbm>>
      %dma_wait3A_177 = arith.constant 0 : i32
      %dma_wait3A_178 = tpu.memref_slice %arg3[%add3A_174, %dma_wait3A_177] : memref<320000x128xf32, #tpu.memory_space<hbm>> -> memref<200x128xf32, #tpu.memory_space<hbm>>
      tpu.wait_dma2 semaphore(%arg9 : memref<!tpu.dma_semaphore, #tpu.memory_space<semaphore_mem>>) src(%dma_wait3A_178 : memref<200x128xf32, #tpu.memory_space<hbm>>) dst(%arg6 : memref<200x128xf32, #tpu.memory_space<vmem>>)
      %broadcast_in_dim3A_179 = arith.constant 0.000000e+00 : f32
      %broadcast_in_dim3A_180 = vector.broadcast %broadcast_in_dim3A_179 : f32 to vector<16xf32>
      %broadcast_in_dim3A_181 = arith.constant 0.000000e+00 : f32
      %broadcast_in_dim3A_182 = vector.broadcast %broadcast_in_dim3A_181 : f32 to vector<16xf32>
      %broadcast_in_dim3A_183 = arith.constant 0.000000e+00 : f32
      %broadcast_in_dim3A_184 = vector.broadcast %broadcast_in_dim3A_183 : f32 to vector<16xf32>
      %broadcast_in_dim3A_185 = arith.constant 0.000000e+00 : f32
      %broadcast_in_dim3A_186 = vector.broadcast %broadcast_in_dim3A_185 : f32 to vector<16xf32>
      %broadcast_in_dim3A_187 = arith.constant 0.000000e+00 : f32
      %broadcast_in_dim3A_188 = vector.broadcast %broadcast_in_dim3A_187 : f32 to vector<16xf32>
      %broadcast_in_dim3A_189 = arith.constant 0.000000e+00 : f32
      %broadcast_in_dim3A_190 = vector.broadcast %broadcast_in_dim3A_189 : f32 to vector<16xf32>
      %broadcast_in_dim3A_191 = arith.constant 0.000000e+00 : f32
      %broadcast_in_dim3A_192 = vector.broadcast %broadcast_in_dim3A_191 : f32 to vector<16xf32>
      %broadcast_in_dim3A_193 = arith.constant 0.000000e+00 : f32
      %broadcast_in_dim3A_194 = vector.broadcast %broadcast_in_dim3A_193 : f32 to vector<16xf32>
      %scan3A_195 = arith.constant 0 : i32
      %scan3A_196 = arith.constant 25 : i32
      %scan3A_197 = arith.addi %scan3A_195, %scan3A_196 : i32
      %scan3A_198 = arith.constant 1 : i32
      %scan3A_199:8 = scf.for %scan3A_273 = %scan3A_195 to %scan3A_197 step %scan3A_198 iter_args(%scan3A_274 = %broadcast_in_dim3A_180, %scan3A_275 = %broadcast_in_dim3A_182, %scan3A_276 = %broadcast_in_dim3A_184, %scan3A_277 = %broadcast_in_dim3A_186, %scan3A_278 = %broadcast_in_dim3A_188, %scan3A_279 = %broadcast_in_dim3A_190, %scan3A_280 = %broadcast_in_dim3A_192, %scan3A_281 = %broadcast_in_dim3A_194) -> (vector<16xf32>, vector<16xf32>, vector<16xf32>, vector<16xf32>, vector<16xf32>, vector<16xf32>, vector<16xf32>, vector<16xf32>)  : i32 {
        %mul3A_282 = arith.constant 8 : i32
        %mul3A_283 = arith.muli %scan3A_273, %mul3A_282 : i32
        %add3A_284 = arith.constant 0 : i32
        %add3A_285 = arith.addi %mul3A_283, %add3A_284 : i32
        %get3A_286 = arith.index_cast %add3A_285 : i32 to index
        %get3A_287 = arith.constant 0 : index
        %get3A_288 = tpu.vector_load %arg6[%get3A_286, %get3A_287] {strides = array<i32>} : memref<200x128xf32, #tpu.memory_space<vmem>>, vector<1x16xf32>,
        %get3A_289 = vector.shape_cast %get3A_288 : vector<1x16xf32> to vector<16xf32>
        %add3A_290 = arith.addf %scan3A_274, %get3A_289 : vector<16xf32>
        %add3A_291 = arith.constant 0 : i32
        %add3A_292 = arith.addi %mul3A_283, %add3A_291 : i32
        %get3A_293 = arith.index_cast %add3A_292 : i32 to index
        %get3A_294 = arith.constant 16 : index
        %get3A_295 = tpu.vector_load %arg6[%get3A_293, %get3A_294] {strides = array<i32>} : memref<200x128xf32, #tpu.memory_space<vmem>>, vector<1x16xf32>,
        %get3A_296 = vector.shape_cast %get3A_295 : vector<1x16xf32> to vector<16xf32>
        %add3A_297 = arith.addf %scan3A_275, %get3A_296 : vector<16xf32>
        %add3A_298 = arith.constant 0 : i32
        %add3A_299 = arith.addi %mul3A_283, %add3A_298 : i32
        %get3A_300 = arith.index_cast %add3A_299 : i32 to index
        %get3A_301 = arith.constant 32 : index
        %get3A_302 = tpu.vector_load %arg6[%get3A_300, %get3A_301] {strides = array<i32>} : memref<200x128xf32, #tpu.memory_space<vmem>>, vector<1x16xf32>,
        %get3A_303 = vector.shape_cast %get3A_302 : vector<1x16xf32> to vector<16xf32>
        %add3A_304 = arith.addf %scan3A_276, %get3A_303 : vector<16xf32>
        %add3A_305 = arith.constant 0 : i32
        %add3A_306 = arith.addi %mul3A_283, %add3A_305 : i32
        %get3A_307 = arith.index_cast %add3A_306 : i32 to index
        %get3A_308 = arith.constant 48 : index
        %get3A_309 = tpu.vector_load %arg6[%get3A_307, %get3A_308] {strides = array<i32>} : memref<200x128xf32, #tpu.memory_space<vmem>>, vector<1x16xf32>,
        %get3A_310 = vector.shape_cast %get3A_309 : vector<1x16xf32> to vector<16xf32>
        %add3A_311 = arith.addf %scan3A_277, %get3A_310 : vector<16xf32>
        %add3A_312 = arith.constant 0 : i32
        %add3A_313 = arith.addi %mul3A_283, %add3A_312 : i32
        %get3A_314 = arith.index_cast %add3A_313 : i32 to index
        %get3A_315 = arith.constant 64 : index
        %get3A_316 = tpu.vector_load %arg6[%get3A_314, %get3A_315] {strides = array<i32>} : memref<200x128xf32, #tpu.memory_space<vmem>>, vector<1x16xf32>,
        %get3A_317 = vector.shape_cast %get3A_316 : vector<1x16xf32> to vector<16xf32>
        %add3A_318 = arith.addf %scan3A_278, %get3A_317 : vector<16xf32>
        %add3A_319 = arith.constant 0 : i32
        %add3A_320 = arith.addi %mul3A_283, %add3A_319 : i32
        %get3A_321 = arith.index_cast %add3A_320 : i32 to index
        %get3A_322 = arith.constant 80 : index
        %get3A_323 = tpu.vector_load %arg6[%get3A_321, %get3A_322] {strides = array<i32>} : memref<200x128xf32, #tpu.memory_space<vmem>>, vector<1x16xf32>,
        %get3A_324 = vector.shape_cast %get3A_323 : vector<1x16xf32> to vector<16xf32>
        %add3A_325 = arith.addf %scan3A_279, %get3A_324 : vector<16xf32>
        %add3A_326 = arith.constant 0 : i32
        %add3A_327 = arith.addi %mul3A_283, %add3A_326 : i32
        %get3A_328 = arith.index_cast %add3A_327 : i32 to index
        %get3A_329 = arith.constant 96 : index
        %get3A_330 = tpu.vector_load %arg6[%get3A_328, %get3A_329] {strides = array<i32>} : memref<200x128xf32, #tpu.memory_space<vmem>>, vector<1x16xf32>,
        %get3A_331 = vector.shape_cast %get3A_330 : vector<1x16xf32> to vector<16xf32>
        %add3A_332 = arith.addf %scan3A_280, %get3A_331 : vector<16xf32>
        %add3A_333 = arith.constant 0 : i32
        %add3A_334 = arith.addi %mul3A_283, %add3A_333 : i32
        %get3A_335 = arith.index_cast %add3A_334 : i32 to index
        %get3A_336 = arith.constant 112 : index
        %get3A_337 = tpu.vector_load %arg6[%get3A_335, %get3A_336] {strides = array<i32>} : memref<200x128xf32, #tpu.memory_space<vmem>>, vector<1x16xf32>,
        %get3A_338 = vector.shape_cast %get3A_337 : vector<1x16xf32> to vector<16xf32>
        %add3A_339 = arith.addf %scan3A_281, %get3A_338 : vector<16xf32>
        %add3A_340 = arith.constant 1 : i32
        %add3A_341 = arith.addi %mul3A_283, %add3A_340 : i32
        %get3A_342 = arith.index_cast %add3A_341 : i32 to index
        %get3A_343 = arith.constant 0 : index
        %get3A_344 = tpu.vector_load %arg6[%get3A_342, %get3A_343] {strides = array<i32>} : memref<200x128xf32, #tpu.memory_space<vmem>>, vector<1x16xf32>,
        %get3A_345 = vector.shape_cast %get3A_344 : vector<1x16xf32> to vector<16xf32>
        %add3A_346 = arith.addf %add3A_290, %get3A_345 : vector<16xf32>
        %add3A_347 = arith.constant 1 : i32
        %add3A_348 = arith.addi %mul3A_283, %add3A_347 : i32
        %get3A_349 = arith.index_cast %add3A_348 : i32 to index
        %get3A_350 = arith.constant 16 : index
        %get3A_351 = tpu.vector_load %arg6[%get3A_349, %get3A_350] {strides = array<i32>} : memref<200x128xf32, #tpu.memory_space<vmem>>, vector<1x16xf32>,
        %get3A_352 = vector.shape_cast %get3A_351 : vector<1x16xf32> to vector<16xf32>
        %add3A_353 = arith.addf %add3A_297, %get3A_352 : vector<16xf32>
        %add3A_354 = arith.constant 1 : i32
        %add3A_355 = arith.addi %mul3A_283, %add3A_354 : i32
        %get3A_356 = arith.index_cast %add3A_355 : i32 to index
        %get3A_357 = arith.constant 32 : index
        %get3A_358 = tpu.vector_load %arg6[%get3A_356, %get3A_357] {strides = array<i32>} : memref<200x128xf32, #tpu.memory_space<vmem>>, vector<1x16xf32>,
        %get3A_359 = vector.shape_cast %get3A_358 : vector<1x16xf32> to vector<16xf32>
        %add3A_360 = arith.addf %add3A_304, %get3A_359 : vector<16xf32>
        %add3A_361 = arith.constant 1 : i32
        %add3A_362 = arith.addi %mul3A_283, %add3A_361 : i32
        %get3A_363 = arith.index_cast %add3A_362 : i32 to index
        %get3A_364 = arith.constant 48 : index
        %get3A_365 = tpu.vector_load %arg6[%get3A_363, %get3A_364] {strides = array<i32>} : memref<200x128xf32, #tpu.memory_space<vmem>>, vector<1x16xf32>,
        %get3A_366 = vector.shape_cast %get3A_365 : vector<1x16xf32> to vector<16xf32>
        %add3A_367 = arith.addf %add3A_311, %get3A_366 : vector<16xf32>
        %add3A_368 = arith.constant 1 : i32
        %add3A_369 = arith.addi %mul3A_283, %add3A_368 : i32
        %get3A_370 = arith.index_cast %add3A_369 : i32 to index
        %get3A_371 = arith.constant 64 : index
        %get3A_372 = tpu.vector_load %arg6[%get3A_370, %get3A_371] {strides = array<i32>} : memref<200x128xf32, #tpu.memory_space<vmem>>, vector<1x16xf32>,
        %get3A_373 = vector.shape_cast %get3A_372 : vector<1x16xf32> to vector<16xf32>
        %add3A_374 = arith.addf %add3A_318, %get3A_373 : vector<16xf32>
        %add3A_375 = arith.constant 1 : i32
        %add3A_376 = arith.addi %mul3A_283, %add3A_375 : i32
        %get3A_377 = arith.index_cast %add3A_376 : i32 to index
        %get3A_378 = arith.constant 80 : index
        %get3A_379 = tpu.vector_load %arg6[%get3A_377, %get3A_378] {strides = array<i32>} : memref<200x128xf32, #tpu.memory_space<vmem>>, vector<1x16xf32>,
        %get3A_380 = vector.shape_cast %get3A_379 : vector<1x16xf32> to vector<16xf32>
        %add3A_381 = arith.addf %add3A_325, %get3A_380 : vector<16xf32>
        %add3A_382 = arith.constant 1 : i32
        %add3A_383 = arith.addi %mul3A_283, %add3A_382 : i32
        %get3A_384 = arith.index_cast %add3A_383 : i32 to index
        %get3A_385 = arith.constant 96 : index
        %get3A_386 = tpu.vector_load %arg6[%get3A_384, %get3A_385] {strides = array<i32>} : memref<200x128xf32, #tpu.memory_space<vmem>>, vector<1x16xf32>,
        %get3A_387 = vector.shape_cast %get3A_386 : vector<1x16xf32> to vector<16xf32>
        %add3A_388 = arith.addf %add3A_332, %get3A_387 : vector<16xf32>
        %add3A_389 = arith.constant 1 : i32
        %add3A_390 = arith.addi %mul3A_283, %add3A_389 : i32
        %get3A_391 = arith.index_cast %add3A_390 : i32 to index
        %get3A_392 = arith.constant 112 : index
        %get3A_393 = tpu.vector_load %arg6[%get3A_391, %get3A_392] {strides = array<i32>} : memref<200x128xf32, #tpu.memory_space<vmem>>, vector<1x16xf32>,
        %get3A_394 = vector.shape_cast %get3A_393 : vector<1x16xf32> to vector<16xf32>
        %add3A_395 = arith.addf %add3A_339, %get3A_394 : vector<16xf32>
        %add3A_396 = arith.constant 2 : i32
        %add3A_397 = arith.addi %mul3A_283, %add3A_396 : i32
        %get3A_398 = arith.index_cast %add3A_397 : i32 to index
        %get3A_399 = arith.constant 0 : index
        %get3A_400 = tpu.vector_load %arg6[%get3A_398, %get3A_399] {strides = array<i32>} : memref<200x128xf32, #tpu.memory_space<vmem>>, vector<1x16xf32>,
        %get3A_401 = vector.shape_cast %get3A_400 : vector<1x16xf32> to vector<16xf32>
        %add3A_402 = arith.addf %add3A_346, %get3A_401 : vector<16xf32>
        %add3A_403 = arith.constant 2 : i32
        %add3A_404 = arith.addi %mul3A_283, %add3A_403 : i32
        %get3A_405 = arith.index_cast %add3A_404 : i32 to index
        %get3A_406 = arith.constant 16 : index
        %get3A_407 = tpu.vector_load %arg6[%get3A_405, %get3A_406] {strides = array<i32>} : memref<200x128xf32, #tpu.memory_space<vmem>>, vector<1x16xf32>,
        %get3A_408 = vector.shape_cast %get3A_407 : vector<1x16xf32> to vector<16xf32>
        %add3A_409 = arith.addf %add3A_353, %get3A_408 : vector<16xf32>
        %add3A_410 = arith.constant 2 : i32
        %add3A_411 = arith.addi %mul3A_283, %add3A_410 : i32
        %get3A_412 = arith.index_cast %add3A_411 : i32 to index
        %get3A_413 = arith.constant 32 : index
        %get3A_414 = tpu.vector_load %arg6[%get3A_412, %get3A_413] {strides = array<i32>} : memref<200x128xf32, #tpu.memory_space<vmem>>, vector<1x16xf32>,
        %get3A_415 = vector.shape_cast %get3A_414 : vector<1x16xf32> to vector<16xf32>
        %add3A_416 = arith.addf %add3A_360, %get3A_415 : vector<16xf32>
        %add3A_417 = arith.constant 2 : i32
        %add3A_418 = arith.addi %mul3A_283, %add3A_417 : i32
        %get3A_419 = arith.index_cast %add3A_418 : i32 to index
        %get3A_420 = arith.constant 48 : index
        %get3A_421 = tpu.vector_load %arg6[%get3A_419, %get3A_420] {strides = array<i32>} : memref<200x128xf32, #tpu.memory_space<vmem>>, vector<1x16xf32>,
        %get3A_422 = vector.shape_cast %get3A_421 : vector<1x16xf32> to vector<16xf32>
        %add3A_423 = arith.addf %add3A_367, %get3A_422 : vector<16xf32>
        %add3A_424 = arith.constant 2 : i32
        %add3A_425 = arith.addi %mul3A_283, %add3A_424 : i32
        %get3A_426 = arith.index_cast %add3A_425 : i32 to index
        %get3A_427 = arith.constant 64 : index
        %get3A_428 = tpu.vector_load %arg6[%get3A_426, %get3A_427] {strides = array<i32>} : memref<200x128xf32, #tpu.memory_space<vmem>>, vector<1x16xf32>,
        %get3A_429 = vector.shape_cast %get3A_428 : vector<1x16xf32> to vector<16xf32>
        %add3A_430 = arith.addf %add3A_374, %get3A_429 : vector<16xf32>
        %add3A_431 = arith.constant 2 : i32
        %add3A_432 = arith.addi %mul3A_283, %add3A_431 : i32
        %get3A_433 = arith.index_cast %add3A_432 : i32 to index
        %get3A_434 = arith.constant 80 : index
        %get3A_435 = tpu.vector_load %arg6[%get3A_433, %get3A_434] {strides = array<i32>} : memref<200x128xf32, #tpu.memory_space<vmem>>, vector<1x16xf32>,
        %get3A_436 = vector.shape_cast %get3A_435 : vector<1x16xf32> to vector<16xf32>
        %add3A_437 = arith.addf %add3A_381, %get3A_436 : vector<16xf32>
        %add3A_438 = arith.constant 2 : i32
        %add3A_439 = arith.addi %mul3A_283, %add3A_438 : i32
        %get3A_440 = arith.index_cast %add3A_439 : i32 to index
        %get3A_441 = arith.constant 96 : index
        %get3A_442 = tpu.vector_load %arg6[%get3A_440, %get3A_441] {strides = array<i32>} : memref<200x128xf32, #tpu.memory_space<vmem>>, vector<1x16xf32>,
        %get3A_443 = vector.shape_cast %get3A_442 : vector<1x16xf32> to vector<16xf32>
        %add3A_444 = arith.addf %add3A_388, %get3A_443 : vector<16xf32>
        %add3A_445 = arith.constant 2 : i32
        %add3A_446 = arith.addi %mul3A_283, %add3A_445 : i32
        %get3A_447 = arith.index_cast %add3A_446 : i32 to index
        %get3A_448 = arith.constant 112 : index
        %get3A_449 = tpu.vector_load %arg6[%get3A_447, %get3A_448] {strides = array<i32>} : memref<200x128xf32, #tpu.memory_space<vmem>>, vector<1x16xf32>,
        %get3A_450 = vector.shape_cast %get3A_449 : vector<1x16xf32> to vector<16xf32>
        %add3A_451 = arith.addf %add3A_395, %get3A_450 : vector<16xf32>
        %add3A_452 = arith.constant 3 : i32
        %add3A_453 = arith.addi %mul3A_283, %add3A_452 : i32
        %get3A_454 = arith.index_cast %add3A_453 : i32 to index
        %get3A_455 = arith.constant 0 : index
        %get3A_456 = tpu.vector_load %arg6[%get3A_454, %get3A_455] {strides = array<i32>} : memref<200x128xf32, #tpu.memory_space<vmem>>, vector<1x16xf32>,
        %get3A_457 = vector.shape_cast %get3A_456 : vector<1x16xf32> to vector<16xf32>
        %add3A_458 = arith.addf %add3A_402, %get3A_457 : vector<16xf32>
        %add3A_459 = arith.constant 3 : i32
        %add3A_460 = arith.addi %mul3A_283, %add3A_459 : i32
        %get3A_461 = arith.index_cast %add3A_460 : i32 to index
        %get3A_462 = arith.constant 16 : index
        %get3A_463 = tpu.vector_load %arg6[%get3A_461, %get3A_462] {strides = array<i32>} : memref<200x128xf32, #tpu.memory_space<vmem>>, vector<1x16xf32>,
        %get3A_464 = vector.shape_cast %get3A_463 : vector<1x16xf32> to vector<16xf32>
        %add3A_465 = arith.addf %add3A_409, %get3A_464 : vector<16xf32>
        %add3A_466 = arith.constant 3 : i32
        %add3A_467 = arith.addi %mul3A_283, %add3A_466 : i32
        %get3A_468 = arith.index_cast %add3A_467 : i32 to index
        %get3A_469 = arith.constant 32 : index
        %get3A_470 = tpu.vector_load %arg6[%get3A_468, %get3A_469] {strides = array<i32>} : memref<200x128xf32, #tpu.memory_space<vmem>>, vector<1x16xf32>,
        %get3A_471 = vector.shape_cast %get3A_470 : vector<1x16xf32> to vector<16xf32>
        %add3A_472 = arith.addf %add3A_416, %get3A_471 : vector<16xf32>
        %add3A_473 = arith.constant 3 : i32
        %add3A_474 = arith.addi %mul3A_283, %add3A_473 : i32
        %get3A_475 = arith.index_cast %add3A_474 : i32 to index
        %get3A_476 = arith.constant 48 : index
        %get3A_477 = tpu.vector_load %arg6[%get3A_475, %get3A_476] {strides = array<i32>} : memref<200x128xf32, #tpu.memory_space<vmem>>, vector<1x16xf32>,
        %get3A_478 = vector.shape_cast %get3A_477 : vector<1x16xf32> to vector<16xf32>
        %add3A_479 = arith.addf %add3A_423, %get3A_478 : vector<16xf32>
        %add3A_480 = arith.constant 3 : i32
        %add3A_481 = arith.addi %mul3A_283, %add3A_480 : i32
        %get3A_482 = arith.index_cast %add3A_481 : i32 to index
        %get3A_483 = arith.constant 64 : index
        %get3A_484 = tpu.vector_load %arg6[%get3A_482, %get3A_483] {strides = array<i32>} : memref<200x128xf32, #tpu.memory_space<vmem>>, vector<1x16xf32>,
        %get3A_485 = vector.shape_cast %get3A_484 : vector<1x16xf32> to vector<16xf32>
        %add3A_486 = arith.addf %add3A_430, %get3A_485 : vector<16xf32>
        %add3A_487 = arith.constant 3 : i32
        %add3A_488 = arith.addi %mul3A_283, %add3A_487 : i32
        %get3A_489 = arith.index_cast %add3A_488 : i32 to index
        %get3A_490 = arith.constant 80 : index
        %get3A_491 = tpu.vector_load %arg6[%get3A_489, %get3A_490] {strides = array<i32>} : memref<200x128xf32, #tpu.memory_space<vmem>>, vector<1x16xf32>,
        %get3A_492 = vector.shape_cast %get3A_491 : vector<1x16xf32> to vector<16xf32>
        %add3A_493 = arith.addf %add3A_437, %get3A_492 : vector<16xf32>
        %add3A_494 = arith.constant 3 : i32
        %add3A_495 = arith.addi %mul3A_283, %add3A_494 : i32
        %get3A_496 = arith.index_cast %add3A_495 : i32 to index
        %get3A_497 = arith.constant 96 : index
        %get3A_498 = tpu.vector_load %arg6[%get3A_496, %get3A_497] {strides = array<i32>} : memref<200x128xf32, #tpu.memory_space<vmem>>, vector<1x16xf32>,
        %get3A_499 = vector.shape_cast %get3A_498 : vector<1x16xf32> to vector<16xf32>
        %add3A_500 = arith.addf %add3A_444, %get3A_499 : vector<16xf32>
        %add3A_501 = arith.constant 3 : i32
        %add3A_502 = arith.addi %mul3A_283, %add3A_501 : i32
        %get3A_503 = arith.index_cast %add3A_502 : i32 to index
        %get3A_504 = arith.constant 112 : index
        %get3A_505 = tpu.vector_load %arg6[%get3A_503, %get3A_504] {strides = array<i32>} : memref<200x128xf32, #tpu.memory_space<vmem>>, vector<1x16xf32>,
        %get3A_506 = vector.shape_cast %get3A_505 : vector<1x16xf32> to vector<16xf32>
        %add3A_507 = arith.addf %add3A_451, %get3A_506 : vector<16xf32>
        %add3A_508 = arith.constant 4 : i32
        %add3A_509 = arith.addi %mul3A_283, %add3A_508 : i32
        %get3A_510 = arith.index_cast %add3A_509 : i32 to index
        %get3A_511 = arith.constant 0 : index
        %get3A_512 = tpu.vector_load %arg6[%get3A_510, %get3A_511] {strides = array<i32>} : memref<200x128xf32, #tpu.memory_space<vmem>>, vector<1x16xf32>,
        %get3A_513 = vector.shape_cast %get3A_512 : vector<1x16xf32> to vector<16xf32>
        %add3A_514 = arith.addf %add3A_458, %get3A_513 : vector<16xf32>
        %add3A_515 = arith.constant 4 : i32
        %add3A_516 = arith.addi %mul3A_283, %add3A_515 : i32
        %get3A_517 = arith.index_cast %add3A_516 : i32 to index
        %get3A_518 = arith.constant 16 : index
        %get3A_519 = tpu.vector_load %arg6[%get3A_517, %get3A_518] {strides = array<i32>} : memref<200x128xf32, #tpu.memory_space<vmem>>, vector<1x16xf32>,
        %get3A_520 = vector.shape_cast %get3A_519 : vector<1x16xf32> to vector<16xf32>
        %add3A_521 = arith.addf %add3A_465, %get3A_520 : vector<16xf32>
        %add3A_522 = arith.constant 4 : i32
        %add3A_523 = arith.addi %mul3A_283, %add3A_522 : i32
        %get3A_524 = arith.index_cast %add3A_523 : i32 to index
        %get3A_525 = arith.constant 32 : index
        %get3A_526 = tpu.vector_load %arg6[%get3A_524, %get3A_525] {strides = array<i32>} : memref<200x128xf32, #tpu.memory_space<vmem>>, vector<1x16xf32>,
        %get3A_527 = vector.shape_cast %get3A_526 : vector<1x16xf32> to vector<16xf32>
        %add3A_528 = arith.addf %add3A_472, %get3A_527 : vector<16xf32>
        %add3A_529 = arith.constant 4 : i32
        %add3A_530 = arith.addi %mul3A_283, %add3A_529 : i32
        %get3A_531 = arith.index_cast %add3A_530 : i32 to index
        %get3A_532 = arith.constant 48 : index
        %get3A_533 = tpu.vector_load %arg6[%get3A_531, %get3A_532] {strides = array<i32>} : memref<200x128xf32, #tpu.memory_space<vmem>>, vector<1x16xf32>,
        %get3A_534 = vector.shape_cast %get3A_533 : vector<1x16xf32> to vector<16xf32>
        %add3A_535 = arith.addf %add3A_479, %get3A_534 : vector<16xf32>
        %add3A_536 = arith.constant 4 : i32
        %add3A_537 = arith.addi %mul3A_283, %add3A_536 : i32
        %get3A_538 = arith.index_cast %add3A_537 : i32 to index
        %get3A_539 = arith.constant 64 : index
        %get3A_540 = tpu.vector_load %arg6[%get3A_538, %get3A_539] {strides = array<i32>} : memref<200x128xf32, #tpu.memory_space<vmem>>, vector<1x16xf32>,
        %get3A_541 = vector.shape_cast %get3A_540 : vector<1x16xf32> to vector<16xf32>
        %add3A_542 = arith.addf %add3A_486, %get3A_541 : vector<16xf32>
        %add3A_543 = arith.constant 4 : i32
        %add3A_544 = arith.addi %mul3A_283, %add3A_543 : i32
        %get3A_545 = arith.index_cast %add3A_544 : i32 to index
        %get3A_546 = arith.constant 80 : index
        %get3A_547 = tpu.vector_load %arg6[%get3A_545, %get3A_546] {strides = array<i32>} : memref<200x128xf32, #tpu.memory_space<vmem>>, vector<1x16xf32>,
        %get3A_548 = vector.shape_cast %get3A_547 : vector<1x16xf32> to vector<16xf32>
        %add3A_549 = arith.addf %add3A_493, %get3A_548 : vector<16xf32>
        %add3A_550 = arith.constant 4 : i32
        %add3A_551 = arith.addi %mul3A_283, %add3A_550 : i32
        %get3A_552 = arith.index_cast %add3A_551 : i32 to index
        %get3A_553 = arith.constant 96 : index
        %get3A_554 = tpu.vector_load %arg6[%get3A_552, %get3A_553] {strides = array<i32>} : memref<200x128xf32, #tpu.memory_space<vmem>>, vector<1x16xf32>,
        %get3A_555 = vector.shape_cast %get3A_554 : vector<1x16xf32> to vector<16xf32>
        %add3A_556 = arith.addf %add3A_500, %get3A_555 : vector<16xf32>
        %add3A_557 = arith.constant 4 : i32
        %add3A_558 = arith.addi %mul3A_283, %add3A_557 : i32
        %get3A_559 = arith.index_cast %add3A_558 : i32 to index
        %get3A_560 = arith.constant 112 : index
        %get3A_561 = tpu.vector_load %arg6[%get3A_559, %get3A_560] {strides = array<i32>} : memref<200x128xf32, #tpu.memory_space<vmem>>, vector<1x16xf32>,
        %get3A_562 = vector.shape_cast %get3A_561 : vector<1x16xf32> to vector<16xf32>
        %add3A_563 = arith.addf %add3A_507, %get3A_562 : vector<16xf32>
        %add3A_564 = arith.constant 5 : i32
        %add3A_565 = arith.addi %mul3A_283, %add3A_564 : i32
        %get3A_566 = arith.index_cast %add3A_565 : i32 to index
        %get3A_567 = arith.constant 0 : index
        %get3A_568 = tpu.vector_load %arg6[%get3A_566, %get3A_567] {strides = array<i32>} : memref<200x128xf32, #tpu.memory_space<vmem>>, vector<1x16xf32>,
        %get3A_569 = vector.shape_cast %get3A_568 : vector<1x16xf32> to vector<16xf32>
        %add3A_570 = arith.addf %add3A_514, %get3A_569 : vector<16xf32>
        %add3A_571 = arith.constant 5 : i32
        %add3A_572 = arith.addi %mul3A_283, %add3A_571 : i32
        %get3A_573 = arith.index_cast %add3A_572 : i32 to index
        %get3A_574 = arith.constant 16 : index
        %get3A_575 = tpu.vector_load %arg6[%get3A_573, %get3A_574] {strides = array<i32>} : memref<200x128xf32, #tpu.memory_space<vmem>>, vector<1x16xf32>,
        %get3A_576 = vector.shape_cast %get3A_575 : vector<1x16xf32> to vector<16xf32>
        %add3A_577 = arith.addf %add3A_521, %get3A_576 : vector<16xf32>
        %add3A_578 = arith.constant 5 : i32
        %add3A_579 = arith.addi %mul3A_283, %add3A_578 : i32
        %get3A_580 = arith.index_cast %add3A_579 : i32 to index
        %get3A_581 = arith.constant 32 : index
        %get3A_582 = tpu.vector_load %arg6[%get3A_580, %get3A_581] {strides = array<i32>} : memref<200x128xf32, #tpu.memory_space<vmem>>, vector<1x16xf32>,
        %get3A_583 = vector.shape_cast %get3A_582 : vector<1x16xf32> to vector<16xf32>
        %add3A_584 = arith.addf %add3A_528, %get3A_583 : vector<16xf32>
        %add3A_585 = arith.constant 5 : i32
        %add3A_586 = arith.addi %mul3A_283, %add3A_585 : i32
        %get3A_587 = arith.index_cast %add3A_586 : i32 to index
        %get3A_588 = arith.constant 48 : index
        %get3A_589 = tpu.vector_load %arg6[%get3A_587, %get3A_588] {strides = array<i32>} : memref<200x128xf32, #tpu.memory_space<vmem>>, vector<1x16xf32>,
        %get3A_590 = vector.shape_cast %get3A_589 : vector<1x16xf32> to vector<16xf32>
        %add3A_591 = arith.addf %add3A_535, %get3A_590 : vector<16xf32>
        %add3A_592 = arith.constant 5 : i32
        %add3A_593 = arith.addi %mul3A_283, %add3A_592 : i32
        %get3A_594 = arith.index_cast %add3A_593 : i32 to index
        %get3A_595 = arith.constant 64 : index
        %get3A_596 = tpu.vector_load %arg6[%get3A_594, %get3A_595] {strides = array<i32>} : memref<200x128xf32, #tpu.memory_space<vmem>>, vector<1x16xf32>,
        %get3A_597 = vector.shape_cast %get3A_596 : vector<1x16xf32> to vector<16xf32>
        %add3A_598 = arith.addf %add3A_542, %get3A_597 : vector<16xf32>
        %add3A_599 = arith.constant 5 : i32
        %add3A_600 = arith.addi %mul3A_283, %add3A_599 : i32
        %get3A_601 = arith.index_cast %add3A_600 : i32 to index
        %get3A_602 = arith.constant 80 : index
        %get3A_603 = tpu.vector_load %arg6[%get3A_601, %get3A_602] {strides = array<i32>} : memref<200x128xf32, #tpu.memory_space<vmem>>, vector<1x16xf32>,
        %get3A_604 = vector.shape_cast %get3A_603 : vector<1x16xf32> to vector<16xf32>
        %add3A_605 = arith.addf %add3A_549, %get3A_604 : vector<16xf32>
        %add3A_606 = arith.constant 5 : i32
        %add3A_607 = arith.addi %mul3A_283, %add3A_606 : i32
        %get3A_608 = arith.index_cast %add3A_607 : i32 to index
        %get3A_609 = arith.constant 96 : index
        %get3A_610 = tpu.vector_load %arg6[%get3A_608, %get3A_609] {strides = array<i32>} : memref<200x128xf32, #tpu.memory_space<vmem>>, vector<1x16xf32>,
        %get3A_611 = vector.shape_cast %get3A_610 : vector<1x16xf32> to vector<16xf32>
        %add3A_612 = arith.addf %add3A_556, %get3A_611 : vector<16xf32>
        %add3A_613 = arith.constant 5 : i32
        %add3A_614 = arith.addi %mul3A_283, %add3A_613 : i32
        %get3A_615 = arith.index_cast %add3A_614 : i32 to index
        %get3A_616 = arith.constant 112 : index
        %get3A_617 = tpu.vector_load %arg6[%get3A_615, %get3A_616] {strides = array<i32>} : memref<200x128xf32, #tpu.memory_space<vmem>>, vector<1x16xf32>,
        %get3A_618 = vector.shape_cast %get3A_617 : vector<1x16xf32> to vector<16xf32>
        %add3A_619 = arith.addf %add3A_563, %get3A_618 : vector<16xf32>
        %add3A_620 = arith.constant 6 : i32
        %add3A_621 = arith.addi %mul3A_283, %add3A_620 : i32
        %get3A_622 = arith.index_cast %add3A_621 : i32 to index
        %get3A_623 = arith.constant 0 : index
        %get3A_624 = tpu.vector_load %arg6[%get3A_622, %get3A_623] {strides = array<i32>} : memref<200x128xf32, #tpu.memory_space<vmem>>, vector<1x16xf32>,
        %get3A_625 = vector.shape_cast %get3A_624 : vector<1x16xf32> to vector<16xf32>
        %add3A_626 = arith.addf %add3A_570, %get3A_625 : vector<16xf32>
        %add3A_627 = arith.constant 6 : i32
        %add3A_628 = arith.addi %mul3A_283, %add3A_627 : i32
        %get3A_629 = arith.index_cast %add3A_628 : i32 to index
        %get3A_630 = arith.constant 16 : index
        %get3A_631 = tpu.vector_load %arg6[%get3A_629, %get3A_630] {strides = array<i32>} : memref<200x128xf32, #tpu.memory_space<vmem>>, vector<1x16xf32>,
        %get3A_632 = vector.shape_cast %get3A_631 : vector<1x16xf32> to vector<16xf32>
        %add3A_633 = arith.addf %add3A_577, %get3A_632 : vector<16xf32>
        %add3A_634 = arith.constant 6 : i32
        %add3A_635 = arith.addi %mul3A_283, %add3A_634 : i32
        %get3A_636 = arith.index_cast %add3A_635 : i32 to index
        %get3A_637 = arith.constant 32 : index
        %get3A_638 = tpu.vector_load %arg6[%get3A_636, %get3A_637] {strides = array<i32>} : memref<200x128xf32, #tpu.memory_space<vmem>>, vector<1x16xf32>,
        %get3A_639 = vector.shape_cast %get3A_638 : vector<1x16xf32> to vector<16xf32>
        %add3A_640 = arith.addf %add3A_584, %get3A_639 : vector<16xf32>
        %add3A_641 = arith.constant 6 : i32
        %add3A_642 = arith.addi %mul3A_283, %add3A_641 : i32
        %get3A_643 = arith.index_cast %add3A_642 : i32 to index
        %get3A_644 = arith.constant 48 : index
        %get3A_645 = tpu.vector_load %arg6[%get3A_643, %get3A_644] {strides = array<i32>} : memref<200x128xf32, #tpu.memory_space<vmem>>, vector<1x16xf32>,
        %get3A_646 = vector.shape_cast %get3A_645 : vector<1x16xf32> to vector<16xf32>
        %add3A_647 = arith.addf %add3A_591, %get3A_646 : vector<16xf32>
        %add3A_648 = arith.constant 6 : i32
        %add3A_649 = arith.addi %mul3A_283, %add3A_648 : i32
        %get3A_650 = arith.index_cast %add3A_649 : i32 to index
        %get3A_651 = arith.constant 64 : index
        %get3A_652 = tpu.vector_load %arg6[%get3A_650, %get3A_651] {strides = array<i32>} : memref<200x128xf32, #tpu.memory_space<vmem>>, vector<1x16xf32>,
        %get3A_653 = vector.shape_cast %get3A_652 : vector<1x16xf32> to vector<16xf32>
        %add3A_654 = arith.addf %add3A_598, %get3A_653 : vector<16xf32>
        %add3A_655 = arith.constant 6 : i32
        %add3A_656 = arith.addi %mul3A_283, %add3A_655 : i32
        %get3A_657 = arith.index_cast %add3A_656 : i32 to index
        %get3A_658 = arith.constant 80 : index
        %get3A_659 = tpu.vector_load %arg6[%get3A_657, %get3A_658] {strides = array<i32>} : memref<200x128xf32, #tpu.memory_space<vmem>>, vector<1x16xf32>,
        %get3A_660 = vector.shape_cast %get3A_659 : vector<1x16xf32> to vector<16xf32>
        %add3A_661 = arith.addf %add3A_605, %get3A_660 : vector<16xf32>
        %add3A_662 = arith.constant 6 : i32
        %add3A_663 = arith.addi %mul3A_283, %add3A_662 : i32
        %get3A_664 = arith.index_cast %add3A_663 : i32 to index
        %get3A_665 = arith.constant 96 : index
        %get3A_666 = tpu.vector_load %arg6[%get3A_664, %get3A_665] {strides = array<i32>} : memref<200x128xf32, #tpu.memory_space<vmem>>, vector<1x16xf32>,
        %get3A_667 = vector.shape_cast %get3A_666 : vector<1x16xf32> to vector<16xf32>
        %add3A_668 = arith.addf %add3A_612, %get3A_667 : vector<16xf32>
        %add3A_669 = arith.constant 6 : i32
        %add3A_670 = arith.addi %mul3A_283, %add3A_669 : i32
        %get3A_671 = arith.index_cast %add3A_670 : i32 to index
        %get3A_672 = arith.constant 112 : index
        %get3A_673 = tpu.vector_load %arg6[%get3A_671, %get3A_672] {strides = array<i32>} : memref<200x128xf32, #tpu.memory_space<vmem>>, vector<1x16xf32>,
        %get3A_674 = vector.shape_cast %get3A_673 : vector<1x16xf32> to vector<16xf32>
        %add3A_675 = arith.addf %add3A_619, %get3A_674 : vector<16xf32>
        %add3A_676 = arith.constant 7 : i32
        %add3A_677 = arith.addi %mul3A_283, %add3A_676 : i32
        %get3A_678 = arith.index_cast %add3A_677 : i32 to index
        %get3A_679 = arith.constant 0 : index
        %get3A_680 = tpu.vector_load %arg6[%get3A_678, %get3A_679] {strides = array<i32>} : memref<200x128xf32, #tpu.memory_space<vmem>>, vector<1x16xf32>,
        %get3A_681 = vector.shape_cast %get3A_680 : vector<1x16xf32> to vector<16xf32>
        %add3A_682 = arith.addf %add3A_626, %get3A_681 : vector<16xf32>
        %add3A_683 = arith.constant 7 : i32
        %add3A_684 = arith.addi %mul3A_283, %add3A_683 : i32
        %get3A_685 = arith.index_cast %add3A_684 : i32 to index
        %get3A_686 = arith.constant 16 : index
        %get3A_687 = tpu.vector_load %arg6[%get3A_685, %get3A_686] {strides = array<i32>} : memref<200x128xf32, #tpu.memory_space<vmem>>, vector<1x16xf32>,
        %get3A_688 = vector.shape_cast %get3A_687 : vector<1x16xf32> to vector<16xf32>
        %add3A_689 = arith.addf %add3A_633, %get3A_688 : vector<16xf32>
        %add3A_690 = arith.constant 7 : i32
        %add3A_691 = arith.addi %mul3A_283, %add3A_690 : i32
        %get3A_692 = arith.index_cast %add3A_691 : i32 to index
        %get3A_693 = arith.constant 32 : index
        %get3A_694 = tpu.vector_load %arg6[%get3A_692, %get3A_693] {strides = array<i32>} : memref<200x128xf32, #tpu.memory_space<vmem>>, vector<1x16xf32>,
        %get3A_695 = vector.shape_cast %get3A_694 : vector<1x16xf32> to vector<16xf32>
        %add3A_696 = arith.addf %add3A_640, %get3A_695 : vector<16xf32>
        %add3A_697 = arith.constant 7 : i32
        %add3A_698 = arith.addi %mul3A_283, %add3A_697 : i32
        %get3A_699 = arith.index_cast %add3A_698 : i32 to index
        %get3A_700 = arith.constant 48 : index
        %get3A_701 = tpu.vector_load %arg6[%get3A_699, %get3A_700] {strides = array<i32>} : memref<200x128xf32, #tpu.memory_space<vmem>>, vector<1x16xf32>,
        %get3A_702 = vector.shape_cast %get3A_701 : vector<1x16xf32> to vector<16xf32>
        %add3A_703 = arith.addf %add3A_647, %get3A_702 : vector<16xf32>
        %add3A_704 = arith.constant 7 : i32
        %add3A_705 = arith.addi %mul3A_283, %add3A_704 : i32
        %get3A_706 = arith.index_cast %add3A_705 : i32 to index
        %get3A_707 = arith.constant 64 : index
        %get3A_708 = tpu.vector_load %arg6[%get3A_706, %get3A_707] {strides = array<i32>} : memref<200x128xf32, #tpu.memory_space<vmem>>, vector<1x16xf32>,
        %get3A_709 = vector.shape_cast %get3A_708 : vector<1x16xf32> to vector<16xf32>
        %add3A_710 = arith.addf %add3A_654, %get3A_709 : vector<16xf32>
        %add3A_711 = arith.constant 7 : i32
        %add3A_712 = arith.addi %mul3A_283, %add3A_711 : i32
        %get3A_713 = arith.index_cast %add3A_712 : i32 to index
        %get3A_714 = arith.constant 80 : index
        %get3A_715 = tpu.vector_load %arg6[%get3A_713, %get3A_714] {strides = array<i32>} : memref<200x128xf32, #tpu.memory_space<vmem>>, vector<1x16xf32>,
        %get3A_716 = vector.shape_cast %get3A_715 : vector<1x16xf32> to vector<16xf32>
        %add3A_717 = arith.addf %add3A_661, %get3A_716 : vector<16xf32>
        %add3A_718 = arith.constant 7 : i32
        %add3A_719 = arith.addi %mul3A_283, %add3A_718 : i32
        %get3A_720 = arith.index_cast %add3A_719 : i32 to index
        %get3A_721 = arith.constant 96 : index
        %get3A_722 = tpu.vector_load %arg6[%get3A_720, %get3A_721] {strides = array<i32>} : memref<200x128xf32, #tpu.memory_space<vmem>>, vector<1x16xf32>,
        %get3A_723 = vector.shape_cast %get3A_722 : vector<1x16xf32> to vector<16xf32>
        %add3A_724 = arith.addf %add3A_668, %get3A_723 : vector<16xf32>
        %add3A_725 = arith.constant 7 : i32
        %add3A_726 = arith.addi %mul3A_283, %add3A_725 : i32
        %get3A_727 = arith.index_cast %add3A_726 : i32 to index
        %get3A_728 = arith.constant 112 : index
        %get3A_729 = tpu.vector_load %arg6[%get3A_727, %get3A_728] {strides = array<i32>} : memref<200x128xf32, #tpu.memory_space<vmem>>, vector<1x16xf32>,
        %get3A_730 = vector.shape_cast %get3A_729 : vector<1x16xf32> to vector<16xf32>
        %add3A_731 = arith.addf %add3A_675, %get3A_730 : vector<16xf32>
        scf.yield %add3A_682, %add3A_689, %add3A_696, %add3A_703, %add3A_710, %add3A_717, %add3A_724, %add3A_731 : vector<16xf32>, vector<16xf32>, vector<16xf32>, vector<16xf32>, vector<16xf32>, vector<16xf32>, vector<16xf32>, vector<16xf32>
      }
      %scan3A_200 = arith.constant 25 : i32
      %add3A_201 = arith.constant 2 : i32
      %add3A_202 = arith.addi %add3A_171, %add3A_201 : i32
      %lt3A_203 = arith.constant 10 : i32
      %lt3A_204 = arith.cmpi slt, %add3A_202, %lt3A_203 : i32
      %convert_element_type3A_205 = arith.extui %lt3A_204 : i1 to i32
      %cond3A_206 = arith.constant 0 : i32
      %cond3A_207 = arith.cmpi ne, %convert_element_type3A_205, %cond3A_206 : i32
      scf.if %cond3A_207 {
        %add3A_273 = arith.constant 2 : i32
        %add3A_274 = arith.addi %add3A_171, %add3A_273 : i32
        %mul3A_275 = arith.constant 200 : i32
        %mul3A_276 = arith.muli %add3A_274, %mul3A_275 : i32
        %add3A_277 = arith.addi %mul3A_2, %mul3A_276 : i32
        %dma_start3A_278 = arith.constant 0 : i32
        %dma_start3A_279 = tpu.memref_slice %arg3[%add3A_277, %dma_start3A_278] : memref<320000x128xf32, #tpu.memory_space<hbm>> -> memref<200x128xf32, #tpu.memory_space<hbm>>
        %dma_start3A_280 = arith.constant 0 : i32
        %dma_start3A_281 = tpu.memref_slice %arg3[%add3A_277, %dma_start3A_280] : memref<320000x128xf32, #tpu.memory_space<hbm>> -> memref<200x128xf32, #tpu.memory_space<hbm>>
        tpu.enqueue_dma source(%dma_start3A_281 : memref<200x128xf32, #tpu.memory_space<hbm>>) target(%arg6 : memref<200x128xf32, #tpu.memory_space<vmem>>) target_semaphore(%arg9 : memref<!tpu.dma_semaphore, #tpu.memory_space<semaphore_mem>>)
      } else {
      }
      %get3A_208 = arith.constant 0 : index
      %get3A_209 = tpu.vector_load %arg7[%get3A_208] {strides = array<i32>} : memref<128xf32, #tpu.memory_space<vmem>>, vector<16xf32>,
      %get3A_210 = vector.shape_cast %get3A_209 : vector<16xf32> to vector<16xf32>
      %add3A_211 = arith.addf %get3A_210, %scan3A_199#0 : vector<16xf32>
      %swap3A_212 = arith.constant 0 : index
      %swap3A_213 = tpu.vector_load %arg7[%swap3A_212] {strides = array<i32>} : memref<128xf32, #tpu.memory_space<vmem>>, vector<16xf32>,
      %swap3A_214 = vector.shape_cast %swap3A_213 : vector<16xf32> to vector<16xf32>
      %swap3A_215 = vector.shape_cast %add3A_211 : vector<16xf32> to vector<16xf32>
      tpu.vector_store %arg7[%swap3A_212], %swap3A_215 {strides = array<i32>} : memref<128xf32, #tpu.memory_space<vmem>>, vector<16xf32>,
      %get3A_216 = arith.constant 16 : index
      %get3A_217 = tpu.vector_load %arg7[%get3A_216] {strides = array<i32>} : memref<128xf32, #tpu.memory_space<vmem>>, vector<16xf32>,
      %get3A_218 = vector.shape_cast %get3A_217 : vector<16xf32> to vector<16xf32>
      %add3A_219 = arith.addf %get3A_218, %scan3A_199#1 : vector<16xf32>
      %swap3A_220 = arith.constant 16 : index
      %swap3A_221 = tpu.vector_load %arg7[%swap3A_220] {strides = array<i32>} : memref<128xf32, #tpu.memory_space<vmem>>, vector<16xf32>,
      %swap3A_222 = vector.shape_cast %swap3A_221 : vector<16xf32> to vector<16xf32>
      %swap3A_223 = vector.shape_cast %add3A_219 : vector<16xf32> to vector<16xf32>
      tpu.vector_store %arg7[%swap3A_220], %swap3A_223 {strides = array<i32>} : memref<128xf32, #tpu.memory_space<vmem>>, vector<16xf32>,
      %get3A_224 = arith.constant 32 : index
      %get3A_225 = tpu.vector_load %arg7[%get3A_224] {strides = array<i32>} : memref<128xf32, #tpu.memory_space<vmem>>, vector<16xf32>,
      %get3A_226 = vector.shape_cast %get3A_225 : vector<16xf32> to vector<16xf32>
      %add3A_227 = arith.addf %get3A_226, %scan3A_199#2 : vector<16xf32>
      %swap3A_228 = arith.constant 32 : index
      %swap3A_229 = tpu.vector_load %arg7[%swap3A_228] {strides = array<i32>} : memref<128xf32, #tpu.memory_space<vmem>>, vector<16xf32>,
      %swap3A_230 = vector.shape_cast %swap3A_229 : vector<16xf32> to vector<16xf32>
      %swap3A_231 = vector.shape_cast %add3A_227 : vector<16xf32> to vector<16xf32>
      tpu.vector_store %arg7[%swap3A_228], %swap3A_231 {strides = array<i32>} : memref<128xf32, #tpu.memory_space<vmem>>, vector<16xf32>,
      %get3A_232 = arith.constant 48 : index
      %get3A_233 = tpu.vector_load %arg7[%get3A_232] {strides = array<i32>} : memref<128xf32, #tpu.memory_space<vmem>>, vector<16xf32>,
      %get3A_234 = vector.shape_cast %get3A_233 : vector<16xf32> to vector<16xf32>
      %add3A_235 = arith.addf %get3A_234, %scan3A_199#3 : vector<16xf32>
      %swap3A_236 = arith.constant 48 : index
      %swap3A_237 = tpu.vector_load %arg7[%swap3A_236] {strides = array<i32>} : memref<128xf32, #tpu.memory_space<vmem>>, vector<16xf32>,
      %swap3A_238 = vector.shape_cast %swap3A_237 : vector<16xf32> to vector<16xf32>
      %swap3A_239 = vector.shape_cast %add3A_235 : vector<16xf32> to vector<16xf32>
      tpu.vector_store %arg7[%swap3A_236], %swap3A_239 {strides = array<i32>} : memref<128xf32, #tpu.memory_space<vmem>>, vector<16xf32>,
      %get3A_240 = arith.constant 64 : index
      %get3A_241 = tpu.vector_load %arg7[%get3A_240] {strides = array<i32>} : memref<128xf32, #tpu.memory_space<vmem>>, vector<16xf32>,
      %get3A_242 = vector.shape_cast %get3A_241 : vector<16xf32> to vector<16xf32>
      %add3A_243 = arith.addf %get3A_242, %scan3A_199#4 : vector<16xf32>
      %swap3A_244 = arith.constant 64 : index
      %swap3A_245 = tpu.vector_load %arg7[%swap3A_244] {strides = array<i32>} : memref<128xf32, #tpu.memory_space<vmem>>, vector<16xf32>,
      %swap3A_246 = vector.shape_cast %swap3A_245 : vector<16xf32> to vector<16xf32>
      %swap3A_247 = vector.shape_cast %add3A_243 : vector<16xf32> to vector<16xf32>
      tpu.vector_store %arg7[%swap3A_244], %swap3A_247 {strides = array<i32>} : memref<128xf32, #tpu.memory_space<vmem>>, vector<16xf32>,
      %get3A_248 = arith.constant 80 : index
      %get3A_249 = tpu.vector_load %arg7[%get3A_248] {strides = array<i32>} : memref<128xf32, #tpu.memory_space<vmem>>, vector<16xf32>,
      %get3A_250 = vector.shape_cast %get3A_249 : vector<16xf32> to vector<16xf32>
      %add3A_251 = arith.addf %get3A_250, %scan3A_199#5 : vector<16xf32>
      %swap3A_252 = arith.constant 80 : index
      %swap3A_253 = tpu.vector_load %arg7[%swap3A_252] {strides = array<i32>} : memref<128xf32, #tpu.memory_space<vmem>>, vector<16xf32>,
      %swap3A_254 = vector.shape_cast %swap3A_253 : vector<16xf32> to vector<16xf32>
      %swap3A_255 = vector.shape_cast %add3A_251 : vector<16xf32> to vector<16xf32>
      tpu.vector_store %arg7[%swap3A_252], %swap3A_255 {strides = array<i32>} : memref<128xf32, #tpu.memory_space<vmem>>, vector<16xf32>,
      %get3A_256 = arith.constant 96 : index
      %get3A_257 = tpu.vector_load %arg7[%get3A_256] {strides = array<i32>} : memref<128xf32, #tpu.memory_space<vmem>>, vector<16xf32>,
      %get3A_258 = vector.shape_cast %get3A_257 : vector<16xf32> to vector<16xf32>
      %add3A_259 = arith.addf %get3A_258, %scan3A_199#6 : vector<16xf32>
      %swap3A_260 = arith.constant 96 : index
      %swap3A_261 = tpu.vector_load %arg7[%swap3A_260] {strides = array<i32>} : memref<128xf32, #tpu.memory_space<vmem>>, vector<16xf32>,
      %swap3A_262 = vector.shape_cast %swap3A_261 : vector<16xf32> to vector<16xf32>
      %swap3A_263 = vector.shape_cast %add3A_259 : vector<16xf32> to vector<16xf32>
      tpu.vector_store %arg7[%swap3A_260], %swap3A_263 {strides = array<i32>} : memref<128xf32, #tpu.memory_space<vmem>>, vector<16xf32>,
      %get3A_264 = arith.constant 112 : index
      %get3A_265 = tpu.vector_load %arg7[%get3A_264] {strides = array<i32>} : memref<128xf32, #tpu.memory_space<vmem>>, vector<16xf32>,
      %get3A_266 = vector.shape_cast %get3A_265 : vector<16xf32> to vector<16xf32>
      %add3A_267 = arith.addf %get3A_266, %scan3A_199#7 : vector<16xf32>
      %swap3A_268 = arith.constant 112 : index
      %swap3A_269 = tpu.vector_load %arg7[%swap3A_268] {strides = array<i32>} : memref<128xf32, #tpu.memory_space<vmem>>, vector<16xf32>,
      %swap3A_270 = vector.shape_cast %swap3A_269 : vector<16xf32> to vector<16xf32>
      %swap3A_271 = vector.shape_cast %add3A_267 : vector<16xf32> to vector<16xf32>
      tpu.vector_store %arg7[%swap3A_268], %swap3A_271 {strides = array<i32>} : memref<128xf32, #tpu.memory_space<vmem>>, vector<16xf32>,
      %scan3A_272 = arith.constant 0 : i32
      scf.yield %scan3A_272 : i32
    }
    %scan3A_66 = arith.constant 5 : i32
    "tpu.region"() ({
      %run_scoped3A = tpu.sem_alloc : memref<!tpu.dma_semaphore, #tpu.memory_space<semaphore_mem>>
      %dma_start3A_67 = arith.constant 0 : i32
      %dma_start3A_68 = tpu.memref_slice %arg4[%add3A, %dma_start3A_67] : memref<32x128xf32, #tpu.memory_space<hbm>> -> memref<1x128xf32, #tpu.memory_space<hbm>>
      %dma_start3A_69 = tpu.memref_squeeze %dma_start3A_68 : memref<1x128xf32, #tpu.memory_space<hbm>> -> memref<128xf32, #tpu.memory_space<hbm>>
      %dma_start3A_70 = arith.constant 0 : i32
      %dma_start3A_71 = tpu.memref_slice %arg4[%add3A, %dma_start3A_70] : memref<32x128xf32, #tpu.memory_space<hbm>> -> memref<1x128xf32, #tpu.memory_space<hbm>>
      %dma_start3A_72 = tpu.memref_squeeze %dma_start3A_71 : memref<1x128xf32, #tpu.memory_space<hbm>> -> memref<128xf32, #tpu.memory_space<hbm>>
      tpu.enqueue_dma source(%arg7 : memref<128xf32, #tpu.memory_space<vmem>>) target(%dma_start3A_72 : memref<128xf32, #tpu.memory_space<hbm>>) target_semaphore(%run_scoped3A : memref<!tpu.dma_semaphore, #tpu.memory_space<semaphore_mem>>)
      %dma_wait3A = arith.constant 0 : i32
      %dma_wait3A_73 = tpu.memref_slice %arg4[%add3A, %dma_wait3A] : memref<32x128xf32, #tpu.memory_space<hbm>> -> memref<1x128xf32, #tpu.memory_space<hbm>>
      %dma_wait3A_74 = tpu.memref_squeeze %dma_wait3A_73 : memref<1x128xf32, #tpu.memory_space<hbm>> -> memref<128xf32, #tpu.memory_space<hbm>>
      %dma_wait3A_75 = arith.constant 0 : i32
      %dma_wait3A_76 = tpu.memref_slice %arg4[%add3A, %dma_wait3A_75] : memref<32x128xf32, #tpu.memory_space<hbm>> -> memref<1x128xf32, #tpu.memory_space<hbm>>
      %dma_wait3A_77 = tpu.memref_squeeze %dma_wait3A_76 : memref<1x128xf32, #tpu.memory_space<hbm>> -> memref<128xf32, #tpu.memory_space<hbm>>
      tpu.wait_dma2 semaphore(%run_scoped3A : memref<!tpu.dma_semaphore, #tpu.memory_space<semaphore_mem>>) src(%arg7 : memref<128xf32, #tpu.memory_space<vmem>>) dst(%dma_wait3A_77 : memref<128xf32, #tpu.memory_space<hbm>>)
      tpu.yield
    }) : () -> ()
    return
  }
}

module attributes {stable_mosaic.version = 14 : i64} {
  func.func @_tc_body(%arg0: i32, %arg1: memref<8000x128xf32, #tpu.memory_space<vmem>>, %arg2: memref<8000x128xf32, #tpu.memory_space<vmem>>, %arg3: memref<8x128xf32, #tpu.memory_space<vmem>>) attributes {dimension_semantics = [#tpu.dimension_semantics<arbitrary>], iteration_bounds = array<i64: 32>, scalar_prefetch = 0 : i64, scratch_operands = 0 : i64, tpu.core_type = #tpu.core_type<tc>, window_params = [{transform_indices = @transform_0, window_bounds = array<i64: 8000, 128>}, {transform_indices = @transform_1, window_bounds = array<i64: 8000, 128>}, {pipeline_mode = #tpu.pipeline_mode<synchronous>, transform_indices = @transform_2, window_bounds = array<i64: 8, 128>}]} {
    %get3A = arith.constant 0 : index
    %get3A_0 = arith.constant 0 : index
    %get3A_1 = vector.load %arg1[%get3A, %get3A_0] : memref<8000x128xf32, #tpu.memory_space<vmem>>, vector<8000x128xf32>
    %reshape3A = vector.shape_cast %get3A_1 : vector<8000x128xf32> to vector<1000x8x128xf32>
    %get3A_2 = arith.constant 0 : index
    %get3A_3 = arith.constant 0 : index
    %get3A_4 = vector.load %arg2[%get3A_2, %get3A_3] : memref<8000x128xf32, #tpu.memory_space<vmem>>, vector<8000x128xf32>
    %reshape3A_5 = vector.shape_cast %get3A_4 : vector<8000x128xf32> to vector<1000x8x128xf32>
    %reduce_sum3A = arith.constant dense<0.000000e+00> : vector<8x128xf32>
    %reduce_sum3A_6 = vector.multi_reduction <add>, %reshape3A, %reduce_sum3A [0] : vector<1000x8x128xf32> to vector<8x128xf32>
    %reduce_sum3A_7 = arith.constant dense<0.000000e+00> : vector<8x128xf32>
    %reduce_sum3A_8 = vector.multi_reduction <add>, %reshape3A_5, %reduce_sum3A_7 [0] : vector<1000x8x128xf32> to vector<8x128xf32>
    %add3A = arith.addf %reduce_sum3A_6, %reduce_sum3A_8 : vector<8x128xf32>
    %eq3A = arith.constant 0 : i32
    %eq3A_9 = arith.cmpi eq, %arg0, %eq3A : i32
    %convert_element_type3A = arith.extui %eq3A_9 : i1 to i32
    %cond3A = arith.constant 0 : i32
    %cond3A_10 = arith.cmpi ne, %convert_element_type3A, %cond3A : i32
    scf.if %cond3A_10 {
      %swap3A = arith.constant 0 : index
      %swap3A_15 = arith.constant 0 : index
      %swap3A_16 = vector.load %arg3[%swap3A, %swap3A_15] : memref<8x128xf32, #tpu.memory_space<vmem>>, vector<8x128xf32>
      tpu.vector_store %arg3[%swap3A, %swap3A_15], %add3A {strides = array<i32>} : memref<8x128xf32, #tpu.memory_space<vmem>>, vector<8x128xf32>,
    } else {
    }
    %ne3A = arith.constant 0 : i32
    %ne3A_11 = arith.cmpi ne, %arg0, %ne3A : i32
    %convert_element_type3A_12 = arith.extui %ne3A_11 : i1 to i32
    %cond3A_13 = arith.constant 0 : i32
    %cond3A_14 = arith.cmpi ne, %convert_element_type3A_12, %cond3A_13 : i32
    scf.if %cond3A_14 {
      %get3A_15 = arith.constant 0 : index
      %get3A_16 = arith.constant 0 : index
      %get3A_17 = vector.load %arg3[%get3A_15, %get3A_16] : memref<8x128xf32, #tpu.memory_space<vmem>>, vector<8x128xf32>
      %add3A_18 = arith.addf %get3A_17, %add3A : vector<8x128xf32>
      %swap3A = arith.constant 0 : index
      %swap3A_19 = arith.constant 0 : index
      %swap3A_20 = vector.load %arg3[%swap3A, %swap3A_19] : memref<8x128xf32, #tpu.memory_space<vmem>>, vector<8x128xf32>
      tpu.vector_store %arg3[%swap3A, %swap3A_19], %add3A_18 {strides = array<i32>} : memref<8x128xf32, #tpu.memory_space<vmem>>, vector<8x128xf32>,
    } else {
    }
    return
  }
  func.func @transform_0(%arg0: i32) -> (i32, i32) {
    %add3A = arith.constant 8 : i32
    %add3A_0 = arith.addi %arg0, %add3A : i32
    %c0_i32 = arith.constant 0 : i32
    %c0_i32_1 = arith.constant 0 : i32
    return %add3A_0, %c0_i32 : i32, i32
  }
  func.func @transform_1(%arg0: i32) -> (i32, i32) {
    %add3A = arith.constant 8 : i32
    %add3A_0 = arith.addi %arg0, %add3A : i32
    %c0_i32 = arith.constant 0 : i32
    %c0_i32_1 = arith.constant 0 : i32
    return %add3A_0, %c0_i32 : i32, i32
  }
  func.func @transform_2(%arg0: i32) -> (i32, i32) {
    %c0_i32 = arith.constant 0 : i32
    %c0_i32_0 = arith.constant 0 : i32
    %c0_i32_1 = arith.constant 0 : i32
    return %c0_i32, %c0_i32_0 : i32, i32
  }
}

</mosaic_0001>

<sc_bundles>
// kernel: kernel.4.cloned.1.call-start
scs
__scs_entry_jumppad:
0x0: {  	(pc) =	sbr.rel $0x88, $3  }
0x1: {  	(tag) =	ssettag $0x0;
	lr =	simm.s32 $0x1  }
0x2: {  	[smem:$0x3F9F] =	sst lr;
	_ =	strace $0xD0000000  }
0x3: {  	_ = 	snop  }
0x4: {  	_ = 	snop  }
0x5: {  	_ = 	snop  }
0x6: {  	_ = 	snop  }
0x7: {  	_ = 	snop  }
__scs_overlays_trampoline_lowered:
0x8: {  	[smem:$0x3FAE] =	sst s0  }
0x9: {  	[smem:$0x3FAF] =	sst s1  }
0xa: {  	[smem:$0x3FB0] =	sst s2  }
0xb: {  	[smem:$0x3FB1] =	sst s3  }
0xc: {  	[smem:$0x3FB2] =	sst s4  }
0xd: {  	[smem:$0x3FB3] =	sst s5  }
0xe: {  	[smem:$0x3FB4] =	sst s6  }
0xf: {  	[smem:$0x3FB5] =	sst s7  }
0x10: {  	[smem:$0x3FB6] =	sst s8  }
0x11: {  	[smem:$0x3FB7] =	sst s9;
	s0 =	simm.s32 @!p0 $0x0  }
0x12: {  	s1 =	sld [smem:$0x3F9D];
	s0 =	simm.s32 @p0 $0x1  }
0x13: {  	[smem:$0x3FB8] =	sst s0;
	s0 =	simm.s32 @!p1 $0x0  }
0x14: {  	s2 =	sld [smem:$0x3F9C];
	s0 =	simm.s32 @p1 $0x1  }
0x15: {  	[smem:$0x3FB9] =	sst s0;
	s0 =	simm.s32 @!p2 $0x0  }
0x16: {  	s3 =	sld [smem:$0x3FDB];
	s0 =	simm.s32 @p2 $0x1  }
0x17: {  	s4 =	simm.s32 $0x1BF5;
	[smem:$0x3FBB] =	sst s0  }
0x18: {  	s0 =	sld [smem:$0x3F9E];
	_ =	swait.ge [sflag:s4], $0x0  }
0x19: {  	s7 =	sld [smem:$0x3F9F]  }
0x1a: {  	s8 =	sadd.s32 $0xFFFFE003, lr  }
0x1b: {  	s9 =	sadd.s32 $0xFFFFFEF7, lr;
	s5 =	simm.s32 $0xFFFFFFFF;
	p2 =	slt.u32 s8, $0xFFFFF086  }
0x1c: {  	p1 =	slt.u32 s9, $0xF7A;
	s5 =	simm.s32 @!p2 $0x0  }
0x1d: {  	s5 =	simm.s32 @p1 $0x1;
	p0 =	seq.s32 s7, s2  }
0x1e: {  	s7 =	smul.u32 @!p0 $0xF7A, s2;
	p2 =	seq.s32 @!p0 s5, $0x0  }
0x1f: {  	s9 =	smul.u32 $0xF7A, s1;
	s8 =	simm.s32 @!p0 $0x1BF5;
	p2 =	por !p2, p0  }
0x20: {  	[sflag:s8] =	ssyncset.s32 @!p0 $0xFFFFF086;
	s6 =	sadd.s32 @!p0 s3, s7;
	s7 =	simm.s32 @!p0 $0x108  }
0x21: {  	s3 =	sadd.s32 s3, s9;
	s6 =	sadd.s32 @!p0 $0x88, s6;
	s7 =	simm.s32 @p2 $0x1082  }
0x22: {  	[simem:s7], [sflag:s8] =	dma.local @!p0 [hbm:s6], $0xF7A  }
0x23: {  	s9 =	sor.u32 $0xD0000000, s2;
	s6 =	simm.s32 $0x108;
	_ =	swait.ge @!p0 [sflag:s8], $0x0  }
0x24: {  	s3 =	sadd.s32 $0x88, s3;
	s6 =	simm.s32 @!p1 $0x1082;
	[sflag:s4] =	ssyncset.s32 $0xFFFFF086  }
0x25: {  	[simem:s6], [sflag:s4] =	dma.local [hbm:s3], $0xF7A  }
0x26: {  	[smem:$0x3F9F] =	sst s1;
	(tag) =	ssettag s2;
	_ =	strace s9  }
0x27: {  	s1 =	sld [smem:$0x3FAF]  }
0x28: {  	s2 =	sld [smem:$0x3FB0]  }
0x29: {  	s4 =	sld [smem:$0x3FB2]  }
0x2a: {  	p0 =	seq.s32 s5, $0x0;
	s5 =	sld [smem:$0x3FB3]  }
0x2b: {  	s6 =	sld [smem:$0x3FB4]  }
0x2c: {  	s7 =	sld [smem:$0x3FB5]  }
0x2d: {  	s3 =	simm.s32 $0x108;
	s8 =	sld [smem:$0x3FB6]  }
0x2e: {  	s3 =	simm.s32 @!p0 $0x1082;
	s9 =	sld [smem:$0x3FB7]  }
0x2f: {  	lr =	sadd.s32 s0, s3;
	s0 =	sld [smem:$0x3FAE]  }
0x30: {  	s3 =	sld [smem:$0x3FB1]  }
0x31: {  	[smem:$0x3FBA] =	sst s10  }
0x32: {  	s10 =	sld [smem:$0x3FB8];
	_ =	sdelay $0x3  }
0x33: {  	p0 =	seq.s32 s10, $0x1;
	s10 =	sld [smem:$0x3FBA];
	_ =	sdelay $0x3  }
0x34: {  	[smem:$0x3FBA] =	sst s10  }
0x35: {  	s10 =	sld [smem:$0x3FB9];
	_ =	sdelay $0x3  }
0x36: {  	p1 =	seq.s32 s10, $0x1;
	s10 =	sld [smem:$0x3FBA];
	_ =	sdelay $0x3  }
0x37: {  	[smem:$0x3FBA] =	sst s10  }
0x38: {  	s10 =	sld [smem:$0x3FBB]  }
0x39: {  	_ = 	snop;
	(pc) =	sbr.ind lr, $3  }
0x3a: {  	_ = 	snop  }
0x3b: {  	_ = 	snop  }
0x3c: {  	p2 =	seq.s32 s10, $0x1;
	s10 =	sld [smem:$0x3FBA]  }
0x3d: {  	_ =	shalt  }
0x3e: {  	_ =	shalt  }
0x3f: {  	_ =	shalt  }
0x40: {  	_ =	shalt  }
0x41: {  	_ =	shalt  }
0x42: {  	_ =	shalt  }
0x43: {  	_ =	shalt  }
0x44: {  	_ =	shalt  }
0x45: {  	_ =	shalt  }
0x46: {  	_ =	shalt  }
0x47: {  	_ =	shalt  }
0x48: {  	_ =	shalt  }
0x49: {  	_ =	shalt  }
0x4a: {  	_ =	shalt  }
0x4b: {  	_ =	shalt  }
0x4c: {  	_ =	shalt  }
0x4d: {  	_ =	shalt  }
0x4e: {  	_ =	shalt  }
0x4f: {  	_ =	shalt  }
0x50: {  	_ =	shalt  }
0x51: {  	_ =	shalt  }
0x52: {  	_ =	shalt  }
0x53: {  	_ =	shalt  }
0x54: {  	_ =	shalt  }
0x55: {  	_ =	shalt  }
0x56: {  	_ =	shalt  }
0x57: {  	_ =	shalt  }
0x58: {  	_ =	shalt  }
0x59: {  	_ =	shalt  }
0x5a: {  	_ =	shalt  }
0x5b: {  	_ =	shalt  }
0x5c: {  	_ =	shalt  }
0x5d: {  	_ =	shalt  }
0x5e: {  	_ =	shalt  }
0x5f: {  	_ =	shalt  }
0x60: {  	_ =	shalt  }
0x61: {  	_ =	shalt  }
0x62: {  	_ =	shalt  }
0x63: {  	_ =	shalt  }
0x64: {  	_ =	shalt  }
0x65: {  	_ =	shalt  }
0x66: {  	_ =	shalt  }
0x67: {  	_ =	shalt  }
0x68: {  	_ =	shalt  }
0x69: {  	_ =	shalt  }
0x6a: {  	_ =	shalt  }
0x6b: {  	_ =	shalt  }
0x6c: {  	_ =	shalt  }
0x6d: {  	_ =	shalt  }
0x6e: {  	_ =	shalt  }
0x6f: {  	_ =	shalt  }
0x70: {  	_ =	shalt  }
0x71: {  	_ =	shalt  }
0x72: {  	_ =	shalt  }
0x73: {  	_ =	shalt  }
0x74: {  	_ =	shalt  }
0x75: {  	_ =	shalt  }
0x76: {  	_ =	shalt  }
0x77: {  	_ =	shalt  }
0x78: {  	_ =	shalt  }
0x79: {  	_ =	shalt  }
0x7a: {  	_ =	shalt  }
0x7b: {  	_ =	shalt  }
0x7c: {  	_ =	shalt  }
0x7d: {  	_ =	shalt  }
0x7e: {  	_ =	shalt  }
0x7f: {  	_ =	shalt  }
0x80: {  	_ =	shalt  }
0x81: {  	_ =	shalt  }
0x82: {  	_ =	shalt  }
0x83: {  	_ =	shalt  }
0x84: {  	_ =	shalt  }
0x85: {  	_ =	shalt  }
0x86: {  	_ =	shalt  }
0x87: {  	_ =	shalt  }
.Lfunc_end0:
.L_simem_size_0:
called_computation_lowered:
.L_overlay_start_0:
0x88: {  	s2 =	sld [smem:$0x3FD9]  }
0x89: {  	s3 =	sld [smem:$0x3FFE];
	_ =	sdelay $0x1  }
0x8a: {  	s1 =	srdreg.scid  }
0x8b: {  	s0 =	sand.u32 $0x1, s1  }
0x8c: {  	s17 =	sshll.u32 s0, $0xA;
	s2 =	sadd.s32 s3, s2  }
0x8d: {  	s2 =	sadd.s32 s2, s17  }
0x8e: {  	[smem:$0x3FC6] =	sst s2  }
0x8f: {  	_ = 	snop  }
0x90: {  	s2 =	sld [smem:$0x3FC9]  }
0x91: {  	s18 =	sld [smem:$0x3FC8];
	(tm) =	ssettm $0x1  }
0x92: {  	s4 =	sld [smem:$0x3FFB];
	_ =	sdelay $0x3  }
0x93: {  	_ =	strace s4  }
0x94: {  	s4 =	sld [smem:$0x3FFC];
	_ =	sdelay $0x3  }
0x95: {  	_ =	strace s4  }
0x96: {  	s4 =	sld [smem:$0x3FFD];
	_ =	sdelay $0x3  }
0x97: {  	_ =	strace s4  }
0x98: {  	_ =	strace $0x8FFFFFFF  }
0x99: {  	s19 =	sld [smem:$0x3FDB];
	_ =	sdelay $0x1  }
0x9a: {  	s5 =	simm.s32 $_scs_section_size  }
0x9b: {  	s6 =	simm.s32 $_size__tile_overlayer_lowered;
	s7 =	simm.s32 $_tile_overlayer_lowered  }
0x9c: {  	s22 =	simm.s32 $0x1BFF;
	s21 =	sshll.u32 s7, $0x1;
	s4 =	sadd.s32 s5, s19  }
0x9d: {  	s8 =	simm.s32 $0x0;
	s20 =	sshll.u32 s6, $0x1;
	s6 =	sadd.s32 s21, s4  }
0x9e: {  	[timem:s8], [sflag:s22] =	dma.local [hbm:s6], s20  }
0x9f: {  	_ =	swait.ge [sflag:s22], s20  }
0xa0: {  	s5 =	ssub.s32 $0x0, s20;
	[sflag:s22] =	ssyncset.done $0x0  }
0xa1: {  	[sflag:s22] =	ssyncadd.s32 s5;
	_ =	sdelay $0x1  }
0xa2: {  	s23 =	simm.s32 $0x1B8B  }
0xa3: {  	_ =	swait.ge [sflag:s23], $0x1  }
0xa4: {  	[sflag:s23] =	ssyncset.done $0x0  }
0xa5: {  	s25 =	simm.s32 $0x1B8E;
	s24 =	sld [smem:$0x3FFE];
	[sflag:s23] =	ssyncadd.s32 $0xFFFFFFFF  }
0xa6: {  	s26 =	simm.s32 $execute0_lowered;
	[smem:$0x3FD2] =	sst s25  }
0xa7: {  	s6 =	sshll.u32 s26, $0x1;
	_ =	strace $0x80000046;
	[dreg:$0x1] =	wrdreg $0xFFFFFFFF  }
0xa8: {  	s28 =	simm.s32 $_size_execute0_lowered;
	s4 =	sadd.s32 s4, s6;
	[dreg:$0x0] =	wrdreg $0x0  }
0xa9: {  	s6 =	sshll.u32 s28, $0x1;
	[dreg:$0x2] =	wrdreg s4  }
0xaa: {  	[dreg:$0x3] =	wrdreg s6  }
0xab: {  	[dreg:$0x4] =	wrdreg $0xC0  }
0xac: {  	_ =	task [dreg:s8], $0x5FFFF  }
0xad: {  	[dreg:$0x1] =	wrdreg $0xFFFFFFFF  }
0xae: {  	[dreg:$0x0] =	wrdreg $0x60  }
0xaf: {  	[dreg:$0x2] =	wrdreg s2  }
0xb0: {  	[dreg:$0x3] =	wrdreg s18  }
0xb1: {  	[dreg:$0x4] =	wrdreg s24  }
0xb2: {  	[dreg:$0x5] =	wrdreg $0x9  }
0xb3: {  	_ =	task.clear_ibuf [dreg:s8], $0x6FFFF;
	_ =	strace $0x90000046  }
0xb4: {  	s29 =	simm.s32 $0x9;
	_ =	strace $0x80000048  }
0xb5: {  	_ =	swait.ge [sflag:s29], $0x1  }
0xb6: {  	[sflag:s29] =	ssyncadd.s32 $0xFFFFFFFF  }
0xb7: {  	_ =	strace $0x90000048  }
0xb8: {  	_ =	sfence  }
0xb9: {  	s30 =	sld [smem:$0x0];
	_ =	sdelay $0x2  }
0xba: {  	s31 =	sshll.u32 s1, $0xD;
	s1 =	sshrl.u32 s1, $0x2  }
0xbb: {  	s3 =	sand.u32 $0x4000, s31;
	s1 =	sadd.s32 s1, s30  }
0xbc: {  	s0 =	sor.u32 s3, s0;
	s1 =	sshll.u32 s1, $0x11  }
0xbd: {  	s0 =	sor.u32 s1, s0  }
0xbe: {  	s0 =	sadd.s32 $0x8F2B, s0  }
0xbf: {  	[sflag:s0] =	ssyncadd.remote.s32 $0x1  }
0xc0: {  	_ =	sfence.sel $0xFFFF  }
0xc1: {  	[dreg:$0x0] =	wrdreg $0xFFFFFFFF;
	(pc) =	sbr.abs _section_cstart, $3  }
0xc2: {  	[dreg:$0x1] =	wrdreg $0xFFFFFFFF  }
0xc3: {  	_ =	task.clear_ibuf [dreg:s8], $0x2FFFF;
	_ =	strace $0x9FFFFFFF  }
0xc4: {  	(tm) =	ssettm $0x7FFFFFFF  }
0xc5: {  	_ =	shalt  }
tec
execute0_lowered:
.L_overlay_start_1:
0x0: {  	(tag) =	ssettag $0x1  }
0x1: {  	s1 =	rddreg [dreg:$0x0]  }
0x2: {  	s2 =	srdreg.scid;
	s3 =	rddreg [dreg:$0x1]  }
0x3: {  	s0 =	stileid.u32;
	s11 =	rddreg [dreg:$0x2]  }
0x4: {  	s4 =	simm.s32 $0x0;
	s15 =	simm.s32 $0x2;
	s16 =	simm.s32 $0xC800  }
0x5: {  	s17 =	simm.s32 $0x3;
	s5 =	sand.u32 $0x1, s2;
	s31 =	sshll.u32 s0, $0x1  }
0x6: {  	s18 =	simm.s32 $0x0;
	s2 =	rddreg [dreg:$0x3];
	s10 =	sor.u32 s5, s31  }
0x7: {  	[smem:$0x7FF] =	sst s4;
	s5 =	ssub.s32 $0x2, s5;
	s6 =	smul.u32 $0x3E800, s10  }
0x8: {  	_ =	strace $0x80000047;
	s8 =	smul.u32 $0x7D0, s10;
	s7 =	sshrl.u32 s5, $0x1  }
0x9: {  	s9 =	smul.u32 $0x7D00, s10;
	s14 =	sshll.u32 s10, $0x4;
	s12 =	ssub.s32 s5, s7  }
0xa: {  	s11 =	sadd.s32 s11, s14;
	s14 =	simm.s32 $0x1;
	s6 =	sshrl.u32 s6, $0x3  }
0xb: {  	s5 =	sadd.s32 s1, s9;
	s7 =	sadd.s32 $0x190, s8;
	s8 =	sadd.s32 $0x258, s8  }
0xc: {  	s9 =	sadd.s32 s3, s9;
	s12 =	smax.u32 s12, $0x1;
	s13 =	sadd.s32 $0xC80, s6  }
0xd: {  	v0 =	vimm.f32 $0.0e+00;
	s6 =	sadd.s32 s1, s13;
	s10 =	sadd.s32 s3, s13;
	s13 =	simm.s32 $0x6400  }
.LBB2_1:
0xe: {  	[tilespmem:$0xC800] =	vst v0  }
0xf: {  	[tilespmem:$0xC810] =	vst v0  }
0x10: {  	[tilespmem:$0xC820] =	vst v0  }
0x11: {  	[tilespmem:$0xC830] =	vst v0  }
0x12: {  	[tilespmem:$0xC840] =	vst v0  }
0x13: {  	[tilespmem:$0xC850] =	vst v0  }
0x14: {  	[tilespmem:$0xC860] =	vst v0  }
0x15: {  	[tilespmem:$0xC870] =	vst v0  }
0x16: {  	[tilespmem:s4], [sflag:$0x1] =	stream.linear.gather [hbm4b:s5+s4], $0x6400, $0x38;
	[tilespmem:$0xC880] =	vst v63  }
0x17: {  	s19 =	simm.s32 $0x0  }
0x18: {  	[tilespmem:s13], [sflag:$0x2] =	stream.linear.gather [hbm4b:s6+s4], $0x6400, $0x38;
	[tilespmem:$0xC880] =	vst v63  }
.LBB2_2:
0x19: {  	_ =	swait.ge [sflag:s14], $0x6400  }
0x1a: {  	[sflag:s14] =	ssyncset.done $0x0  }
0x1b: {  	s21 =	simm.s32 $0x0;
	[sflag:s14] =	ssyncadd.s32 $0xFFFF9C00  }
0x1c: {  	v7 =	vld [tilespmem:s21+$0x380]  }
0x1d: {  	v9 =	vld [tilespmem:s21+$0x390]  }
0x1e: {  	v10 =	vld [tilespmem:s21+$0x3A0]  }
0x1f: {  	v11 =	vld [tilespmem:s21+$0x3B0]  }
0x20: {  	v1 =	vld [tilespmem:s21+$0x3C0]  }
0x21: {  	v2 =	vld [tilespmem:s21+$0x3D0]  }
0x22: {  	v15 =	vld [tilespmem:s21+$0x300]  }
0x23: {  	v17 =	vld [tilespmem:s21+$0x310]  }
0x24: {  	v14 =	vld [tilespmem:s21+$0x320]  }
0x25: {  	v16 =	vld [tilespmem:s21+$0x330]  }
0x26: {  	v3 =	vld [tilespmem:s21+$0x340]  }
0x27: {  	v4 =	vld [tilespmem:s21+$0x350]  }
0x28: {  	v18 =	vld [tilespmem:s21+$0x280]  }
0x29: {  	v19 =	vld [tilespmem:s21+$0x290]  }
0x2a: {  	v20 =	vld [tilespmem:s21+$0x2A0]  }
0x2b: {  	v26 =	vld [tilespmem:s21+$0x2B0]  }
0x2c: {  	v5 =	vld [tilespmem:s21+$0x2C0]  }
0x2d: {  	v6 =	vld [tilespmem:s21+$0x2D0]  }
0x2e: {  	v23 =	vld [tilespmem:s21+$0x200]  }
0x2f: {  	v24 =	vld [tilespmem:s21+$0x210]  }
0x30: {  	v25 =	vld [tilespmem:s21+$0x220]  }
0x31: {  	v31 =	vld [tilespmem:s21+$0x230]  }
0x32: {  	v8 =	vld [tilespmem:s21+$0x240]  }
0x33: {  	v28 =	vld [tilespmem:s21+$0x180]  }
0x34: {  	v29 =	vld [tilespmem:s21+$0x190]  }
0x35: {  	v22 =	vld [tilespmem:s21+$0x100]  }
0x36: {  	v27 =	vld [tilespmem:s21+$0x110]  }
0x37: {  	v12 =	vld [tilespmem:s21+$0x80]  }
0x38: {  	v21 =	vld [tilespmem:s21+$0x90]  }
0x39: {  	v30 =	vld [tilespmem:s21+$0x0]  }
0x3a: {  	v32 =	vld [tilespmem:s21+$0x10]  }
0x3b: {  	v33 =	vld [tilespmem:s21+$0x20]  }
0x3c: {  	v34 =	vld [tilespmem:s21+$0x30]  }
0x3d: {  	v35 =	vld [tilespmem:s21+$0xA0]  }
0x3e: {  	v36 =	vld [tilespmem:s21+$0xB0]  }
0x3f: {  	v13 =	vimm.f32 $0.0e+00;
	v37 =	vld [tilespmem:s21+$0x120]  }
0x40: {  	v38 =	vld [tilespmem:s21+$0x130];
	v30 =	vadd.f32 v30, v13;
	v32 =	vadd.f32 v32, v13  }
0x41: {  	v39 =	vld [tilespmem:s21+$0x1A0];
	v33 =	vadd.f32 v33, v13;
	v34 =	vadd.f32 v34, v13  }
0x42: {  	v40 =	vld [tilespmem:s21+$0x1B0];
	v30 =	vadd.f32 v12, v30;
	v32 =	vadd.f32 v21, v32  }
0x43: {  	v12 =	vld [tilespmem:s21+$0x250];
	v33 =	vadd.f32 v35, v33;
	v34 =	vadd.f32 v36, v34  }
0x44: {  	v21 =	vld [tilespmem:s21+$0x1C0];
	v30 =	vadd.f32 v22, v30;
	v32 =	vadd.f32 v27, v32  }
0x45: {  	v22 =	vld [tilespmem:s21+$0x1D0];
	v33 =	vadd.f32 v37, v33;
	v34 =	vadd.f32 v38, v34  }
0x46: {  	v27 =	vld [tilespmem:s21+$0x140];
	v30 =	vadd.f32 v28, v30;
	v32 =	vadd.f32 v29, v32  }
0x47: {  	v28 =	vld [tilespmem:s21+$0x150];
	v33 =	vadd.f32 v39, v33;
	v34 =	vadd.f32 v40, v34  }
0x48: {  	v29 =	vld [tilespmem:s21+$0xC0];
	v23 =	vadd.f32 v23, v30;
	v24 =	vadd.f32 v24, v32  }
0x49: {  	v30 =	vld [tilespmem:s21+$0xD0];
	v25 =	vadd.f32 v25, v33;
	v63 =	vadd.f32 v31, v34  }
0x4a: {  	v31 =	vld [tilespmem:s21+$0x40];
	v23 =	vadd.f32 v18, v23;
	v24 =	vadd.f32 v19, v24  }
0x4b: {  	v32 =	vld [tilespmem:s21+$0x50];
	v25 =	vadd.f32 v20, v25;
	v26 =	vadd.f32 v26, v63  }
0x4c: {  	s20 =	simm.s32 $0x1000;
	v33 =	vld [tilespmem:s21+$0x60];
	v20 =	vimm.f32 $0.0e+00;
	v18 =	vimm.f32 $0.0e+00;
	v19 =	vimm.f32 $0.0e+00  }
.LBB2_3:
0x4d: {  	p0 =	sne.s32 s20, $0x18000;
	v34 =	vld [tilespmem:s21+$0x70];
	v15 =	vadd.f32 v15, v23;
	v17 =	vadd.f32 v17, v24  }
0x4e: {  	v35 =	vld [tilespmem:s21+$0xE0];
	v14 =	vadd.f32 v14, v25;
	v16 =	vadd.f32 v16, v26  }
0x4f: {  	v36 =	vld [tilespmem:s21+$0xF0];
	v23 =	vadd.f32 v7, v15;
	v24 =	vadd.f32 v9, v17  }
0x50: {  	v7 =	vld [tilespmem:s21+$0x160];
	v25 =	vadd.f32 v10, v14;
	v26 =	vadd.f32 v11, v16  }
0x51: {  	v9 =	vadd.f32 v31, v13;
	v10 =	vadd.f32 v32, v20;
	v11 =	vld [tilespmem:s21+$0x170]  }
0x52: {  	v13 =	vadd.f32 v33, v18;
	v14 =	vadd.f32 v34, v19;
	v15 =	vld [tilespmem:s21+$0x1E0]  }
0x53: {  	v9 =	vadd.f32 v29, v9;
	v10 =	vadd.f32 v30, v10;
	v16 =	vld [tilespmem:s21+$0x1F0]  }
0x54: {  	v13 =	vadd.f32 v35, v13;
	v14 =	vadd.f32 v36, v14;
	v17 =	vld [tilespmem:s21+$0x260]  }
0x55: {  	v9 =	vadd.f32 v27, v9;
	v10 =	vadd.f32 v28, v10;
	v18 =	vld [tilespmem:s21+$0x270]  }
0x56: {  	v7 =	vadd.f32 v7, v13;
	v11 =	vadd.f32 v11, v14;
	v13 =	vld [tilespmem:s21+$0x2E0]  }
0x57: {  	v9 =	vadd.f32 v21, v9;
	v10 =	vadd.f32 v22, v10;
	v14 =	vld [tilespmem:s21+$0x2F0]  }
0x58: {  	v7 =	vadd.f32 v15, v7;
	v11 =	vadd.f32 v16, v11;
	v15 =	vld [tilespmem:s21+$0x360]  }
0x59: {  	v8 =	vadd.f32 v8, v9;
	v9 =	vadd.f32 v12, v10;
	v12 =	vld [tilespmem:s21+$0x370]  }
0x5a: {  	v10 =	vadd.f32 v17, v7;
	v11 =	vadd.f32 v18, v11;
	v16 =	vld [tilespmem:s21+$0x3E0]  }
0x5b: {  	v5 =	vadd.f32 v5, v8;
	v6 =	vadd.f32 v6, v9;
	v8 =	vld [tilespmem:s21+$0x3F0];
	s21 =	sshra.s32 s20, $0x2  }
0x5c: {  	v13 =	vadd.f32 v13, v10;
	v7 =	vld [tilespmem:s21+$0x380];
	v11 =	vadd.f32 v14, v11  }
0x5d: {  	v3 =	vadd.f32 v3, v5;
	v4 =	vadd.f32 v4, v6;
	v9 =	vld [tilespmem:s21+$0x390]  }
0x5e: {  	v5 =	vadd.f32 v15, v13;
	v10 =	vld [tilespmem:s21+$0x3A0];
	v6 =	vadd.f32 v12, v11  }
0x5f: {  	v13 =	vadd.f32 v1, v3;
	v20 =	vadd.f32 v2, v4;
	v11 =	vld [tilespmem:s21+$0x3B0]  }
0x60: {  	v18 =	vadd.f32 v16, v5;
	v1 =	vld [tilespmem:s21+$0x3C0];
	v19 =	vadd.f32 v8, v6  }
0x61: {  	v2 =	vld [tilespmem:s21+$0x3D0]  }
0x62: {  	v15 =	vld [tilespmem:s21+$0x300]  }
0x63: {  	v17 =	vld [tilespmem:s21+$0x310]  }
0x64: {  	v14 =	vld [tilespmem:s21+$0x320]  }
0x65: {  	v16 =	vld [tilespmem:s21+$0x330]  }
0x66: {  	v3 =	vld [tilespmem:s21+$0x340]  }
0x67: {  	v4 =	vld [tilespmem:s21+$0x350]  }
0x68: {  	v33 =	vld [tilespmem:s21+$0x280]  }
0x69: {  	v34 =	vld [tilespmem:s21+$0x290]  }
0x6a: {  	v35 =	vld [tilespmem:s21+$0x2A0]  }
0x6b: {  	v36 =	vld [tilespmem:s21+$0x2B0]  }
0x6c: {  	v5 =	vld [tilespmem:s21+$0x2C0]  }
0x6d: {  	v6 =	vld [tilespmem:s21+$0x2D0]  }
0x6e: {  	v31 =	vld [tilespmem:s21+$0x200]  }
0x6f: {  	v32 =	vld [tilespmem:s21+$0x210]  }
0x70: {  	v37 =	vld [tilespmem:s21+$0x220]  }
0x71: {  	v38 =	vld [tilespmem:s21+$0x230]  }
0x72: {  	v8 =	vld [tilespmem:s21+$0x240]  }
0x73: {  	v12 =	vld [tilespmem:s21+$0x250]  }
0x74: {  	v29 =	vld [tilespmem:s21+$0x180]  }
0x75: {  	v30 =	vld [tilespmem:s21+$0x190]  }
0x76: {  	v22 =	vld [tilespmem:s21+$0x100]  }
0x77: {  	v27 =	vld [tilespmem:s21+$0x110]  }
0x78: {  	v21 =	vld [tilespmem:s21+$0x80]  }
0x79: {  	v28 =	vld [tilespmem:s21+$0x90]  }
0x7a: {  	v39 =	vld [tilespmem:s21+$0x0]  }
0x7b: {  	v40 =	vld [tilespmem:s21+$0x10]  }
0x7c: {  	v41 =	vld [tilespmem:s21+$0x20]  }
0x7d: {  	v42 =	vld [tilespmem:s21+$0x30]  }
0x7e: {  	v43 =	vld [tilespmem:s21+$0xA0]  }
0x7f: {  	v44 =	vld [tilespmem:s21+$0xB0]  }
0x80: {  	v45 =	vld [tilespmem:s21+$0x120]  }
0x81: {  	v23 =	vadd.f32 v39, v23;
	v24 =	vadd.f32 v40, v24;
	v39 =	vld [tilespmem:s21+$0x130]  }
0x82: {  	v25 =	vadd.f32 v41, v25;
	v26 =	vadd.f32 v42, v26;
	v40 =	vld [tilespmem:s21+$0x1A0]  }
0x83: {  	v23 =	vadd.f32 v21, v23;
	v24 =	vadd.f32 v28, v24;
	v41 =	vld [tilespmem:s21+$0x1B0]  }
0x84: {  	v25 =	vadd.f32 v43, v25;
	v26 =	vadd.f32 v44, v26;
	v21 =	vld [tilespmem:s21+$0x1C0]  }
0x85: {  	v23 =	vadd.f32 v22, v23;
	v24 =	vadd.f32 v27, v24;
	v22 =	vld [tilespmem:s21+$0x1D0]  }
0x86: {  	v25 =	vadd.f32 v45, v25;
	v26 =	vadd.f32 v39, v26;
	v27 =	vld [tilespmem:s21+$0x140]  }
0x87: {  	v23 =	vadd.f32 v29, v23;
	v24 =	vadd.f32 v30, v24;
	v28 =	vld [tilespmem:s21+$0x150]  }
.Ltmp0:
0x88: {  	v25 =	vadd.f32 v40, v25;
	v29 =	vld [tilespmem:s21+$0xC0];
	v26 =	vadd.f32 v41, v26;
	(pc) =	sbr.rel @p0 .LBB2_3-.Ltmp0, $4  }
0x89: {  	v23 =	vadd.f32 v31, v23;
	v24 =	vadd.f32 v32, v24;
	v30 =	vld [tilespmem:s21+$0xD0]  }
0x8a: {  	v25 =	vadd.f32 v37, v25;
	v31 =	vld [tilespmem:s21+$0x40];
	v26 =	vadd.f32 v38, v26  }
0x8b: {  	v23 =	vadd.f32 v33, v23;
	v24 =	vadd.f32 v34, v24;
	v32 =	vld [tilespmem:s21+$0x50]  }
0x8c: {  	s20 =	sadd.s32 $0x1000, s20;
	v25 =	vadd.f32 v35, v25;
	v33 =	vld [tilespmem:s21+$0x60];
	v26 =	vadd.f32 v36, v26  }
0x8d: {  	v34 =	vld [tilespmem:s21+$0x70]  }
0x8e: {  	v35 =	vld [tilespmem:s21+$0xE0]  }
0x8f: {  	v36 =	vld [tilespmem:s21+$0xF0]  }
0x90: {  	v37 =	vld [tilespmem:s21+$0x160]  }
0x91: {  	v15 =	vadd.f32 v15, v23;
	v17 =	vadd.f32 v17, v24;
	v23 =	vld [tilespmem:s21+$0x170]  }
0x92: {  	v24 =	vld [tilespmem:s21+$0x1E0];
	v14 =	vadd.f32 v14, v25;
	v16 =	vadd.f32 v16, v26  }
0x93: {  	v25 =	vld [tilespmem:s21+$0x2F0];
	v7 =	vadd.f32 v7, v15;
	v9 =	vadd.f32 v9, v17  }
0x94: {  	v26 =	vld [tilespmem:s21+$0x360];
	v13 =	vadd.f32 v31, v13;
	v10 =	vadd.f32 v10, v14  }
0x95: {  	v15 =	vld [tilespmem:s21+$0x1F0];
	v11 =	vadd.f32 v11, v16;
	v16 =	vadd.f32 v32, v20  }
0x96: {  	p0 =	seq.s32 s19, $0x4;
	v17 =	vld [tilespmem:s21+$0x270];
	v18 =	vadd.f32 v33, v18;
	v13 =	vadd.f32 v29, v13  }
0x97: {  	s20 =	smul.u32 @!p0 $0x190, s19;
	v14 =	vld [tilespmem:s21+$0x260];
	v19 =	vadd.f32 v34, v19;
	v16 =	vadd.f32 v30, v16  }
0x98: {  	v20 =	vld [tilespmem:s21+$0x2E0];
	v18 =	vadd.f32 v35, v18;
	v13 =	vadd.f32 v27, v13  }
0x99: {  	s22 =	sadd.s32 @!p0 s20, s7;
	v27 =	vld [tilespmem:s21+$0x370];
	v19 =	vadd.f32 v36, v19;
	v16 =	vadd.f32 v28, v16  }
0x9a: {  	s22 =	sshll.u32 @!p0 s22, $0x4;
	v18 =	vadd.f32 v37, v18;
	v13 =	vadd.f32 v21, v13;
	v21 =	vld [tilespmem:s21+$0x3F0]  }
0x9b: {  	v19 =	vadd.f32 v23, v19;
	v23 =	vld [tilespmem:s21+$0x3E0];
	s21 =	sadd.s32 @!p0 s1, s22;
	s22 =	simm.s32 @!p0 $0x0  }
0x9c: {  	v16 =	vadd.f32 v22, v16;
	v18 =	vadd.f32 v24, v18;
	[tilespmem:s22], [sflag:$0x1] =	stream.linear.gather @!p0 [hbm4b:s21+s22], $0x6400, $0x38;
	[tilespmem:$0xC880] =	vst v63  }
0x9d: {  	v8 =	vadd.f32 v8, v13;
	v15 =	vadd.f32 v15, v19;
	v13 =	vld [tilespmem:$0xC800]  }
0x9e: {  	v12 =	vadd.f32 v12, v16;
	v16 =	vld [tilespmem:$0xC810];
	v14 =	vadd.f32 v14, v18  }
0x9f: {  	v5 =	vadd.f32 v5, v8;
	v15 =	vadd.f32 v17, v15  }
0xa0: {  	v8 =	vld [tilespmem:$0xC820];
	v6 =	vadd.f32 v6, v12;
	v12 =	vadd.f32 v20, v14  }
0xa1: {  	v3 =	vadd.f32 v3, v5;
	v5 =	vld [tilespmem:$0xC840];
	v14 =	vadd.f32 v25, v15  }
0xa2: {  	v15 =	vld [tilespmem:$0xC830];
	v4 =	vadd.f32 v4, v6;
	v6 =	vadd.f32 v26, v12  }
0xa3: {  	v7 =	vadd.f32 v13, v7;
	v12 =	vld [tilespmem:$0xC850];
	v9 =	vadd.f32 v16, v9  }
0xa4: {  	v1 =	vadd.f32 v1, v3;
	v13 =	vadd.f32 v27, v14;
	v14 =	vld [tilespmem:$0xC860]  }
0xa5: {  	v3 =	vadd.f32 v8, v10;
	[tilespmem:$0xC800] =	vst v7;
	v7 =	vld [tilespmem:$0xC870]  }
0xa6: {  	v2 =	vadd.f32 v2, v4;
	[tilespmem:$0xC810] =	vst v9;
	v1 =	vadd.f32 v5, v1  }
0xa7: {  	v6 =	vadd.f32 v23, v6;
	[tilespmem:$0xC820] =	vst v3;
	v4 =	vadd.f32 v15, v11  }
0xa8: {  	v3 =	vadd.f32 v21, v13;
	v2 =	vadd.f32 v12, v2;
	[tilespmem:$0xC840] =	vst v1  }
0xa9: {  	[tilespmem:$0xC830] =	vst v4;
	v1 =	vadd.f32 v14, v6  }
0xaa: {  	[tilespmem:$0xC850] =	vst v2;
	v2 =	vadd.f32 v7, v3  }
0xab: {  	[tilespmem:$0xC860] =	vst v1  }
0xac: {  	[tilespmem:$0xC870] =	vst v2  }
0xad: {  	_ =	swait.ge [sflag:s15], $0x6400  }
0xae: {  	[sflag:s15] =	ssyncset.done $0x0  }
0xaf: {  	s21 =	simm.s32 $0x0;
	[sflag:s15] =	ssyncadd.s32 $0xFFFF9C00  }
0xb0: {  	v7 =	vld [tilespmem:s21+$0x6780]  }
0xb1: {  	v9 =	vld [tilespmem:s21+$0x6790]  }
0xb2: {  	v10 =	vld [tilespmem:s21+$0x67A0]  }
0xb3: {  	v11 =	vld [tilespmem:s21+$0x67B0]  }
0xb4: {  	v1 =	vld [tilespmem:s21+$0x67C0]  }
0xb5: {  	v2 =	vld [tilespmem:s21+$0x67D0]  }
0xb6: {  	v15 =	vld [tilespmem:s21+$0x6700]  }
0xb7: {  	v17 =	vld [tilespmem:s21+$0x6710]  }
0xb8: {  	v14 =	vld [tilespmem:s21+$0x6720]  }
0xb9: {  	v16 =	vld [tilespmem:s21+$0x6730]  }
0xba: {  	v3 =	vld [tilespmem:s21+$0x6740]  }
0xbb: {  	v4 =	vld [tilespmem:s21+$0x6750]  }
0xbc: {  	v18 =	vld [tilespmem:s21+$0x6680]  }
0xbd: {  	v19 =	vld [tilespmem:s21+$0x6690]  }
0xbe: {  	v20 =	vld [tilespmem:s21+$0x66A0]  }
0xbf: {  	v26 =	vld [tilespmem:s21+$0x66B0]  }
0xc0: {  	v5 =	vld [tilespmem:s21+$0x66C0]  }
0xc1: {  	v6 =	vld [tilespmem:s21+$0x66D0]  }
0xc2: {  	v23 =	vld [tilespmem:s21+$0x6600]  }
0xc3: {  	v24 =	vld [tilespmem:s21+$0x6610]  }
0xc4: {  	v25 =	vld [tilespmem:s21+$0x6620]  }
0xc5: {  	v31 =	vld [tilespmem:s21+$0x6630]  }
0xc6: {  	v8 =	vld [tilespmem:s21+$0x6640]  }
0xc7: {  	v28 =	vld [tilespmem:s21+$0x6580]  }
0xc8: {  	v29 =	vld [tilespmem:s21+$0x6590]  }
0xc9: {  	v22 =	vld [tilespmem:s21+$0x6500]  }
0xca: {  	v27 =	vld [tilespmem:s21+$0x6510]  }
0xcb: {  	v12 =	vld [tilespmem:s21+$0x6480]  }
0xcc: {  	v21 =	vld [tilespmem:s21+$0x6490]  }
0xcd: {  	v30 =	vld [tilespmem:s21+$0x6400]  }
0xce: {  	v57 =	vld [tilespmem:s21+$0x6410]  }
0xcf: {  	v58 =	vld [tilespmem:s21+$0x6420]  }
0xd0: {  	v59 =	vld [tilespmem:s21+$0x6430]  }
0xd1: {  	v60 =	vld [tilespmem:s21+$0x64A0]  }
0xd2: {  	v61 =	vld [tilespmem:s21+$0x64B0]  }
0xd3: {  	v13 =	vimm.f32 $0.0e+00;
	v62 =	vld [tilespmem:s21+$0x6520]  }
0xd4: {  	v38 =	vld [tilespmem:s21+$0x6530];
	v30 =	vadd.f32 v30, v13;
	v32 =	vadd.f32 v57, v13  }
0xd5: {  	v39 =	vld [tilespmem:s21+$0x65A0];
	v33 =	vadd.f32 v58, v13;
	v34 =	vadd.f32 v59, v13  }
0xd6: {  	v40 =	vld [tilespmem:s21+$0x65B0];
	v30 =	vadd.f32 v12, v30;
	v32 =	vadd.f32 v21, v32  }
0xd7: {  	v12 =	vld [tilespmem:s21+$0x6650];
	v33 =	vadd.f32 v60, v33;
	v34 =	vadd.f32 v61, v34  }
0xd8: {  	v21 =	vld [tilespmem:s21+$0x65C0];
	v30 =	vadd.f32 v22, v30;
	v32 =	vadd.f32 v27, v32  }
0xd9: {  	v22 =	vld [tilespmem:s21+$0x65D0];
	v33 =	vadd.f32 v62, v33;
	v34 =	vadd.f32 v38, v34  }
0xda: {  	v27 =	vld [tilespmem:s21+$0x6540];
	v30 =	vadd.f32 v28, v30;
	v32 =	vadd.f32 v29, v32  }
0xdb: {  	v28 =	vld [tilespmem:s21+$0x6550];
	v33 =	vadd.f32 v39, v33;
	v34 =	vadd.f32 v40, v34  }
0xdc: {  	v29 =	vld [tilespmem:s21+$0x64C0];
	v23 =	vadd.f32 v23, v30;
	v24 =	vadd.f32 v24, v32  }
0xdd: {  	v30 =	vld [tilespmem:s21+$0x64D0];
	v25 =	vadd.f32 v25, v33;
	v63 =	vadd.f32 v31, v34  }
0xde: {  	v31 =	vld [tilespmem:s21+$0x6440];
	v23 =	vadd.f32 v18, v23;
	v24 =	vadd.f32 v19, v24  }
0xdf: {  	v32 =	vld [tilespmem:s21+$0x6450];
	v25 =	vadd.f32 v20, v25;
	v26 =	vadd.f32 v26, v63  }
0xe0: {  	s22 =	simm.s32 $0x1000;
	v33 =	vld [tilespmem:s21+$0x6460];
	v20 =	vimm.f32 $0.0e+00;
	v18 =	vimm.f32 $0.0e+00;
	v19 =	vimm.f32 $0.0e+00  }
.LBB2_5:
0xe1: {  	p1 =	sne.s32 s22, $0x18000;
	v34 =	vld [tilespmem:s21+$0x6470];
	v15 =	vadd.f32 v15, v23;
	v17 =	vadd.f32 v17, v24  }
0xe2: {  	v35 =	vld [tilespmem:s21+$0x64E0];
	v14 =	vadd.f32 v14, v25;
	v16 =	vadd.f32 v16, v26  }
0xe3: {  	v36 =	vld [tilespmem:s21+$0x64F0];
	v23 =	vadd.f32 v7, v15;
	v24 =	vadd.f32 v9, v17  }
0xe4: {  	v7 =	vld [tilespmem:s21+$0x6560];
	v25 =	vadd.f32 v10, v14;
	v26 =	vadd.f32 v11, v16  }
0xe5: {  	v9 =	vadd.f32 v31, v13;
	v10 =	vadd.f32 v32, v20;
	v11 =	vld [tilespmem:s21+$0x6570]  }
0xe6: {  	v13 =	vadd.f32 v33, v18;
	v14 =	vadd.f32 v34, v19;
	v15 =	vld [tilespmem:s21+$0x65E0]  }
0xe7: {  	v9 =	vadd.f32 v29, v9;
	v10 =	vadd.f32 v30, v10;
	v16 =	vld [tilespmem:s21+$0x65F0]  }
0xe8: {  	v13 =	vadd.f32 v35, v13;
	v14 =	vadd.f32 v36, v14;
	v17 =	vld [tilespmem:s21+$0x6660]  }
0xe9: {  	v9 =	vadd.f32 v27, v9;
	v10 =	vadd.f32 v28, v10;
	v18 =	vld [tilespmem:s21+$0x6670]  }
0xea: {  	v7 =	vadd.f32 v7, v13;
	v11 =	vadd.f32 v11, v14;
	v13 =	vld [tilespmem:s21+$0x66E0]  }
0xeb: {  	v9 =	vadd.f32 v21, v9;
	v10 =	vadd.f32 v22, v10;
	v14 =	vld [tilespmem:s21+$0x66F0]  }
0xec: {  	v7 =	vadd.f32 v15, v7;
	v11 =	vadd.f32 v16, v11;
	v15 =	vld [tilespmem:s21+$0x6760]  }
0xed: {  	v8 =	vadd.f32 v8, v9;
	v9 =	vadd.f32 v12, v10;
	v12 =	vld [tilespmem:s21+$0x6770]  }
0xee: {  	v10 =	vadd.f32 v17, v7;
	v11 =	vadd.f32 v18, v11;
	v16 =	vld [tilespmem:s21+$0x67E0]  }
0xef: {  	v5 =	vadd.f32 v5, v8;
	v6 =	vadd.f32 v6, v9;
	v8 =	vld [tilespmem:s21+$0x67F0];
	s21 =	sshra.s32 s22, $0x2  }
0xf0: {  	v13 =	vadd.f32 v13, v10;
	v7 =	vld [tilespmem:s21+$0x6780];
	v11 =	vadd.f32 v14, v11  }
0xf1: {  	v3 =	vadd.f32 v3, v5;
	v4 =	vadd.f32 v4, v6;
	v9 =	vld [tilespmem:s21+$0x6790]  }
0xf2: {  	v5 =	vadd.f32 v15, v13;
	v10 =	vld [tilespmem:s21+$0x67A0];
	v6 =	vadd.f32 v12, v11  }
0xf3: {  	v13 =	vadd.f32 v1, v3;
	v20 =	vadd.f32 v2, v4;
	v11 =	vld [tilespmem:s21+$0x67B0]  }
0xf4: {  	v18 =	vadd.f32 v16, v5;
	v1 =	vld [tilespmem:s21+$0x67C0];
	v19 =	vadd.f32 v8, v6  }
0xf5: {  	v2 =	vld [tilespmem:s21+$0x67D0]  }
0xf6: {  	v15 =	vld [tilespmem:s21+$0x6700]  }
0xf7: {  	v17 =	vld [tilespmem:s21+$0x6710]  }
0xf8: {  	v14 =	vld [tilespmem:s21+$0x6720]  }
0xf9: {  	v16 =	vld [tilespmem:s21+$0x6730]  }
0xfa: {  	v3 =	vld [tilespmem:s21+$0x6740]  }
0xfb: {  	v4 =	vld [tilespmem:s21+$0x6750]  }
0xfc: {  	v33 =	vld [tilespmem:s21+$0x6680]  }
0xfd: {  	v34 =	vld [tilespmem:s21+$0x6690]  }
0xfe: {  	v35 =	vld [tilespmem:s21+$0x66A0]  }
0xff: {  	v36 =	vld [tilespmem:s21+$0x66B0]  }
0x100: {  	v5 =	vld [tilespmem:s21+$0x66C0]  }
0x101: {  	v6 =	vld [tilespmem:s21+$0x66D0]  }
0x102: {  	v31 =	vld [tilespmem:s21+$0x6600]  }
0x103: {  	v32 =	vld [tilespmem:s21+$0x6610]  }
0x104: {  	v37 =	vld [tilespmem:s21+$0x6620]  }
0x105: {  	v38 =	vld [tilespmem:s21+$0x6630]  }
0x106: {  	v8 =	vld [tilespmem:s21+$0x6640]  }
0x107: {  	v12 =	vld [tilespmem:s21+$0x6650]  }
0x108: {  	v29 =	vld [tilespmem:s21+$0x6580]  }
0x109: {  	v30 =	vld [tilespmem:s21+$0x6590]  }
0x10a: {  	v22 =	vld [tilespmem:s21+$0x6500]  }
0x10b: {  	v27 =	vld [tilespmem:s21+$0x6510]  }
0x10c: {  	v21 =	vld [tilespmem:s21+$0x6480]  }
0x10d: {  	v28 =	vld [tilespmem:s21+$0x6490]  }
0x10e: {  	v39 =	vld [tilespmem:s21+$0x6400]  }
0x10f: {  	v40 =	vld [tilespmem:s21+$0x6410]  }
0x110: {  	v41 =	vld [tilespmem:s21+$0x6420]  }
0x111: {  	v42 =	vld [tilespmem:s21+$0x6430]  }
0x112: {  	v43 =	vld [tilespmem:s21+$0x64A0]  }
0x113: {  	v44 =	vld [tilespmem:s21+$0x64B0]  }
0x114: {  	v45 =	vld [tilespmem:s21+$0x6520]  }
0x115: {  	v23 =	vadd.f32 v39, v23;
	v24 =	vadd.f32 v40, v24;
	v39 =	vld [tilespmem:s21+$0x6530]  }
0x116: {  	v25 =	vadd.f32 v41, v25;
	v26 =	vadd.f32 v42, v26;
	v40 =	vld [tilespmem:s21+$0x65A0]  }
0x117: {  	v23 =	vadd.f32 v21, v23;
	v24 =	vadd.f32 v28, v24;
	v41 =	vld [tilespmem:s21+$0x65B0]  }
0x118: {  	v25 =	vadd.f32 v43, v25;
	v26 =	vadd.f32 v44, v26;
	v21 =	vld [tilespmem:s21+$0x65C0]  }
0x119: {  	v23 =	vadd.f32 v22, v23;
	v24 =	vadd.f32 v27, v24;
	v22 =	vld [tilespmem:s21+$0x65D0]  }
0x11a: {  	v25 =	vadd.f32 v45, v25;
	v26 =	vadd.f32 v39, v26;
	v27 =	vld [tilespmem:s21+$0x6540]  }
0x11b: {  	v23 =	vadd.f32 v29, v23;
	v24 =	vadd.f32 v30, v24;
	v28 =	vld [tilespmem:s21+$0x6550]  }
.Ltmp1:
0x11c: {  	v25 =	vadd.f32 v40, v25;
	v29 =	vld [tilespmem:s21+$0x64C0];
	v26 =	vadd.f32 v41, v26;
	(pc) =	sbr.rel @p1 .LBB2_5-.Ltmp1, $4  }
0x11d: {  	v23 =	vadd.f32 v31, v23;
	v24 =	vadd.f32 v32, v24;
	v30 =	vld [tilespmem:s21+$0x64D0]  }
0x11e: {  	v25 =	vadd.f32 v37, v25;
	v31 =	vld [tilespmem:s21+$0x6440];
	v26 =	vadd.f32 v38, v26  }
0x11f: {  	v23 =	vadd.f32 v33, v23;
	v24 =	vadd.f32 v34, v24;
	v32 =	vld [tilespmem:s21+$0x6450]  }
0x120: {  	s22 =	sadd.s32 $0x1000, s22;
	v25 =	vadd.f32 v35, v25;
	v33 =	vld [tilespmem:s21+$0x6460];
	v26 =	vadd.f32 v36, v26  }
0x121: {  	v34 =	vld [tilespmem:s21+$0x6470]  }
0x122: {  	v35 =	vld [tilespmem:s21+$0x64E0]  }
0x123: {  	v36 =	vld [tilespmem:s21+$0x64F0]  }
0x124: {  	v37 =	vld [tilespmem:s21+$0x6560]  }
0x125: {  	v39 =	vld [tilespmem:s21+$0x6570]  }
0x126: {  	v40 =	vld [tilespmem:s21+$0x65E0]  }
0x127: {  	v41 =	vld [tilespmem:s21+$0x65F0]  }
0x128: {  	v42 =	vld [tilespmem:s21+$0x6660]  }
0x129: {  	v44 =	vld [tilespmem:s21+$0x6670]  }
0x12a: {  	v45 =	vld [tilespmem:s21+$0x66E0]  }
0x12b: {  	v46 =	vld [tilespmem:s21+$0x66F0]  }
0x12c: {  	v15 =	vadd.f32 v15, v23;
	v17 =	vadd.f32 v17, v24;
	v47 =	vld [tilespmem:s21+$0x6760]  }
0x12d: {  	v48 =	vld [tilespmem:s21+$0x6770];
	s20 =	sadd.s32 @!p0 s20, s8;
	v14 =	vadd.f32 v14, v25;
	v16 =	vadd.f32 v16, v26  }
0x12e: {  	v49 =	vld [tilespmem:s21+$0x67E0];
	s20 =	sshll.u32 @!p0 s20, $0x4;
	v7 =	vadd.f32 v7, v15;
	v9 =	vadd.f32 v9, v17  }
0x12f: {  	v50 =	vld [tilespmem:s21+$0x67F0];
	s21 =	simm.s32 @!p0 $0x0;
	s22 =	simm.s32 @!p0 $0x6400;
	v13 =	vadd.f32 v31, v13;
	s20 =	sadd.s32 @!p0 s1, s20;
	v10 =	vadd.f32 v10, v14  }
0x130: {  	v11 =	vadd.f32 v11, v16;
	v43 =	vadd.f32 v32, v20;
	[tilespmem:s22], [sflag:$0x2] =	stream.linear.gather @!p0 [hbm4b:s20+s21], $0x6400, $0x38;
	[tilespmem:$0xC880] =	vst v63  }
0x131: {  	v18 =	vadd.f32 v33, v18;
	v13 =	vadd.f32 v29, v13;
	v51 =	vld [tilespmem:$0xC800]  }
0x132: {  	v52 =	vld [tilespmem:$0xC810];
	v19 =	vadd.f32 v34, v19;
	v16 =	vadd.f32 v30, v43  }
0x133: {  	v56 =	vld [tilespmem:$0xC830];
	v18 =	vadd.f32 v35, v18;
	v13 =	vadd.f32 v27, v13  }
0x134: {  	v19 =	vadd.f32 v36, v19;
	v16 =	vadd.f32 v28, v16  }
0x135: {  	v18 =	vadd.f32 v37, v18;
	v13 =	vadd.f32 v21, v13  }
0x136: {  	v19 =	vadd.f32 v39, v19;
	v16 =	vadd.f32 v22, v16  }
0x137: {  	v7 =	vadd.f32 v51, v7;
	v9 =	vadd.f32 v52, v9  }
0x138: {  	v63 =	vadd.f32 v56, v11;
	v18 =	vadd.f32 v40, v18  }
0x139: {  	v8 =	vadd.f32 v8, v13;
	v15 =	vadd.f32 v41, v19  }
0x13a: {  	v53 =	vld [tilespmem:$0xC820];
	v12 =	vadd.f32 v12, v16;
	v14 =	vadd.f32 v42, v18  }
0x13b: {  	v5 =	vadd.f32 v5, v8;
	v15 =	vadd.f32 v44, v15  }
0x13c: {  	v57 =	vld [tilespmem:$0xC840];
	v6 =	vadd.f32 v6, v12;
	v54 =	vadd.f32 v45, v14  }
0x13d: {  	v59 =	vld [tilespmem:$0xC850];
	v3 =	vadd.f32 v3, v5;
	v55 =	vadd.f32 v46, v15  }
0x13e: {  	v61 =	vld [tilespmem:$0xC860];
	v4 =	vadd.f32 v4, v6;
	v58 =	vadd.f32 v47, v54  }
0x13f: {  	v62 =	vld [tilespmem:$0xC870];
	[tilespmem:$0xC800] =	vst v7;
	v1 =	vadd.f32 v1, v3;
	v3 =	vadd.f32 v53, v10  }
0x140: {  	s19 =	sadd.s32 $0x1, s19;
	[tilespmem:$0xC810] =	vst v9;
	v60 =	vadd.f32 v48, v55;
	v2 =	vadd.f32 v2, v4  }
0x141: {  	p0 =	sne.s32 s19, $0x5;
	[tilespmem:$0xC830] =	vst v63;
	v6 =	vadd.f32 v49, v58;
	v1 =	vadd.f32 v57, v1  }
.Ltmp2:
0x142: {  	[tilespmem:$0xC820] =	vst v3;
	v3 =	vadd.f32 v50, v60;
	v2 =	vadd.f32 v59, v2;
	(pc) =	sbr.rel @p0 .LBB2_2-.Ltmp2, $4  }
0x143: {  	[tilespmem:$0xC840] =	vst v1;
	v1 =	vadd.f32 v61, v6  }
0x144: {  	[tilespmem:$0xC850] =	vst v2;
	v2 =	vadd.f32 v62, v3  }
0x145: {  	[tilespmem:$0xC860] =	vst v1  }
0x146: {  	[tilespmem:$0xC870] =	vst v2  }
0x147: {  	s19 =	simm.s32 $0x0  }
0x148: {  	[tilespmem:s19], [sflag:$0x1] =	stream.linear.gather [hbm4b:s9+s19], $0x6400, $0x38;
	[tilespmem:$0xC880] =	vst v63  }
0x149: {  	_ = 	snop  }
0x14a: {  	[tilespmem:s13], [sflag:$0x2] =	stream.linear.gather [hbm4b:s10+s19], $0x6400, $0x38;
	[tilespmem:$0xC880] =	vst v63  }
.LBB2_8:
0x14b: {  	_ =	swait.ge [sflag:s14], $0x6400  }
0x14c: {  	[sflag:s14] =	ssyncset.done $0x0  }
0x14d: {  	s21 =	simm.s32 $0x0;
	[sflag:s14] =	ssyncadd.s32 $0xFFFF9C00  }
0x14e: {  	v7 =	vld [tilespmem:s21+$0x380]  }
0x14f: {  	v9 =	vld [tilespmem:s21+$0x390]  }
0x150: {  	v10 =	vld [tilespmem:s21+$0x3A0]  }
0x151: {  	v11 =	vld [tilespmem:s21+$0x3B0]  }
0x152: {  	v1 =	vld [tilespmem:s21+$0x3C0]  }
0x153: {  	v2 =	vld [tilespmem:s21+$0x3D0]  }
0x154: {  	v15 =	vld [tilespmem:s21+$0x300]  }
0x155: {  	v17 =	vld [tilespmem:s21+$0x310]  }
0x156: {  	v14 =	vld [tilespmem:s21+$0x320]  }
0x157: {  	v16 =	vld [tilespmem:s21+$0x330]  }
0x158: {  	v3 =	vld [tilespmem:s21+$0x340]  }
0x159: {  	v4 =	vld [tilespmem:s21+$0x350]  }
0x15a: {  	v18 =	vld [tilespmem:s21+$0x280]  }
0x15b: {  	v19 =	vld [tilespmem:s21+$0x290]  }
0x15c: {  	v20 =	vld [tilespmem:s21+$0x2A0]  }
0x15d: {  	v26 =	vld [tilespmem:s21+$0x2B0]  }
0x15e: {  	v5 =	vld [tilespmem:s21+$0x2C0]  }
0x15f: {  	v6 =	vld [tilespmem:s21+$0x2D0]  }
0x160: {  	v23 =	vld [tilespmem:s21+$0x200]  }
0x161: {  	v24 =	vld [tilespmem:s21+$0x210]  }
0x162: {  	v25 =	vld [tilespmem:s21+$0x220]  }
0x163: {  	v31 =	vld [tilespmem:s21+$0x230]  }
0x164: {  	v8 =	vld [tilespmem:s21+$0x240]  }
0x165: {  	v28 =	vld [tilespmem:s21+$0x180]  }
0x166: {  	v29 =	vld [tilespmem:s21+$0x190]  }
0x167: {  	v22 =	vld [tilespmem:s21+$0x100]  }
0x168: {  	v27 =	vld [tilespmem:s21+$0x110]  }
0x169: {  	v12 =	vld [tilespmem:s21+$0x80]  }
0x16a: {  	v21 =	vld [tilespmem:s21+$0x90]  }
0x16b: {  	v30 =	vld [tilespmem:s21+$0x0]  }
0x16c: {  	v32 =	vld [tilespmem:s21+$0x10]  }
0x16d: {  	v33 =	vld [tilespmem:s21+$0x20]  }
0x16e: {  	v34 =	vld [tilespmem:s21+$0x30]  }
0x16f: {  	v35 =	vld [tilespmem:s21+$0xA0]  }
0x170: {  	v36 =	vld [tilespmem:s21+$0xB0]  }
0x171: {  	v13 =	vimm.f32 $0.0e+00;
	v37 =	vld [tilespmem:s21+$0x120]  }
0x172: {  	v38 =	vld [tilespmem:s21+$0x130];
	v30 =	vadd.f32 v30, v13;
	v32 =	vadd.f32 v32, v13  }
0x173: {  	v39 =	vld [tilespmem:s21+$0x1A0];
	v33 =	vadd.f32 v33, v13;
	v34 =	vadd.f32 v34, v13  }
0x174: {  	v40 =	vld [tilespmem:s21+$0x1B0];
	v30 =	vadd.f32 v12, v30;
	v32 =	vadd.f32 v21, v32  }
0x175: {  	v12 =	vld [tilespmem:s21+$0x250];
	v33 =	vadd.f32 v35, v33;
	v34 =	vadd.f32 v36, v34  }
0x176: {  	v21 =	vld [tilespmem:s21+$0x1C0];
	v30 =	vadd.f32 v22, v30;
	v32 =	vadd.f32 v27, v32  }
0x177: {  	v22 =	vld [tilespmem:s21+$0x1D0];
	v33 =	vadd.f32 v37, v33;
	v34 =	vadd.f32 v38, v34  }
0x178: {  	v27 =	vld [tilespmem:s21+$0x140];
	v30 =	vadd.f32 v28, v30;
	v32 =	vadd.f32 v29, v32  }
0x179: {  	v28 =	vld [tilespmem:s21+$0x150];
	v33 =	vadd.f32 v39, v33;
	v34 =	vadd.f32 v40, v34  }
0x17a: {  	v29 =	vld [tilespmem:s21+$0xC0];
	v23 =	vadd.f32 v23, v30;
	v24 =	vadd.f32 v24, v32  }
0x17b: {  	v30 =	vld [tilespmem:s21+$0xD0];
	v25 =	vadd.f32 v25, v33;
	v63 =	vadd.f32 v31, v34  }
0x17c: {  	v31 =	vld [tilespmem:s21+$0x40];
	v23 =	vadd.f32 v18, v23;
	v24 =	vadd.f32 v19, v24  }
0x17d: {  	v32 =	vld [tilespmem:s21+$0x50];
	v25 =	vadd.f32 v20, v25;
	v26 =	vadd.f32 v26, v63  }
0x17e: {  	s20 =	simm.s32 $0x1000;
	v33 =	vld [tilespmem:s21+$0x60];
	v20 =	vimm.f32 $0.0e+00;
	v18 =	vimm.f32 $0.0e+00;
	v19 =	vimm.f32 $0.0e+00  }
.LBB2_9:
0x17f: {  	p0 =	sne.s32 s20, $0x18000;
	v34 =	vld [tilespmem:s21+$0x70];
	v15 =	vadd.f32 v15, v23;
	v17 =	vadd.f32 v17, v24  }
0x180: {  	v35 =	vld [tilespmem:s21+$0xE0];
	v14 =	vadd.f32 v14, v25;
	v16 =	vadd.f32 v16, v26  }
0x181: {  	v36 =	vld [tilespmem:s21+$0xF0];
	v23 =	vadd.f32 v7, v15;
	v24 =	vadd.f32 v9, v17  }
0x182: {  	v7 =	vld [tilespmem:s21+$0x160];
	v25 =	vadd.f32 v10, v14;
	v26 =	vadd.f32 v11, v16  }
0x183: {  	v9 =	vadd.f32 v31, v13;
	v10 =	vadd.f32 v32, v20;
	v11 =	vld [tilespmem:s21+$0x170]  }
0x184: {  	v13 =	vadd.f32 v33, v18;
	v14 =	vadd.f32 v34, v19;
	v15 =	vld [tilespmem:s21+$0x1E0]  }
0x185: {  	v9 =	vadd.f32 v29, v9;
	v10 =	vadd.f32 v30, v10;
	v16 =	vld [tilespmem:s21+$0x1F0]  }
0x186: {  	v13 =	vadd.f32 v35, v13;
	v14 =	vadd.f32 v36, v14;
	v17 =	vld [tilespmem:s21+$0x260]  }
0x187: {  	v9 =	vadd.f32 v27, v9;
	v10 =	vadd.f32 v28, v10;
	v18 =	vld [tilespmem:s21+$0x270]  }
0x188: {  	v7 =	vadd.f32 v7, v13;
	v11 =	vadd.f32 v11, v14;
	v13 =	vld [tilespmem:s21+$0x2E0]  }
0x189: {  	v9 =	vadd.f32 v21, v9;
	v10 =	vadd.f32 v22, v10;
	v14 =	vld [tilespmem:s21+$0x2F0]  }
0x18a: {  	v7 =	vadd.f32 v15, v7;
	v11 =	vadd.f32 v16, v11;
	v15 =	vld [tilespmem:s21+$0x360]  }
0x18b: {  	v8 =	vadd.f32 v8, v9;
	v9 =	vadd.f32 v12, v10;
	v12 =	vld [tilespmem:s21+$0x370]  }
0x18c: {  	v10 =	vadd.f32 v17, v7;
	v11 =	vadd.f32 v18, v11;
	v16 =	vld [tilespmem:s21+$0x3E0]  }
0x18d: {  	v5 =	vadd.f32 v5, v8;
	v6 =	vadd.f32 v6, v9;
	v8 =	vld [tilespmem:s21+$0x3F0];
	s21 =	sshra.s32 s20, $0x2  }
0x18e: {  	v13 =	vadd.f32 v13, v10;
	v7 =	vld [tilespmem:s21+$0x380];
	v11 =	vadd.f32 v14, v11  }
0x18f: {  	v3 =	vadd.f32 v3, v5;
	v4 =	vadd.f32 v4, v6;
	v9 =	vld [tilespmem:s21+$0x390]  }
0x190: {  	v5 =	vadd.f32 v15, v13;
	v10 =	vld [tilespmem:s21+$0x3A0];
	v6 =	vadd.f32 v12, v11  }
0x191: {  	v13 =	vadd.f32 v1, v3;
	v20 =	vadd.f32 v2, v4;
	v11 =	vld [tilespmem:s21+$0x3B0]  }
0x192: {  	v18 =	vadd.f32 v16, v5;
	v1 =	vld [tilespmem:s21+$0x3C0];
	v19 =	vadd.f32 v8, v6  }
0x193: {  	v2 =	vld [tilespmem:s21+$0x3D0]  }
0x194: {  	v15 =	vld [tilespmem:s21+$0x300]  }
0x195: {  	v17 =	vld [tilespmem:s21+$0x310]  }
0x196: {  	v14 =	vld [tilespmem:s21+$0x320]  }
0x197: {  	v16 =	vld [tilespmem:s21+$0x330]  }
0x198: {  	v3 =	vld [tilespmem:s21+$0x340]  }
0x199: {  	v4 =	vld [tilespmem:s21+$0x350]  }
0x19a: {  	v33 =	vld [tilespmem:s21+$0x280]  }
0x19b: {  	v34 =	vld [tilespmem:s21+$0x290]  }
0x19c: {  	v35 =	vld [tilespmem:s21+$0x2A0]  }
0x19d: {  	v36 =	vld [tilespmem:s21+$0x2B0]  }
0x19e: {  	v5 =	vld [tilespmem:s21+$0x2C0]  }
0x19f: {  	v6 =	vld [tilespmem:s21+$0x2D0]  }
0x1a0: {  	v31 =	vld [tilespmem:s21+$0x200]  }
0x1a1: {  	v32 =	vld [tilespmem:s21+$0x210]  }
0x1a2: {  	v37 =	vld [tilespmem:s21+$0x220]  }
0x1a3: {  	v38 =	vld [tilespmem:s21+$0x230]  }
0x1a4: {  	v8 =	vld [tilespmem:s21+$0x240]  }
0x1a5: {  	v12 =	vld [tilespmem:s21+$0x250]  }
0x1a6: {  	v29 =	vld [tilespmem:s21+$0x180]  }
0x1a7: {  	v30 =	vld [tilespmem:s21+$0x190]  }
0x1a8: {  	v22 =	vld [tilespmem:s21+$0x100]  }
0x1a9: {  	v27 =	vld [tilespmem:s21+$0x110]  }
0x1aa: {  	v21 =	vld [tilespmem:s21+$0x80]  }
0x1ab: {  	v28 =	vld [tilespmem:s21+$0x90]  }
0x1ac: {  	v39 =	vld [tilespmem:s21+$0x0]  }
0x1ad: {  	v40 =	vld [tilespmem:s21+$0x10]  }
0x1ae: {  	v41 =	vld [tilespmem:s21+$0x20]  }
0x1af: {  	v42 =	vld [tilespmem:s21+$0x30]  }
0x1b0: {  	v43 =	vld [tilespmem:s21+$0xA0]  }
0x1b1: {  	v44 =	vld [tilespmem:s21+$0xB0]  }
0x1b2: {  	v45 =	vld [tilespmem:s21+$0x120]  }
0x1b3: {  	v23 =	vadd.f32 v39, v23;
	v24 =	vadd.f32 v40, v24;
	v39 =	vld [tilespmem:s21+$0x130]  }
0x1b4: {  	v25 =	vadd.f32 v41, v25;
	v26 =	vadd.f32 v42, v26;
	v40 =	vld [tilespmem:s21+$0x1A0]  }
0x1b5: {  	v23 =	vadd.f32 v21, v23;
	v24 =	vadd.f32 v28, v24;
	v41 =	vld [tilespmem:s21+$0x1B0]  }
0x1b6: {  	v25 =	vadd.f32 v43, v25;
	v26 =	vadd.f32 v44, v26;
	v21 =	vld [tilespmem:s21+$0x1C0]  }
0x1b7: {  	v23 =	vadd.f32 v22, v23;
	v24 =	vadd.f32 v27, v24;
	v22 =	vld [tilespmem:s21+$0x1D0]  }
0x1b8: {  	v25 =	vadd.f32 v45, v25;
	v26 =	vadd.f32 v39, v26;
	v27 =	vld [tilespmem:s21+$0x140]  }
0x1b9: {  	v23 =	vadd.f32 v29, v23;
	v24 =	vadd.f32 v30, v24;
	v28 =	vld [tilespmem:s21+$0x150]  }
.Ltmp3:
0x1ba: {  	v25 =	vadd.f32 v40, v25;
	v29 =	vld [tilespmem:s21+$0xC0];
	v26 =	vadd.f32 v41, v26;
	(pc) =	sbr.rel @p0 .LBB2_9-.Ltmp3, $4  }
0x1bb: {  	v23 =	vadd.f32 v31, v23;
	v24 =	vadd.f32 v32, v24;
	v30 =	vld [tilespmem:s21+$0xD0]  }
0x1bc: {  	v25 =	vadd.f32 v37, v25;
	v31 =	vld [tilespmem:s21+$0x40];
	v26 =	vadd.f32 v38, v26  }
0x1bd: {  	v23 =	vadd.f32 v33, v23;
	v24 =	vadd.f32 v34, v24;
	v32 =	vld [tilespmem:s21+$0x50]  }
0x1be: {  	s20 =	sadd.s32 $0x1000, s20;
	v25 =	vadd.f32 v35, v25;
	v33 =	vld [tilespmem:s21+$0x60];
	v26 =	vadd.f32 v36, v26  }
0x1bf: {  	v34 =	vld [tilespmem:s21+$0x70]  }
0x1c0: {  	v35 =	vld [tilespmem:s21+$0xE0]  }
0x1c1: {  	v36 =	vld [tilespmem:s21+$0xF0]  }
0x1c2: {  	v37 =	vld [tilespmem:s21+$0x160]  }
0x1c3: {  	v15 =	vadd.f32 v15, v23;
	v17 =	vadd.f32 v17, v24;
	v23 =	vld [tilespmem:s21+$0x170]  }
0x1c4: {  	v24 =	vld [tilespmem:s21+$0x1E0];
	v14 =	vadd.f32 v14, v25;
	v16 =	vadd.f32 v16, v26  }
0x1c5: {  	v25 =	vld [tilespmem:s21+$0x2F0];
	v7 =	vadd.f32 v7, v15;
	v9 =	vadd.f32 v9, v17  }
0x1c6: {  	v26 =	vld [tilespmem:s21+$0x360];
	v13 =	vadd.f32 v31, v13;
	v10 =	vadd.f32 v10, v14  }
0x1c7: {  	v15 =	vld [tilespmem:s21+$0x1F0];
	v11 =	vadd.f32 v11, v16;
	v16 =	vadd.f32 v32, v20  }
0x1c8: {  	p0 =	seq.s32 s19, $0x4;
	v17 =	vld [tilespmem:s21+$0x270];
	v18 =	vadd.f32 v33, v18;
	v13 =	vadd.f32 v29, v13  }
0x1c9: {  	s20 =	smul.u32 @!p0 $0x190, s19;
	v14 =	vld [tilespmem:s21+$0x260];
	v19 =	vadd.f32 v34, v19;
	v16 =	vadd.f32 v30, v16  }
0x1ca: {  	v20 =	vld [tilespmem:s21+$0x2E0];
	v18 =	vadd.f32 v35, v18;
	v13 =	vadd.f32 v27, v13  }
0x1cb: {  	s22 =	sadd.s32 @!p0 s20, s7;
	v27 =	vld [tilespmem:s21+$0x370];
	v19 =	vadd.f32 v36, v19;
	v16 =	vadd.f32 v28, v16  }
0x1cc: {  	s22 =	sshll.u32 @!p0 s22, $0x4;
	v18 =	vadd.f32 v37, v18;
	v13 =	vadd.f32 v21, v13;
	v21 =	vld [tilespmem:s21+$0x3F0]  }
0x1cd: {  	v19 =	vadd.f32 v23, v19;
	v23 =	vld [tilespmem:s21+$0x3E0];
	s21 =	sadd.s32 @!p0 s3, s22;
	s22 =	simm.s32 @!p0 $0x0  }
0x1ce: {  	v16 =	vadd.f32 v22, v16;
	v18 =	vadd.f32 v24, v18;
	[tilespmem:s22], [sflag:$0x1] =	stream.linear.gather @!p0 [hbm4b:s21+s22], $0x6400, $0x38;
	[tilespmem:$0xC880] =	vst v63  }
0x1cf: {  	v8 =	vadd.f32 v8, v13;
	v15 =	vadd.f32 v15, v19;
	v13 =	vld [tilespmem:$0xC800]  }
0x1d0: {  	v12 =	vadd.f32 v12, v16;
	v16 =	vld [tilespmem:$0xC810];
	v14 =	vadd.f32 v14, v18  }
0x1d1: {  	v5 =	vadd.f32 v5, v8;
	v15 =	vadd.f32 v17, v15  }
0x1d2: {  	v8 =	vld [tilespmem:$0xC820];
	v6 =	vadd.f32 v6, v12;
	v12 =	vadd.f32 v20, v14  }
0x1d3: {  	v3 =	vadd.f32 v3, v5;
	v5 =	vld [tilespmem:$0xC840];
	v14 =	vadd.f32 v25, v15  }
0x1d4: {  	v15 =	vld [tilespmem:$0xC830];
	v4 =	vadd.f32 v4, v6;
	v6 =	vadd.f32 v26, v12  }
0x1d5: {  	v7 =	vadd.f32 v13, v7;
	v12 =	vld [tilespmem:$0xC850];
	v9 =	vadd.f32 v16, v9  }
0x1d6: {  	v1 =	vadd.f32 v1, v3;
	v13 =	vadd.f32 v27, v14;
	v14 =	vld [tilespmem:$0xC860]  }
0x1d7: {  	v3 =	vadd.f32 v8, v10;
	[tilespmem:$0xC800] =	vst v7;
	v7 =	vld [tilespmem:$0xC870]  }
0x1d8: {  	v2 =	vadd.f32 v2, v4;
	[tilespmem:$0xC810] =	vst v9;
	v1 =	vadd.f32 v5, v1  }
0x1d9: {  	v6 =	vadd.f32 v23, v6;
	[tilespmem:$0xC820] =	vst v3;
	v4 =	vadd.f32 v15, v11  }
0x1da: {  	v3 =	vadd.f32 v21, v13;
	v2 =	vadd.f32 v12, v2;
	[tilespmem:$0xC840] =	vst v1  }
0x1db: {  	[tilespmem:$0xC830] =	vst v4;
	v1 =	vadd.f32 v14, v6  }
0x1dc: {  	[tilespmem:$0xC850] =	vst v2;
	v2 =	vadd.f32 v7, v3  }
0x1dd: {  	[tilespmem:$0xC860] =	vst v1  }
0x1de: {  	[tilespmem:$0xC870] =	vst v2  }
0x1df: {  	_ =	swait.ge [sflag:s15], $0x6400  }
0x1e0: {  	[sflag:s15] =	ssyncset.done $0x0  }
0x1e1: {  	s21 =	simm.s32 $0x0;
	[sflag:s15] =	ssyncadd.s32 $0xFFFF9C00  }
0x1e2: {  	v7 =	vld [tilespmem:s21+$0x6780]  }
0x1e3: {  	v9 =	vld [tilespmem:s21+$0x6790]  }
0x1e4: {  	v10 =	vld [tilespmem:s21+$0x67A0]  }
0x1e5: {  	v11 =	vld [tilespmem:s21+$0x67B0]  }
0x1e6: {  	v1 =	vld [tilespmem:s21+$0x67C0]  }
0x1e7: {  	v2 =	vld [tilespmem:s21+$0x67D0]  }
0x1e8: {  	v15 =	vld [tilespmem:s21+$0x6700]  }
0x1e9: {  	v17 =	vld [tilespmem:s21+$0x6710]  }
0x1ea: {  	v14 =	vld [tilespmem:s21+$0x6720]  }
0x1eb: {  	v16 =	vld [tilespmem:s21+$0x6730]  }
0x1ec: {  	v3 =	vld [tilespmem:s21+$0x6740]  }
0x1ed: {  	v4 =	vld [tilespmem:s21+$0x6750]  }
0x1ee: {  	v18 =	vld [tilespmem:s21+$0x6680]  }
0x1ef: {  	v19 =	vld [tilespmem:s21+$0x6690]  }
0x1f0: {  	v20 =	vld [tilespmem:s21+$0x66A0]  }
0x1f1: {  	v26 =	vld [tilespmem:s21+$0x66B0]  }
0x1f2: {  	v5 =	vld [tilespmem:s21+$0x66C0]  }
0x1f3: {  	v6 =	vld [tilespmem:s21+$0x66D0]  }
0x1f4: {  	v23 =	vld [tilespmem:s21+$0x6600]  }
0x1f5: {  	v24 =	vld [tilespmem:s21+$0x6610]  }
0x1f6: {  	v25 =	vld [tilespmem:s21+$0x6620]  }
0x1f7: {  	v31 =	vld [tilespmem:s21+$0x6630]  }
0x1f8: {  	v8 =	vld [tilespmem:s21+$0x6640]  }
0x1f9: {  	v28 =	vld [tilespmem:s21+$0x6580]  }
0x1fa: {  	v29 =	vld [tilespmem:s21+$0x6590]  }
0x1fb: {  	v22 =	vld [tilespmem:s21+$0x6500]  }
0x1fc: {  	v27 =	vld [tilespmem:s21+$0x6510]  }
0x1fd: {  	v12 =	vld [tilespmem:s21+$0x6480]  }
0x1fe: {  	v21 =	vld [tilespmem:s21+$0x6490]  }
0x1ff: {  	v30 =	vld [tilespmem:s21+$0x6400]  }
0x200: {  	v57 =	vld [tilespmem:s21+$0x6410]  }
0x201: {  	v58 =	vld [tilespmem:s21+$0x6420]  }
0x202: {  	v59 =	vld [tilespmem:s21+$0x6430]  }
0x203: {  	v60 =	vld [tilespmem:s21+$0x64A0]  }
0x204: {  	v61 =	vld [tilespmem:s21+$0x64B0]  }
0x205: {  	v13 =	vimm.f32 $0.0e+00;
	v62 =	vld [tilespmem:s21+$0x6520]  }
0x206: {  	v38 =	vld [tilespmem:s21+$0x6530];
	v30 =	vadd.f32 v30, v13;
	v32 =	vadd.f32 v57, v13  }
0x207: {  	v39 =	vld [tilespmem:s21+$0x65A0];
	v33 =	vadd.f32 v58, v13;
	v34 =	vadd.f32 v59, v13  }
0x208: {  	v40 =	vld [tilespmem:s21+$0x65B0];
	v30 =	vadd.f32 v12, v30;
	v32 =	vadd.f32 v21, v32  }
0x209: {  	v12 =	vld [tilespmem:s21+$0x6650];
	v33 =	vadd.f32 v60, v33;
	v34 =	vadd.f32 v61, v34  }
0x20a: {  	v21 =	vld [tilespmem:s21+$0x65C0];
	v30 =	vadd.f32 v22, v30;
	v32 =	vadd.f32 v27, v32  }
0x20b: {  	v22 =	vld [tilespmem:s21+$0x65D0];
	v33 =	vadd.f32 v62, v33;
	v34 =	vadd.f32 v38, v34  }
0x20c: {  	v27 =	vld [tilespmem:s21+$0x6540];
	v30 =	vadd.f32 v28, v30;
	v32 =	vadd.f32 v29, v32  }
0x20d: {  	v28 =	vld [tilespmem:s21+$0x6550];
	v33 =	vadd.f32 v39, v33;
	v34 =	vadd.f32 v40, v34  }
0x20e: {  	v29 =	vld [tilespmem:s21+$0x64C0];
	v23 =	vadd.f32 v23, v30;
	v24 =	vadd.f32 v24, v32  }
0x20f: {  	v30 =	vld [tilespmem:s21+$0x64D0];
	v25 =	vadd.f32 v25, v33;
	v63 =	vadd.f32 v31, v34  }
0x210: {  	v31 =	vld [tilespmem:s21+$0x6440];
	v23 =	vadd.f32 v18, v23;
	v24 =	vadd.f32 v19, v24  }
0x211: {  	v32 =	vld [tilespmem:s21+$0x6450];
	v25 =	vadd.f32 v20, v25;
	v26 =	vadd.f32 v26, v63  }
0x212: {  	s22 =	simm.s32 $0x1000;
	v33 =	vld [tilespmem:s21+$0x6460];
	v20 =	vimm.f32 $0.0e+00;
	v18 =	vimm.f32 $0.0e+00;
	v19 =	vimm.f32 $0.0e+00  }
.LBB2_11:
0x213: {  	p1 =	sne.s32 s22, $0x18000;
	v34 =	vld [tilespmem:s21+$0x6470];
	v15 =	vadd.f32 v15, v23;
	v17 =	vadd.f32 v17, v24  }
0x214: {  	v35 =	vld [tilespmem:s21+$0x64E0];
	v14 =	vadd.f32 v14, v25;
	v16 =	vadd.f32 v16, v26  }
0x215: {  	v36 =	vld [tilespmem:s21+$0x64F0];
	v23 =	vadd.f32 v7, v15;
	v24 =	vadd.f32 v9, v17  }
0x216: {  	v7 =	vld [tilespmem:s21+$0x6560];
	v25 =	vadd.f32 v10, v14;
	v26 =	vadd.f32 v11, v16  }
0x217: {  	v9 =	vadd.f32 v31, v13;
	v10 =	vadd.f32 v32, v20;
	v11 =	vld [tilespmem:s21+$0x6570]  }
0x218: {  	v13 =	vadd.f32 v33, v18;
	v14 =	vadd.f32 v34, v19;
	v15 =	vld [tilespmem:s21+$0x65E0]  }
0x219: {  	v9 =	vadd.f32 v29, v9;
	v10 =	vadd.f32 v30, v10;
	v16 =	vld [tilespmem:s21+$0x65F0]  }
0x21a: {  	v13 =	vadd.f32 v35, v13;
	v14 =	vadd.f32 v36, v14;
	v17 =	vld [tilespmem:s21+$0x6660]  }
0x21b: {  	v9 =	vadd.f32 v27, v9;
	v10 =	vadd.f32 v28, v10;
	v18 =	vld [tilespmem:s21+$0x6670]  }
0x21c: {  	v7 =	vadd.f32 v7, v13;
	v11 =	vadd.f32 v11, v14;
	v13 =	vld [tilespmem:s21+$0x66E0]  }
0x21d: {  	v9 =	vadd.f32 v21, v9;
	v10 =	vadd.f32 v22, v10;
	v14 =	vld [tilespmem:s21+$0x66F0]  }
0x21e: {  	v7 =	vadd.f32 v15, v7;
	v11 =	vadd.f32 v16, v11;
	v15 =	vld [tilespmem:s21+$0x6760]  }
0x21f: {  	v8 =	vadd.f32 v8, v9;
	v9 =	vadd.f32 v12, v10;
	v12 =	vld [tilespmem:s21+$0x6770]  }
0x220: {  	v10 =	vadd.f32 v17, v7;
	v11 =	vadd.f32 v18, v11;
	v16 =	vld [tilespmem:s21+$0x67E0]  }
0x221: {  	v5 =	vadd.f32 v5, v8;
	v6 =	vadd.f32 v6, v9;
	v8 =	vld [tilespmem:s21+$0x67F0];
	s21 =	sshra.s32 s22, $0x2  }
0x222: {  	v13 =	vadd.f32 v13, v10;
	v7 =	vld [tilespmem:s21+$0x6780];
	v11 =	vadd.f32 v14, v11  }
0x223: {  	v3 =	vadd.f32 v3, v5;
	v4 =	vadd.f32 v4, v6;
	v9 =	vld [tilespmem:s21+$0x6790]  }
0x224: {  	v5 =	vadd.f32 v15, v13;
	v10 =	vld [tilespmem:s21+$0x67A0];
	v6 =	vadd.f32 v12, v11  }
0x225: {  	v13 =	vadd.f32 v1, v3;
	v20 =	vadd.f32 v2, v4;
	v11 =	vld [tilespmem:s21+$0x67B0]  }
0x226: {  	v18 =	vadd.f32 v16, v5;
	v1 =	vld [tilespmem:s21+$0x67C0];
	v19 =	vadd.f32 v8, v6  }
0x227: {  	v2 =	vld [tilespmem:s21+$0x67D0]  }
0x228: {  	v15 =	vld [tilespmem:s21+$0x6700]  }
0x229: {  	v17 =	vld [tilespmem:s21+$0x6710]  }
0x22a: {  	v14 =	vld [tilespmem:s21+$0x6720]  }
0x22b: {  	v16 =	vld [tilespmem:s21+$0x6730]  }
0x22c: {  	v3 =	vld [tilespmem:s21+$0x6740]  }
0x22d: {  	v4 =	vld [tilespmem:s21+$0x6750]  }
0x22e: {  	v33 =	vld [tilespmem:s21+$0x6680]  }
0x22f: {  	v34 =	vld [tilespmem:s21+$0x6690]  }
0x230: {  	v35 =	vld [tilespmem:s21+$0x66A0]  }
0x231: {  	v36 =	vld [tilespmem:s21+$0x66B0]  }
0x232: {  	v5 =	vld [tilespmem:s21+$0x66C0]  }
0x233: {  	v6 =	vld [tilespmem:s21+$0x66D0]  }
0x234: {  	v31 =	vld [tilespmem:s21+$0x6600]  }
0x235: {  	v32 =	vld [tilespmem:s21+$0x6610]  }
0x236: {  	v37 =	vld [tilespmem:s21+$0x6620]  }
0x237: {  	v38 =	vld [tilespmem:s21+$0x6630]  }
0x238: {  	v8 =	vld [tilespmem:s21+$0x6640]  }
0x239: {  	v12 =	vld [tilespmem:s21+$0x6650]  }
0x23a: {  	v29 =	vld [tilespmem:s21+$0x6580]  }
0x23b: {  	v30 =	vld [tilespmem:s21+$0x6590]  }
0x23c: {  	v22 =	vld [tilespmem:s21+$0x6500]  }
0x23d: {  	v27 =	vld [tilespmem:s21+$0x6510]  }
0x23e: {  	v21 =	vld [tilespmem:s21+$0x6480]  }
0x23f: {  	v28 =	vld [tilespmem:s21+$0x6490]  }
0x240: {  	v39 =	vld [tilespmem:s21+$0x6400]  }
0x241: {  	v40 =	vld [tilespmem:s21+$0x6410]  }
0x242: {  	v41 =	vld [tilespmem:s21+$0x6420]  }
0x243: {  	v42 =	vld [tilespmem:s21+$0x6430]  }
0x244: {  	v43 =	vld [tilespmem:s21+$0x64A0]  }
0x245: {  	v44 =	vld [tilespmem:s21+$0x64B0]  }
0x246: {  	v45 =	vld [tilespmem:s21+$0x6520]  }
0x247: {  	v23 =	vadd.f32 v39, v23;
	v24 =	vadd.f32 v40, v24;
	v39 =	vld [tilespmem:s21+$0x6530]  }
0x248: {  	v25 =	vadd.f32 v41, v25;
	v26 =	vadd.f32 v42, v26;
	v40 =	vld [tilespmem:s21+$0x65A0]  }
0x249: {  	v23 =	vadd.f32 v21, v23;
	v24 =	vadd.f32 v28, v24;
	v41 =	vld [tilespmem:s21+$0x65B0]  }
0x24a: {  	v25 =	vadd.f32 v43, v25;
	v26 =	vadd.f32 v44, v26;
	v21 =	vld [tilespmem:s21+$0x65C0]  }
0x24b: {  	v23 =	vadd.f32 v22, v23;
	v24 =	vadd.f32 v27, v24;
	v22 =	vld [tilespmem:s21+$0x65D0]  }
0x24c: {  	v25 =	vadd.f32 v45, v25;
	v26 =	vadd.f32 v39, v26;
	v27 =	vld [tilespmem:s21+$0x6540]  }
0x24d: {  	v23 =	vadd.f32 v29, v23;
	v24 =	vadd.f32 v30, v24;
	v28 =	vld [tilespmem:s21+$0x6550]  }
.Ltmp4:
0x24e: {  	v25 =	vadd.f32 v40, v25;
	v29 =	vld [tilespmem:s21+$0x64C0];
	v26 =	vadd.f32 v41, v26;
	(pc) =	sbr.rel @p1 .LBB2_11-.Ltmp4, $4  }
0x24f: {  	v23 =	vadd.f32 v31, v23;
	v24 =	vadd.f32 v32, v24;
	v30 =	vld [tilespmem:s21+$0x64D0]  }
0x250: {  	v25 =	vadd.f32 v37, v25;
	v31 =	vld [tilespmem:s21+$0x6440];
	v26 =	vadd.f32 v38, v26  }
0x251: {  	v23 =	vadd.f32 v33, v23;
	v24 =	vadd.f32 v34, v24;
	v32 =	vld [tilespmem:s21+$0x6450]  }
0x252: {  	s22 =	sadd.s32 $0x1000, s22;
	v25 =	vadd.f32 v35, v25;
	v33 =	vld [tilespmem:s21+$0x6460];
	v26 =	vadd.f32 v36, v26  }
0x253: {  	v34 =	vld [tilespmem:s21+$0x6470]  }
0x254: {  	v35 =	vld [tilespmem:s21+$0x64E0]  }
0x255: {  	v36 =	vld [tilespmem:s21+$0x64F0]  }
0x256: {  	v37 =	vld [tilespmem:s21+$0x6560]  }
0x257: {  	v39 =	vld [tilespmem:s21+$0x6570]  }
0x258: {  	v40 =	vld [tilespmem:s21+$0x65E0]  }
0x259: {  	v41 =	vld [tilespmem:s21+$0x65F0]  }
0x25a: {  	v42 =	vld [tilespmem:s21+$0x6660]  }
0x25b: {  	v44 =	vld [tilespmem:s21+$0x6670]  }
0x25c: {  	v45 =	vld [tilespmem:s21+$0x66E0]  }
0x25d: {  	v46 =	vld [tilespmem:s21+$0x66F0]  }
0x25e: {  	v15 =	vadd.f32 v15, v23;
	v17 =	vadd.f32 v17, v24;
	v47 =	vld [tilespmem:s21+$0x6760]  }
0x25f: {  	v48 =	vld [tilespmem:s21+$0x6770];
	s20 =	sadd.s32 @!p0 s20, s8;
	v14 =	vadd.f32 v14, v25;
	v16 =	vadd.f32 v16, v26  }
0x260: {  	v49 =	vld [tilespmem:s21+$0x67E0];
	s20 =	sshll.u32 @!p0 s20, $0x4;
	v7 =	vadd.f32 v7, v15;
	v9 =	vadd.f32 v9, v17  }
0x261: {  	v50 =	vld [tilespmem:s21+$0x67F0];
	s21 =	simm.s32 @!p0 $0x0;
	s22 =	simm.s32 @!p0 $0x6400;
	v13 =	vadd.f32 v31, v13;
	s20 =	sadd.s32 @!p0 s3, s20;
	v10 =	vadd.f32 v10, v14  }
0x262: {  	v11 =	vadd.f32 v11, v16;
	v43 =	vadd.f32 v32, v20;
	[tilespmem:s22], [sflag:$0x2] =	stream.linear.gather @!p0 [hbm4b:s20+s21], $0x6400, $0x38;
	[tilespmem:$0xC880] =	vst v63  }
0x263: {  	v18 =	vadd.f32 v33, v18;
	v13 =	vadd.f32 v29, v13;
	v51 =	vld [tilespmem:$0xC800]  }
0x264: {  	v52 =	vld [tilespmem:$0xC810];
	v19 =	vadd.f32 v34, v19;
	v16 =	vadd.f32 v30, v43  }
0x265: {  	v56 =	vld [tilespmem:$0xC830];
	v18 =	vadd.f32 v35, v18;
	v13 =	vadd.f32 v27, v13  }
0x266: {  	v19 =	vadd.f32 v36, v19;
	v16 =	vadd.f32 v28, v16  }
0x267: {  	v18 =	vadd.f32 v37, v18;
	v13 =	vadd.f32 v21, v13  }
0x268: {  	v19 =	vadd.f32 v39, v19;
	v16 =	vadd.f32 v22, v16  }
0x269: {  	v7 =	vadd.f32 v51, v7;
	v9 =	vadd.f32 v52, v9  }
0x26a: {  	v63 =	vadd.f32 v56, v11;
	v18 =	vadd.f32 v40, v18  }
0x26b: {  	v8 =	vadd.f32 v8, v13;
	v15 =	vadd.f32 v41, v19  }
0x26c: {  	v53 =	vld [tilespmem:$0xC820];
	v12 =	vadd.f32 v12, v16;
	v14 =	vadd.f32 v42, v18  }
0x26d: {  	v5 =	vadd.f32 v5, v8;
	v15 =	vadd.f32 v44, v15  }
0x26e: {  	v57 =	vld [tilespmem:$0xC840];
	v6 =	vadd.f32 v6, v12;
	v54 =	vadd.f32 v45, v14  }
0x26f: {  	v59 =	vld [tilespmem:$0xC850];
	v3 =	vadd.f32 v3, v5;
	v55 =	vadd.f32 v46, v15  }
0x270: {  	v61 =	vld [tilespmem:$0xC860];
	v4 =	vadd.f32 v4, v6;
	v58 =	vadd.f32 v47, v54  }
0x271: {  	v62 =	vld [tilespmem:$0xC870];
	[tilespmem:$0xC800] =	vst v7;
	v1 =	vadd.f32 v1, v3;
	v3 =	vadd.f32 v53, v10  }
0x272: {  	s19 =	sadd.s32 $0x1, s19;
	[tilespmem:$0xC810] =	vst v9;
	v60 =	vadd.f32 v48, v55;
	v2 =	vadd.f32 v2, v4  }
0x273: {  	p0 =	sne.s32 s19, $0x5;
	[tilespmem:$0xC830] =	vst v63;
	v6 =	vadd.f32 v49, v58;
	v1 =	vadd.f32 v57, v1  }
.Ltmp5:
0x274: {  	[tilespmem:$0xC820] =	vst v3;
	v3 =	vadd.f32 v50, v60;
	v2 =	vadd.f32 v59, v2;
	(pc) =	sbr.rel @p0 .LBB2_8-.Ltmp5, $4  }
0x275: {  	[tilespmem:$0xC840] =	vst v1;
	v1 =	vadd.f32 v61, v6  }
0x276: {  	[tilespmem:$0xC850] =	vst v2;
	v2 =	vadd.f32 v62, v3  }
0x277: {  	[tilespmem:$0xC860] =	vst v1  }
0x278: {  	[tilespmem:$0xC870] =	vst v2  }
0x279: {  	s18 =	sadd.s32 $0x1, s18  }
0x27a: {  	p0 =	sne.s32 s18, s12  }
.Ltmp6:
0x27b: {  	_ = 	snop;
	(pc) =	sbr.rel @p0 .LBB2_1-.Ltmp6, $4  }
0x27c: {  	[hbm4b:s11+s4] =	stream.linear.scatter [tilespmem:s16], [sflag:$0x3], $0x80, $0x38;
	[tilespmem:$0xC880] =	vst v63  }
0x27d: {  	_ =	swait.ge [sflag:s17], $0x80  }
0x27e: {  	[sflag:s17] =	ssyncset.done $0x0  }
0x27f: {  	[sflag:s17] =	ssyncadd.s32 $0xFFFFFF80  }
0x280: {  	_ =	sfence.sel $0x180000  }
0x281: {  	[bflag:$0x0] =	sbarrier.arrive $0xFFFF  }
0x282: {  	p0 =	sne.s32 s0, $0x0;
	_ =	strace $0x90000047  }
0x283: {  	s0 =	sadd.s32 @!p0 $0x100000, s2;
	[bflag:$0x2] =	sbarrier.arrive $0xFFFF  }
0x284: {  	[sflag:s0] =	ssyncadd.tile.s32 @!p0 $0x1;
	_ =	shalt  }
.Lfunc_end2:
_tile_overlayer_lowered:
.L_overlay_start_2:
0x285: {  	(tag) =	ssettag $0x2  }
0x286: {  	s0 =	rddreg [dreg:$0x0];
	s2 =	stileid.u32  }
0x287: {  	s1 =	rddreg [dreg:$0x1];
	p0 =	sne.s32 s2, $0x0  }
0x288: {  	s3 =	rddreg [dreg:$0x2];
	[bflag:$0x3] =	sbarrier.arrive $0xFFFF;
	s2 =	simm.s32 @!p0 $0x1C03  }
0x289: {  	[timem:s3], [sflag:s2] =	dma.local @!p0 [hbm:s0], s1  }
0x28a: {  	s0 =	simm.s32 @!p0 $0x3  }
0x28b: {  	_ =	swait.ge @!p0 [sflag:s0], s1  }
0x28c: {  	s1 =	ssub.s32 @!p0 $0x0, s1;
	[sflag:s0] =	ssyncset.done @!p0 $0x0  }
0x28d: {  	[sflag:s0] =	ssyncadd.s32 @!p0 s1  }
0x28e: {  	[bflag:$0x3] =	sbarrier.arrive $0xFFFF  }
0x28f: {  	_ =	shalt  }

</sc_bundles>
